<compile_context>
chip_gen: v7x
topology: tpu7x:2x2x1
jax: 0.10.2.dev20260603
libtpu: 0.0.44.dev20260713+nightly
codegen_flags: <defaults>
</compile_context>

<pallas_src>
import functools

import jax
import jax.numpy as jnp
from jax import lax
from jax.experimental import pallas as pl
from jax.experimental.pallas import tpu as pltpu
from jax.experimental.pallas import tpu_sc as plsc

B = 16384
L = 200
LP = 208
EMB = 16
HID = 200
NCLS = 1000

NUM_VOCAB_P1 = 1000001

NC = 2
NS = 16
NW = NC * NS
ROWS_PER_W = B // NW
RB = 8
CHUNK = RB * LP
GW = 128
NG = CHUNK // GW
N_CHUNKS = ROWS_PER_W // RB


VC = 8192
NVB = 123
V_PAD = NVB * VC


def _linearize_table(emb):

    def body(in_ref, out_ref):
        eye = jnp.eye(EMB, dtype=jnp.float32)
        t = lax.dot_general(
            in_ref[...], eye, (((0,), (0,)), ((), ())),
            preferred_element_type=jnp.float32,
        ).reshape(VC // 8, 8, EMB)
        for k in range(8):
            out_ref[:, k * EMB:(k + 1) * EMB] = t[:, k, :]

    out = pl.pallas_call(
        body,
        grid=(NVB,),
        in_specs=[pl.BlockSpec((EMB, VC), lambda i: (0, i))],
        out_specs=pl.BlockSpec((VC // 8, 128), lambda i: (i, 0)),
        out_shape=jax.ShapeDtypeStruct((V_PAD // 8, 128), jnp.float32),
    )(emb.T)
    return out.reshape(V_PAD, EMB)


def _sc_pool(x_flat, emb):
    mesh = plsc.VectorSubcoreMesh(core_axis_name="c", subcore_axis_name="s")

    @functools.partial(
        pl.kernel,
        mesh=mesh,
        compiler_params=pltpu.CompilerParams(use_tc_tiling_on_sc=False),
        out_type=jax.ShapeDtypeStruct((B, EMB), jnp.float32),
        scratch_types=[
            pltpu.VMEM((2, CHUNK), jnp.int32),
            pltpu.VMEM((2 * CHUNK, EMB), jnp.float32),
            pltpu.VMEM((ROWS_PER_W, EMB), jnp.float32),
            pltpu.SemaphoreType.DMA,
            pltpu.SemaphoreType.DMA,
        ],
    )
    def k(x_hbm, emb_hbm, out_hbm, idx_v, rows_v, acc_v, sem0, sem1):
        wid = lax.axis_index("s") * NC + lax.axis_index("c")
        base_row = wid * ROWS_PER_W
        sems = (sem0, sem1)

        def fire(chunk, buf):
            row0 = base_row + chunk * RB
            pltpu.sync_copy(x_hbm.at[pl.ds(row0 * LP, CHUNK)], idx_v.at[buf])
            for g in range(NG):
                pltpu.async_copy(
                    emb_hbm.at[idx_v.at[buf, pl.ds(g * GW, GW)]],
                    rows_v.at[pl.ds(buf * CHUNK + g * GW, GW)],
                    sems[buf],
                )

        def drain(buf):
            for g in range(NG):
                pltpu.make_async_copy(
                    emb_hbm.at[idx_v.at[buf, pl.ds(g * GW, GW)]],
                    rows_v.at[pl.ds(buf * CHUNK + g * GW, GW)],
                    sems[buf],
                ).wait()

        def accum(chunk, buf):
            for r in range(RB):
                base = buf * CHUNK + r * LP

                def body(j, accs):
                    a0, a1, a2, a3 = accs
                    o = base + j * 4
                    return (
                        a0 + rows_v[o, :],
                        a1 + rows_v[o + 1, :],
                        a2 + rows_v[o + 2, :],
                        a3 + rows_v[o + 3, :],
                    )

                z = jnp.zeros((EMB,), jnp.float32)
                a0, a1, a2, a3 = lax.fori_loop(0, LP // 4, body, (z, z, z, z))
                acc_v[chunk * RB + r, :] = (a0 + a1) + (a2 + a3)

        fire(0, 0)

        @pl.loop(0, N_CHUNKS, step=2)
        def _(c):
            fire(c + 1, 1)
            drain(0)
            accum(c, 0)
            fire(jnp.minimum(c + 2, N_CHUNKS - 2), 0)
            drain(1)
            accum(c + 1, 1)

        drain(0)
        pltpu.sync_copy(acc_v, out_hbm.at[pl.ds(base_row, ROWS_PER_W)])

    return k(x_flat, emb)


BB = 512


def _tc_head(sums, xp, W1, b1, W2, b2):

    def body(sums_ref, x_ref, w1_ref, b1_ref, w2_ref, b2_ref, out_ref):
        xi = x_ref[...]
        nz = jnp.sum((xi != 0).astype(jnp.float32), axis=1, keepdims=True)
        e = sums_ref[...] / nz
        norm = jnp.sqrt(jnp.sum(e * e, axis=1, keepdims=True))
        e = e / jnp.maximum(norm, 1e-12)
        h = lax.dot_general(
            e, w1_ref[...], (((1,), (1,)), ((), ())),
            preferred_element_type=jnp.float32,
        ) + b1_ref[...]
        h = jnp.maximum(h, 0.0)
        logits = lax.dot_general(
            w2_ref[...].astype(jnp.bfloat16),
            h.astype(jnp.bfloat16),
            (((1,), (1,)), ((), ())),
            preferred_element_type=jnp.float32,
        ) + b2_ref[...]
        m = jnp.max(logits, axis=0, keepdims=True)
        ex = jnp.exp(logits - m)
        out_ref[...] = ex / jnp.sum(ex, axis=0, keepdims=True)

    return pl.pallas_call(
        body,
        grid=(B // BB,),
        in_specs=[
            pl.BlockSpec((BB, EMB), lambda i: (i, 0)),
            pl.BlockSpec((BB, LP), lambda i: (i, 0)),
            pl.BlockSpec((HID, EMB), lambda i: (0, 0)),
            pl.BlockSpec((1, HID), lambda i: (0, 0)),
            pl.BlockSpec((NCLS, HID), lambda i: (0, 0)),
            pl.BlockSpec((NCLS, 1), lambda i: (0, 0)),
        ],
        out_specs=pl.BlockSpec((NCLS, BB), lambda i: (0, i)),
        out_shape=jax.ShapeDtypeStruct((NCLS, B), jnp.float32),
    )(sums, xp, W1, b1.reshape(1, HID), W2, b2.reshape(NCLS, 1))


def kernel(x, emb, W1, b1, W2, b2):
    xp = jnp.pad(x, ((0, 0), (0, LP - L)))
    x_flat = xp.reshape(-1)
    sums = _sc_pool(x_flat, _linearize_table(emb))
    return _tc_head(sums, xp, W1, b1, W2, b2).T

# --- scband reference (transcript-rebuilt; emitter-appended) ---
"""Pipeline reference for scband-model-6390911337259 (READ-ONLY COPY).

The authoritative reference and input builder live on the scoring server;
editing this copy changes nothing except your own understanding.
"""

import jax, jax.numpy as jnp
import numpy as np

NUM_VOCAB = 1000000
NUM_CLASS = 1000
EMB_DIM = 16
HID = 200
BATCH = 16384
HIST = 200


def setup_inputs(seed: int = 0) -> dict:
    key = jax.random.key(seed)
    k1, k2, k3, k4, k5 = jax.random.split(key, 5)
    # indices in [0, NUM_VOCAB); 0 is the padding index
    x = jax.random.randint(k1, (BATCH, HIST), 0, NUM_VOCAB)
    emb = jax.random.normal(k2, (NUM_VOCAB + 1, EMB_DIM), dtype=jnp.float32) * 0.05
    emb = emb.at[0].set(0.0)  # padding_idx=0 row is zeros
    W1 = jax.random.normal(k3, (HID, EMB_DIM), dtype=jnp.float32) * 0.05
    b1 = jnp.zeros((HID,), dtype=jnp.float32)
    W2 = jax.random.normal(k4, (NUM_CLASS, HID), dtype=jnp.float32) * 0.05
    b2 = jnp.zeros((NUM_CLASS,), dtype=jnp.float32)
    return {"x": x, "emb": emb, "W1": W1, "b1": b1, "W2": W2, "b2": b2}


def reference(x, emb, W1, b1, W2, b2):
    # count_nonzero per row (padding tokens are index 0)
    nz = jnp.count_nonzero(x, axis=1).astype(jnp.float32).reshape(-1, 1)
    # embedding lookup: gather rows from table
    e = jnp.take(emb, x, axis=0)          # [B, L, 16]
    e = e.sum(axis=1) / nz                 # mean over non-padding tokens
    # F.normalize(dim=1): L2 normalize with eps=1e-12
    norm = jnp.linalg.norm(e, axis=1, keepdims=True)
    e = e / jnp.maximum(norm, 1e-12)
    h = jax.nn.relu(e @ W1.T + b1)
    # dropout is identity at inference
    logits = h @ W2.T + b2
    return jax.nn.softmax(logits, axis=-1)

if __name__ == "__main__":
    import jax
    _d = setup_inputs()
    print(jax.jit(kernel)(*tuple(_d.values())))

</pallas_src>

<mosaic_0001>
#map = affine_map<(d0, d1) -> (0)>
#map1 = affine_map<(d0, d1) -> (0, 0)>
module attributes {stable_mosaic.version = 14 : i64} {
  func.func @k(%arg0: i32, %arg1: i32, %arg2: memref<3407872xi32, #tpu.memory_space<hbm>>, %arg3: memref<1007616x16xf32, #tpu.memory_space<hbm>>, %arg4: memref<16384x16xf32, #tpu.memory_space<hbm>>, %arg5: memref<2x1664xi32, #tpu.memory_space<vmem>>, %arg6: memref<3328x16xf32, #tpu.memory_space<vmem>>, %arg7: memref<512x16xf32, #tpu.memory_space<vmem>>, %arg8: memref<!tpu.dma_semaphore, #tpu.memory_space<semaphore_mem>>, %arg9: memref<!tpu.dma_semaphore, #tpu.memory_space<semaphore_mem>>) attributes {dimension_semantics = [#tpu.dimension_semantics<core_parallel>, #tpu.dimension_semantics<subcore_parallel>], iteration_bounds = array<i64: 2, 16>, scalar_prefetch = 0 : i64, scratch_operands = 5 : i64, tpu.core_type = #tpu.core_type<sc_vector_subcore>, window_params = [{transform_indices = #map}, {transform_indices = #map1}, {transform_indices = #map1}]} {
    %mul3A = arith.constant 2 : i32
    %mul3A_0 = arith.muli %arg1, %mul3A : i32
    %add3A = arith.addi %mul3A_0, %arg0 : i32
    %mul3A_1 = arith.constant 512 : i32
    %mul3A_2 = arith.muli %add3A, %mul3A_1 : i32
    %add3A_3 = arith.constant 0 : i32
    %add3A_4 = arith.addi %mul3A_2, %add3A_3 : i32
    %mul3A_5 = arith.constant 208 : i32
    %mul3A_6 = arith.muli %add3A_4, %mul3A_5 : i32
    %run_scoped3A = arith.constant 0 : i32
    "tpu.region"() ({
      %run_scoped3A_269 = tpu.sem_alloc : memref<!tpu.dma_semaphore, #tpu.memory_space<semaphore_mem>>
      %dma_start3A_270 = arith.constant 0 : i32
      %dma_start3A_271 = tpu.memref_slice %arg5[%run_scoped3A, %dma_start3A_270] : memref<2x1664xi32, #tpu.memory_space<vmem>> -> memref<1x1664xi32, #tpu.memory_space<vmem>>
      %dma_start3A_272 = tpu.memref_squeeze %dma_start3A_271 : memref<1x1664xi32, #tpu.memory_space<vmem>> -> memref<1664xi32, #tpu.memory_space<vmem>>
      %dma_start3A_273 = tpu.memref_slice %arg2[%mul3A_6] : memref<3407872xi32, #tpu.memory_space<hbm>> -> memref<1664xi32, #tpu.memory_space<hbm>>
      %dma_start3A_274 = arith.constant 0 : i32
      %dma_start3A_275 = tpu.memref_slice %arg5[%run_scoped3A, %dma_start3A_274] : memref<2x1664xi32, #tpu.memory_space<vmem>> -> memref<1x1664xi32, #tpu.memory_space<vmem>>
      %dma_start3A_276 = tpu.memref_squeeze %dma_start3A_275 : memref<1x1664xi32, #tpu.memory_space<vmem>> -> memref<1664xi32, #tpu.memory_space<vmem>>
      %dma_start3A_277 = tpu.memref_slice %arg2[%mul3A_6] : memref<3407872xi32, #tpu.memory_space<hbm>> -> memref<1664xi32, #tpu.memory_space<hbm>>
      tpu.enqueue_dma source(%dma_start3A_277 : memref<1664xi32, #tpu.memory_space<hbm>>) target(%dma_start3A_276 : memref<1664xi32, #tpu.memory_space<vmem>>) target_semaphore(%run_scoped3A_269 : memref<!tpu.dma_semaphore, #tpu.memory_space<semaphore_mem>>)
      %dma_wait3A_278 = arith.constant 0 : i32
      %dma_wait3A_279 = tpu.memref_slice %arg5[%run_scoped3A, %dma_wait3A_278] : memref<2x1664xi32, #tpu.memory_space<vmem>> -> memref<1x1664xi32, #tpu.memory_space<vmem>>
      %dma_wait3A_280 = tpu.memref_squeeze %dma_wait3A_279 : memref<1x1664xi32, #tpu.memory_space<vmem>> -> memref<1664xi32, #tpu.memory_space<vmem>>
      %dma_wait3A_281 = tpu.memref_slice %arg2[%mul3A_6] : memref<3407872xi32, #tpu.memory_space<hbm>> -> memref<1664xi32, #tpu.memory_space<hbm>>
      %dma_wait3A_282 = arith.constant 0 : i32
      %dma_wait3A_283 = tpu.memref_slice %arg5[%run_scoped3A, %dma_wait3A_282] : memref<2x1664xi32, #tpu.memory_space<vmem>> -> memref<1x1664xi32, #tpu.memory_space<vmem>>
      %dma_wait3A_284 = tpu.memref_squeeze %dma_wait3A_283 : memref<1x1664xi32, #tpu.memory_space<vmem>> -> memref<1664xi32, #tpu.memory_space<vmem>>
      %dma_wait3A_285 = tpu.memref_slice %arg2[%mul3A_6] : memref<3407872xi32, #tpu.memory_space<hbm>> -> memref<1664xi32, #tpu.memory_space<hbm>>
      tpu.wait_dma2 semaphore(%run_scoped3A_269 : memref<!tpu.dma_semaphore, #tpu.memory_space<semaphore_mem>>) src(%dma_wait3A_285 : memref<1664xi32, #tpu.memory_space<hbm>>) dst(%dma_wait3A_284 : memref<1664xi32, #tpu.memory_space<vmem>>)
      tpu.yield
    }) : () -> ()
    %dma_start3A = arith.constant 0 : i32
    %dma_start3A_7 = arith.constant 0 : i32
    %dma_start3A_8 = arith.constant 0 : i32
    %dma_start3A_9 = tpu.memref_slice %arg6[%dma_start3A_7, %dma_start3A_8] : memref<3328x16xf32, #tpu.memory_space<vmem>> -> memref<128x16xf32, #tpu.memory_space<vmem>>
    %dma_start3A_10 = arith.constant 0 : i32
    %dma_start3A_11 = tpu.memref_slice %arg5[%dma_start3A, %dma_start3A_10] : memref<2x1664xi32, #tpu.memory_space<vmem>> -> memref<1x128xi32, #tpu.memory_space<vmem>>
    %dma_start3A_12 = tpu.memref_squeeze %dma_start3A_11 : memref<1x128xi32, #tpu.memory_space<vmem>> -> memref<128xi32, #tpu.memory_space<vmem>>
    %dma_start3A_13 = arith.constant 0 : i32
    %dma_start3A_14 = arith.constant 0 : i32
    %dma_start3A_15 = tpu.memref_slice %arg3[%dma_start3A_13, %dma_start3A_14] : memref<1007616x16xf32, #tpu.memory_space<hbm>> -> memref<1007616x16xf32, #tpu.memory_space<hbm>>
    tpu.enqueue_indirect_dma source(%dma_start3A_15 : memref<1007616x16xf32, #tpu.memory_space<hbm>>) target(%dma_start3A_9 : memref<128x16xf32, #tpu.memory_space<vmem>>) offsets(%dma_start3A_12 : memref<128xi32, #tpu.memory_space<vmem>>) semaphore(%arg8 : memref<!tpu.dma_semaphore, #tpu.memory_space<semaphore_mem>>)
    %dma_start3A_16 = arith.constant 0 : i32
    %dma_start3A_17 = arith.constant 128 : i32
    %dma_start3A_18 = arith.constant 0 : i32
    %dma_start3A_19 = tpu.memref_slice %arg6[%dma_start3A_17, %dma_start3A_18] : memref<3328x16xf32, #tpu.memory_space<vmem>> -> memref<128x16xf32, #tpu.memory_space<vmem>>
    %dma_start3A_20 = arith.constant 128 : i32
    %dma_start3A_21 = tpu.memref_slice %arg5[%dma_start3A_16, %dma_start3A_20] : memref<2x1664xi32, #tpu.memory_space<vmem>> -> memref<1x128xi32, #tpu.memory_space<vmem>>
    %dma_start3A_22 = tpu.memref_squeeze %dma_start3A_21 : memref<1x128xi32, #tpu.memory_space<vmem>> -> memref<128xi32, #tpu.memory_space<vmem>>
    %dma_start3A_23 = arith.constant 0 : i32
    %dma_start3A_24 = arith.constant 0 : i32
    %dma_start3A_25 = tpu.memref_slice %arg3[%dma_start3A_23, %dma_start3A_24] : memref<1007616x16xf32, #tpu.memory_space<hbm>> -> memref<1007616x16xf32, #tpu.memory_space<hbm>>
    tpu.enqueue_indirect_dma source(%dma_start3A_25 : memref<1007616x16xf32, #tpu.memory_space<hbm>>) target(%dma_start3A_19 : memref<128x16xf32, #tpu.memory_space<vmem>>) offsets(%dma_start3A_22 : memref<128xi32, #tpu.memory_space<vmem>>) semaphore(%arg8 : memref<!tpu.dma_semaphore, #tpu.memory_space<semaphore_mem>>)
    %dma_start3A_26 = arith.constant 0 : i32
    %dma_start3A_27 = arith.constant 256 : i32
    %dma_start3A_28 = arith.constant 0 : i32
    %dma_start3A_29 = tpu.memref_slice %arg6[%dma_start3A_27, %dma_start3A_28] : memref<3328x16xf32, #tpu.memory_space<vmem>> -> memref<128x16xf32, #tpu.memory_space<vmem>>
    %dma_start3A_30 = arith.constant 256 : i32
    %dma_start3A_31 = tpu.memref_slice %arg5[%dma_start3A_26, %dma_start3A_30] : memref<2x1664xi32, #tpu.memory_space<vmem>> -> memref<1x128xi32, #tpu.memory_space<vmem>>
    %dma_start3A_32 = tpu.memref_squeeze %dma_start3A_31 : memref<1x128xi32, #tpu.memory_space<vmem>> -> memref<128xi32, #tpu.memory_space<vmem>>
    %dma_start3A_33 = arith.constant 0 : i32
    %dma_start3A_34 = arith.constant 0 : i32
    %dma_start3A_35 = tpu.memref_slice %arg3[%dma_start3A_33, %dma_start3A_34] : memref<1007616x16xf32, #tpu.memory_space<hbm>> -> memref<1007616x16xf32, #tpu.memory_space<hbm>>
    tpu.enqueue_indirect_dma source(%dma_start3A_35 : memref<1007616x16xf32, #tpu.memory_space<hbm>>) target(%dma_start3A_29 : memref<128x16xf32, #tpu.memory_space<vmem>>) offsets(%dma_start3A_32 : memref<128xi32, #tpu.memory_space<vmem>>) semaphore(%arg8 : memref<!tpu.dma_semaphore, #tpu.memory_space<semaphore_mem>>)
    %dma_start3A_36 = arith.constant 0 : i32
    %dma_start3A_37 = arith.constant 384 : i32
    %dma_start3A_38 = arith.constant 0 : i32
    %dma_start3A_39 = tpu.memref_slice %arg6[%dma_start3A_37, %dma_start3A_38] : memref<3328x16xf32, #tpu.memory_space<vmem>> -> memref<128x16xf32, #tpu.memory_space<vmem>>
    %dma_start3A_40 = arith.constant 384 : i32
    %dma_start3A_41 = tpu.memref_slice %arg5[%dma_start3A_36, %dma_start3A_40] : memref<2x1664xi32, #tpu.memory_space<vmem>> -> memref<1x128xi32, #tpu.memory_space<vmem>>
    %dma_start3A_42 = tpu.memref_squeeze %dma_start3A_41 : memref<1x128xi32, #tpu.memory_space<vmem>> -> memref<128xi32, #tpu.memory_space<vmem>>
    %dma_start3A_43 = arith.constant 0 : i32
    %dma_start3A_44 = arith.constant 0 : i32
    %dma_start3A_45 = tpu.memref_slice %arg3[%dma_start3A_43, %dma_start3A_44] : memref<1007616x16xf32, #tpu.memory_space<hbm>> -> memref<1007616x16xf32, #tpu.memory_space<hbm>>
    tpu.enqueue_indirect_dma source(%dma_start3A_45 : memref<1007616x16xf32, #tpu.memory_space<hbm>>) target(%dma_start3A_39 : memref<128x16xf32, #tpu.memory_space<vmem>>) offsets(%dma_start3A_42 : memref<128xi32, #tpu.memory_space<vmem>>) semaphore(%arg8 : memref<!tpu.dma_semaphore, #tpu.memory_space<semaphore_mem>>)
    %dma_start3A_46 = arith.constant 0 : i32
    %dma_start3A_47 = arith.constant 512 : i32
    %dma_start3A_48 = arith.constant 0 : i32
    %dma_start3A_49 = tpu.memref_slice %arg6[%dma_start3A_47, %dma_start3A_48] : memref<3328x16xf32, #tpu.memory_space<vmem>> -> memref<128x16xf32, #tpu.memory_space<vmem>>
    %dma_start3A_50 = arith.constant 512 : i32
    %dma_start3A_51 = tpu.memref_slice %arg5[%dma_start3A_46, %dma_start3A_50] : memref<2x1664xi32, #tpu.memory_space<vmem>> -> memref<1x128xi32, #tpu.memory_space<vmem>>
    %dma_start3A_52 = tpu.memref_squeeze %dma_start3A_51 : memref<1x128xi32, #tpu.memory_space<vmem>> -> memref<128xi32, #tpu.memory_space<vmem>>
    %dma_start3A_53 = arith.constant 0 : i32
    %dma_start3A_54 = arith.constant 0 : i32
    %dma_start3A_55 = tpu.memref_slice %arg3[%dma_start3A_53, %dma_start3A_54] : memref<1007616x16xf32, #tpu.memory_space<hbm>> -> memref<1007616x16xf32, #tpu.memory_space<hbm>>
    tpu.enqueue_indirect_dma source(%dma_start3A_55 : memref<1007616x16xf32, #tpu.memory_space<hbm>>) target(%dma_start3A_49 : memref<128x16xf32, #tpu.memory_space<vmem>>) offsets(%dma_start3A_52 : memref<128xi32, #tpu.memory_space<vmem>>) semaphore(%arg8 : memref<!tpu.dma_semaphore, #tpu.memory_space<semaphore_mem>>)
    %dma_start3A_56 = arith.constant 0 : i32
    %dma_start3A_57 = arith.constant 640 : i32
    %dma_start3A_58 = arith.constant 0 : i32
    %dma_start3A_59 = tpu.memref_slice %arg6[%dma_start3A_57, %dma_start3A_58] : memref<3328x16xf32, #tpu.memory_space<vmem>> -> memref<128x16xf32, #tpu.memory_space<vmem>>
    %dma_start3A_60 = arith.constant 640 : i32
    %dma_start3A_61 = tpu.memref_slice %arg5[%dma_start3A_56, %dma_start3A_60] : memref<2x1664xi32, #tpu.memory_space<vmem>> -> memref<1x128xi32, #tpu.memory_space<vmem>>
    %dma_start3A_62 = tpu.memref_squeeze %dma_start3A_61 : memref<1x128xi32, #tpu.memory_space<vmem>> -> memref<128xi32, #tpu.memory_space<vmem>>
    %dma_start3A_63 = arith.constant 0 : i32
    %dma_start3A_64 = arith.constant 0 : i32
    %dma_start3A_65 = tpu.memref_slice %arg3[%dma_start3A_63, %dma_start3A_64] : memref<1007616x16xf32, #tpu.memory_space<hbm>> -> memref<1007616x16xf32, #tpu.memory_space<hbm>>
    tpu.enqueue_indirect_dma source(%dma_start3A_65 : memref<1007616x16xf32, #tpu.memory_space<hbm>>) target(%dma_start3A_59 : memref<128x16xf32, #tpu.memory_space<vmem>>) offsets(%dma_start3A_62 : memref<128xi32, #tpu.memory_space<vmem>>) semaphore(%arg8 : memref<!tpu.dma_semaphore, #tpu.memory_space<semaphore_mem>>)
    %dma_start3A_66 = arith.constant 0 : i32
    %dma_start3A_67 = arith.constant 768 : i32
    %dma_start3A_68 = arith.constant 0 : i32
    %dma_start3A_69 = tpu.memref_slice %arg6[%dma_start3A_67, %dma_start3A_68] : memref<3328x16xf32, #tpu.memory_space<vmem>> -> memref<128x16xf32, #tpu.memory_space<vmem>>
    %dma_start3A_70 = arith.constant 768 : i32
    %dma_start3A_71 = tpu.memref_slice %arg5[%dma_start3A_66, %dma_start3A_70] : memref<2x1664xi32, #tpu.memory_space<vmem>> -> memref<1x128xi32, #tpu.memory_space<vmem>>
    %dma_start3A_72 = tpu.memref_squeeze %dma_start3A_71 : memref<1x128xi32, #tpu.memory_space<vmem>> -> memref<128xi32, #tpu.memory_space<vmem>>
    %dma_start3A_73 = arith.constant 0 : i32
    %dma_start3A_74 = arith.constant 0 : i32
    %dma_start3A_75 = tpu.memref_slice %arg3[%dma_start3A_73, %dma_start3A_74] : memref<1007616x16xf32, #tpu.memory_space<hbm>> -> memref<1007616x16xf32, #tpu.memory_space<hbm>>
    tpu.enqueue_indirect_dma source(%dma_start3A_75 : memref<1007616x16xf32, #tpu.memory_space<hbm>>) target(%dma_start3A_69 : memref<128x16xf32, #tpu.memory_space<vmem>>) offsets(%dma_start3A_72 : memref<128xi32, #tpu.memory_space<vmem>>) semaphore(%arg8 : memref<!tpu.dma_semaphore, #tpu.memory_space<semaphore_mem>>)
    %dma_start3A_76 = arith.constant 0 : i32
    %dma_start3A_77 = arith.constant 896 : i32
    %dma_start3A_78 = arith.constant 0 : i32
    %dma_start3A_79 = tpu.memref_slice %arg6[%dma_start3A_77, %dma_start3A_78] : memref<3328x16xf32, #tpu.memory_space<vmem>> -> memref<128x16xf32, #tpu.memory_space<vmem>>
    %dma_start3A_80 = arith.constant 896 : i32
    %dma_start3A_81 = tpu.memref_slice %arg5[%dma_start3A_76, %dma_start3A_80] : memref<2x1664xi32, #tpu.memory_space<vmem>> -> memref<1x128xi32, #tpu.memory_space<vmem>>
    %dma_start3A_82 = tpu.memref_squeeze %dma_start3A_81 : memref<1x128xi32, #tpu.memory_space<vmem>> -> memref<128xi32, #tpu.memory_space<vmem>>
    %dma_start3A_83 = arith.constant 0 : i32
    %dma_start3A_84 = arith.constant 0 : i32
    %dma_start3A_85 = tpu.memref_slice %arg3[%dma_start3A_83, %dma_start3A_84] : memref<1007616x16xf32, #tpu.memory_space<hbm>> -> memref<1007616x16xf32, #tpu.memory_space<hbm>>
    tpu.enqueue_indirect_dma source(%dma_start3A_85 : memref<1007616x16xf32, #tpu.memory_space<hbm>>) target(%dma_start3A_79 : memref<128x16xf32, #tpu.memory_space<vmem>>) offsets(%dma_start3A_82 : memref<128xi32, #tpu.memory_space<vmem>>) semaphore(%arg8 : memref<!tpu.dma_semaphore, #tpu.memory_space<semaphore_mem>>)
    %dma_start3A_86 = arith.constant 0 : i32
    %dma_start3A_87 = arith.constant 1024 : i32
    %dma_start3A_88 = arith.constant 0 : i32
    %dma_start3A_89 = tpu.memref_slice %arg6[%dma_start3A_87, %dma_start3A_88] : memref<3328x16xf32, #tpu.memory_space<vmem>> -> memref<128x16xf32, #tpu.memory_space<vmem>>
    %dma_start3A_90 = arith.constant 1024 : i32
    %dma_start3A_91 = tpu.memref_slice %arg5[%dma_start3A_86, %dma_start3A_90] : memref<2x1664xi32, #tpu.memory_space<vmem>> -> memref<1x128xi32, #tpu.memory_space<vmem>>
    %dma_start3A_92 = tpu.memref_squeeze %dma_start3A_91 : memref<1x128xi32, #tpu.memory_space<vmem>> -> memref<128xi32, #tpu.memory_space<vmem>>
    %dma_start3A_93 = arith.constant 0 : i32
    %dma_start3A_94 = arith.constant 0 : i32
    %dma_start3A_95 = tpu.memref_slice %arg3[%dma_start3A_93, %dma_start3A_94] : memref<1007616x16xf32, #tpu.memory_space<hbm>> -> memref<1007616x16xf32, #tpu.memory_space<hbm>>
    tpu.enqueue_indirect_dma source(%dma_start3A_95 : memref<1007616x16xf32, #tpu.memory_space<hbm>>) target(%dma_start3A_89 : memref<128x16xf32, #tpu.memory_space<vmem>>) offsets(%dma_start3A_92 : memref<128xi32, #tpu.memory_space<vmem>>) semaphore(%arg8 : memref<!tpu.dma_semaphore, #tpu.memory_space<semaphore_mem>>)
    %dma_start3A_96 = arith.constant 0 : i32
    %dma_start3A_97 = arith.constant 1152 : i32
    %dma_start3A_98 = arith.constant 0 : i32
    %dma_start3A_99 = tpu.memref_slice %arg6[%dma_start3A_97, %dma_start3A_98] : memref<3328x16xf32, #tpu.memory_space<vmem>> -> memref<128x16xf32, #tpu.memory_space<vmem>>
    %dma_start3A_100 = arith.constant 1152 : i32
    %dma_start3A_101 = tpu.memref_slice %arg5[%dma_start3A_96, %dma_start3A_100] : memref<2x1664xi32, #tpu.memory_space<vmem>> -> memref<1x128xi32, #tpu.memory_space<vmem>>
    %dma_start3A_102 = tpu.memref_squeeze %dma_start3A_101 : memref<1x128xi32, #tpu.memory_space<vmem>> -> memref<128xi32, #tpu.memory_space<vmem>>
    %dma_start3A_103 = arith.constant 0 : i32
    %dma_start3A_104 = arith.constant 0 : i32
    %dma_start3A_105 = tpu.memref_slice %arg3[%dma_start3A_103, %dma_start3A_104] : memref<1007616x16xf32, #tpu.memory_space<hbm>> -> memref<1007616x16xf32, #tpu.memory_space<hbm>>
    tpu.enqueue_indirect_dma source(%dma_start3A_105 : memref<1007616x16xf32, #tpu.memory_space<hbm>>) target(%dma_start3A_99 : memref<128x16xf32, #tpu.memory_space<vmem>>) offsets(%dma_start3A_102 : memref<128xi32, #tpu.memory_space<vmem>>) semaphore(%arg8 : memref<!tpu.dma_semaphore, #tpu.memory_space<semaphore_mem>>)
    %dma_start3A_106 = arith.constant 0 : i32
    %dma_start3A_107 = arith.constant 1280 : i32
    %dma_start3A_108 = arith.constant 0 : i32
    %dma_start3A_109 = tpu.memref_slice %arg6[%dma_start3A_107, %dma_start3A_108] : memref<3328x16xf32, #tpu.memory_space<vmem>> -> memref<128x16xf32, #tpu.memory_space<vmem>>
    %dma_start3A_110 = arith.constant 1280 : i32
    %dma_start3A_111 = tpu.memref_slice %arg5[%dma_start3A_106, %dma_start3A_110] : memref<2x1664xi32, #tpu.memory_space<vmem>> -> memref<1x128xi32, #tpu.memory_space<vmem>>
    %dma_start3A_112 = tpu.memref_squeeze %dma_start3A_111 : memref<1x128xi32, #tpu.memory_space<vmem>> -> memref<128xi32, #tpu.memory_space<vmem>>
    %dma_start3A_113 = arith.constant 0 : i32
    %dma_start3A_114 = arith.constant 0 : i32
    %dma_start3A_115 = tpu.memref_slice %arg3[%dma_start3A_113, %dma_start3A_114] : memref<1007616x16xf32, #tpu.memory_space<hbm>> -> memref<1007616x16xf32, #tpu.memory_space<hbm>>
    tpu.enqueue_indirect_dma source(%dma_start3A_115 : memref<1007616x16xf32, #tpu.memory_space<hbm>>) target(%dma_start3A_109 : memref<128x16xf32, #tpu.memory_space<vmem>>) offsets(%dma_start3A_112 : memref<128xi32, #tpu.memory_space<vmem>>) semaphore(%arg8 : memref<!tpu.dma_semaphore, #tpu.memory_space<semaphore_mem>>)
    %dma_start3A_116 = arith.constant 0 : i32
    %dma_start3A_117 = arith.constant 1408 : i32
    %dma_start3A_118 = arith.constant 0 : i32
    %dma_start3A_119 = tpu.memref_slice %arg6[%dma_start3A_117, %dma_start3A_118] : memref<3328x16xf32, #tpu.memory_space<vmem>> -> memref<128x16xf32, #tpu.memory_space<vmem>>
    %dma_start3A_120 = arith.constant 1408 : i32
    %dma_start3A_121 = tpu.memref_slice %arg5[%dma_start3A_116, %dma_start3A_120] : memref<2x1664xi32, #tpu.memory_space<vmem>> -> memref<1x128xi32, #tpu.memory_space<vmem>>
    %dma_start3A_122 = tpu.memref_squeeze %dma_start3A_121 : memref<1x128xi32, #tpu.memory_space<vmem>> -> memref<128xi32, #tpu.memory_space<vmem>>
    %dma_start3A_123 = arith.constant 0 : i32
    %dma_start3A_124 = arith.constant 0 : i32
    %dma_start3A_125 = tpu.memref_slice %arg3[%dma_start3A_123, %dma_start3A_124] : memref<1007616x16xf32, #tpu.memory_space<hbm>> -> memref<1007616x16xf32, #tpu.memory_space<hbm>>
    tpu.enqueue_indirect_dma source(%dma_start3A_125 : memref<1007616x16xf32, #tpu.memory_space<hbm>>) target(%dma_start3A_119 : memref<128x16xf32, #tpu.memory_space<vmem>>) offsets(%dma_start3A_122 : memref<128xi32, #tpu.memory_space<vmem>>) semaphore(%arg8 : memref<!tpu.dma_semaphore, #tpu.memory_space<semaphore_mem>>)
    %dma_start3A_126 = arith.constant 0 : i32
    %dma_start3A_127 = arith.constant 1536 : i32
    %dma_start3A_128 = arith.constant 0 : i32
    %dma_start3A_129 = tpu.memref_slice %arg6[%dma_start3A_127, %dma_start3A_128] : memref<3328x16xf32, #tpu.memory_space<vmem>> -> memref<128x16xf32, #tpu.memory_space<vmem>>
    %dma_start3A_130 = arith.constant 1536 : i32
    %dma_start3A_131 = tpu.memref_slice %arg5[%dma_start3A_126, %dma_start3A_130] : memref<2x1664xi32, #tpu.memory_space<vmem>> -> memref<1x128xi32, #tpu.memory_space<vmem>>
    %dma_start3A_132 = tpu.memref_squeeze %dma_start3A_131 : memref<1x128xi32, #tpu.memory_space<vmem>> -> memref<128xi32, #tpu.memory_space<vmem>>
    %dma_start3A_133 = arith.constant 0 : i32
    %dma_start3A_134 = arith.constant 0 : i32
    %dma_start3A_135 = tpu.memref_slice %arg3[%dma_start3A_133, %dma_start3A_134] : memref<1007616x16xf32, #tpu.memory_space<hbm>> -> memref<1007616x16xf32, #tpu.memory_space<hbm>>
    tpu.enqueue_indirect_dma source(%dma_start3A_135 : memref<1007616x16xf32, #tpu.memory_space<hbm>>) target(%dma_start3A_129 : memref<128x16xf32, #tpu.memory_space<vmem>>) offsets(%dma_start3A_132 : memref<128xi32, #tpu.memory_space<vmem>>) semaphore(%arg8 : memref<!tpu.dma_semaphore, #tpu.memory_space<semaphore_mem>>)
    %scan3A = arith.constant 0 : i32
    %scan3A_136 = arith.constant 32 : i32
    %scan3A_137 = arith.addi %scan3A, %scan3A_136 : i32
    %scan3A_138 = arith.constant 1 : i32
    scf.for %scan3A_269 = %scan3A to %scan3A_137 step %scan3A_138  : i32 {
      %mul3A_270 = arith.constant 2 : i32
      %mul3A_271 = arith.muli %scan3A_269, %mul3A_270 : i32
      %add3A_272 = arith.constant 0 : i32
      %add3A_273 = arith.addi %add3A_272, %mul3A_271 : i32
      %add3A_274 = arith.constant 1 : i32
      %add3A_275 = arith.addi %add3A_273, %add3A_274 : i32
      %mul3A_276 = arith.constant 8 : i32
      %mul3A_277 = arith.muli %add3A_275, %mul3A_276 : i32
      %add3A_278 = arith.addi %mul3A_2, %mul3A_277 : i32
      %mul3A_279 = arith.constant 208 : i32
      %mul3A_280 = arith.muli %add3A_278, %mul3A_279 : i32
      %run_scoped3A_281 = arith.constant 1 : i32
      "tpu.region"() ({
        %run_scoped3A_1131 = tpu.sem_alloc : memref<!tpu.dma_semaphore, #tpu.memory_space<semaphore_mem>>
        %dma_start3A_1132 = arith.constant 0 : i32
        %dma_start3A_1133 = tpu.memref_slice %arg5[%run_scoped3A_281, %dma_start3A_1132] : memref<2x1664xi32, #tpu.memory_space<vmem>> -> memref<1x1664xi32, #tpu.memory_space<vmem>>
        %dma_start3A_1134 = tpu.memref_squeeze %dma_start3A_1133 : memref<1x1664xi32, #tpu.memory_space<vmem>> -> memref<1664xi32, #tpu.memory_space<vmem>>
        %dma_start3A_1135 = tpu.memref_slice %arg2[%mul3A_280] : memref<3407872xi32, #tpu.memory_space<hbm>> -> memref<1664xi32, #tpu.memory_space<hbm>>
        %dma_start3A_1136 = arith.constant 0 : i32
        %dma_start3A_1137 = tpu.memref_slice %arg5[%run_scoped3A_281, %dma_start3A_1136] : memref<2x1664xi32, #tpu.memory_space<vmem>> -> memref<1x1664xi32, #tpu.memory_space<vmem>>
        %dma_start3A_1138 = tpu.memref_squeeze %dma_start3A_1137 : memref<1x1664xi32, #tpu.memory_space<vmem>> -> memref<1664xi32, #tpu.memory_space<vmem>>
        %dma_start3A_1139 = tpu.memref_slice %arg2[%mul3A_280] : memref<3407872xi32, #tpu.memory_space<hbm>> -> memref<1664xi32, #tpu.memory_space<hbm>>
        tpu.enqueue_dma source(%dma_start3A_1139 : memref<1664xi32, #tpu.memory_space<hbm>>) target(%dma_start3A_1138 : memref<1664xi32, #tpu.memory_space<vmem>>) target_semaphore(%run_scoped3A_1131 : memref<!tpu.dma_semaphore, #tpu.memory_space<semaphore_mem>>)
        %dma_wait3A_1140 = arith.constant 0 : i32
        %dma_wait3A_1141 = tpu.memref_slice %arg5[%run_scoped3A_281, %dma_wait3A_1140] : memref<2x1664xi32, #tpu.memory_space<vmem>> -> memref<1x1664xi32, #tpu.memory_space<vmem>>
        %dma_wait3A_1142 = tpu.memref_squeeze %dma_wait3A_1141 : memref<1x1664xi32, #tpu.memory_space<vmem>> -> memref<1664xi32, #tpu.memory_space<vmem>>
        %dma_wait3A_1143 = tpu.memref_slice %arg2[%mul3A_280] : memref<3407872xi32, #tpu.memory_space<hbm>> -> memref<1664xi32, #tpu.memory_space<hbm>>
        %dma_wait3A_1144 = arith.constant 0 : i32
        %dma_wait3A_1145 = tpu.memref_slice %arg5[%run_scoped3A_281, %dma_wait3A_1144] : memref<2x1664xi32, #tpu.memory_space<vmem>> -> memref<1x1664xi32, #tpu.memory_space<vmem>>
        %dma_wait3A_1146 = tpu.memref_squeeze %dma_wait3A_1145 : memref<1x1664xi32, #tpu.memory_space<vmem>> -> memref<1664xi32, #tpu.memory_space<vmem>>
        %dma_wait3A_1147 = tpu.memref_slice %arg2[%mul3A_280] : memref<3407872xi32, #tpu.memory_space<hbm>> -> memref<1664xi32, #tpu.memory_space<hbm>>
        tpu.wait_dma2 semaphore(%run_scoped3A_1131 : memref<!tpu.dma_semaphore, #tpu.memory_space<semaphore_mem>>) src(%dma_wait3A_1147 : memref<1664xi32, #tpu.memory_space<hbm>>) dst(%dma_wait3A_1146 : memref<1664xi32, #tpu.memory_space<vmem>>)
        tpu.yield
      }) : () -> ()
      %dma_start3A_282 = arith.constant 1 : i32
      %dma_start3A_283 = arith.constant 1664 : i32
      %dma_start3A_284 = arith.constant 0 : i32
      %dma_start3A_285 = tpu.memref_slice %arg6[%dma_start3A_283, %dma_start3A_284] : memref<3328x16xf32, #tpu.memory_space<vmem>> -> memref<128x16xf32, #tpu.memory_space<vmem>>
      %dma_start3A_286 = arith.constant 0 : i32
      %dma_start3A_287 = tpu.memref_slice %arg5[%dma_start3A_282, %dma_start3A_286] : memref<2x1664xi32, #tpu.memory_space<vmem>> -> memref<1x128xi32, #tpu.memory_space<vmem>>
      %dma_start3A_288 = tpu.memref_squeeze %dma_start3A_287 : memref<1x128xi32, #tpu.memory_space<vmem>> -> memref<128xi32, #tpu.memory_space<vmem>>
      %dma_start3A_289 = arith.constant 0 : i32
      %dma_start3A_290 = arith.constant 0 : i32
      %dma_start3A_291 = tpu.memref_slice %arg3[%dma_start3A_289, %dma_start3A_290] : memref<1007616x16xf32, #tpu.memory_space<hbm>> -> memref<1007616x16xf32, #tpu.memory_space<hbm>>
      tpu.enqueue_indirect_dma source(%dma_start3A_291 : memref<1007616x16xf32, #tpu.memory_space<hbm>>) target(%dma_start3A_285 : memref<128x16xf32, #tpu.memory_space<vmem>>) offsets(%dma_start3A_288 : memref<128xi32, #tpu.memory_space<vmem>>) semaphore(%arg9 : memref<!tpu.dma_semaphore, #tpu.memory_space<semaphore_mem>>)
      %dma_start3A_292 = arith.constant 1 : i32
      %dma_start3A_293 = arith.constant 1792 : i32
      %dma_start3A_294 = arith.constant 0 : i32
      %dma_start3A_295 = tpu.memref_slice %arg6[%dma_start3A_293, %dma_start3A_294] : memref<3328x16xf32, #tpu.memory_space<vmem>> -> memref<128x16xf32, #tpu.memory_space<vmem>>
      %dma_start3A_296 = arith.constant 128 : i32
      %dma_start3A_297 = tpu.memref_slice %arg5[%dma_start3A_292, %dma_start3A_296] : memref<2x1664xi32, #tpu.memory_space<vmem>> -> memref<1x128xi32, #tpu.memory_space<vmem>>
      %dma_start3A_298 = tpu.memref_squeeze %dma_start3A_297 : memref<1x128xi32, #tpu.memory_space<vmem>> -> memref<128xi32, #tpu.memory_space<vmem>>
      %dma_start3A_299 = arith.constant 0 : i32
      %dma_start3A_300 = arith.constant 0 : i32
      %dma_start3A_301 = tpu.memref_slice %arg3[%dma_start3A_299, %dma_start3A_300] : memref<1007616x16xf32, #tpu.memory_space<hbm>> -> memref<1007616x16xf32, #tpu.memory_space<hbm>>
      tpu.enqueue_indirect_dma source(%dma_start3A_301 : memref<1007616x16xf32, #tpu.memory_space<hbm>>) target(%dma_start3A_295 : memref<128x16xf32, #tpu.memory_space<vmem>>) offsets(%dma_start3A_298 : memref<128xi32, #tpu.memory_space<vmem>>) semaphore(%arg9 : memref<!tpu.dma_semaphore, #tpu.memory_space<semaphore_mem>>)
      %dma_start3A_302 = arith.constant 1 : i32
      %dma_start3A_303 = arith.constant 1920 : i32
      %dma_start3A_304 = arith.constant 0 : i32
      %dma_start3A_305 = tpu.memref_slice %arg6[%dma_start3A_303, %dma_start3A_304] : memref<3328x16xf32, #tpu.memory_space<vmem>> -> memref<128x16xf32, #tpu.memory_space<vmem>>
      %dma_start3A_306 = arith.constant 256 : i32
      %dma_start3A_307 = tpu.memref_slice %arg5[%dma_start3A_302, %dma_start3A_306] : memref<2x1664xi32, #tpu.memory_space<vmem>> -> memref<1x128xi32, #tpu.memory_space<vmem>>
      %dma_start3A_308 = tpu.memref_squeeze %dma_start3A_307 : memref<1x128xi32, #tpu.memory_space<vmem>> -> memref<128xi32, #tpu.memory_space<vmem>>
      %dma_start3A_309 = arith.constant 0 : i32
      %dma_start3A_310 = arith.constant 0 : i32
      %dma_start3A_311 = tpu.memref_slice %arg3[%dma_start3A_309, %dma_start3A_310] : memref<1007616x16xf32, #tpu.memory_space<hbm>> -> memref<1007616x16xf32, #tpu.memory_space<hbm>>
      tpu.enqueue_indirect_dma source(%dma_start3A_311 : memref<1007616x16xf32, #tpu.memory_space<hbm>>) target(%dma_start3A_305 : memref<128x16xf32, #tpu.memory_space<vmem>>) offsets(%dma_start3A_308 : memref<128xi32, #tpu.memory_space<vmem>>) semaphore(%arg9 : memref<!tpu.dma_semaphore, #tpu.memory_space<semaphore_mem>>)
      %dma_start3A_312 = arith.constant 1 : i32
      %dma_start3A_313 = arith.constant 2048 : i32
      %dma_start3A_314 = arith.constant 0 : i32
      %dma_start3A_315 = tpu.memref_slice %arg6[%dma_start3A_313, %dma_start3A_314] : memref<3328x16xf32, #tpu.memory_space<vmem>> -> memref<128x16xf32, #tpu.memory_space<vmem>>
      %dma_start3A_316 = arith.constant 384 : i32
      %dma_start3A_317 = tpu.memref_slice %arg5[%dma_start3A_312, %dma_start3A_316] : memref<2x1664xi32, #tpu.memory_space<vmem>> -> memref<1x128xi32, #tpu.memory_space<vmem>>
      %dma_start3A_318 = tpu.memref_squeeze %dma_start3A_317 : memref<1x128xi32, #tpu.memory_space<vmem>> -> memref<128xi32, #tpu.memory_space<vmem>>
      %dma_start3A_319 = arith.constant 0 : i32
      %dma_start3A_320 = arith.constant 0 : i32
      %dma_start3A_321 = tpu.memref_slice %arg3[%dma_start3A_319, %dma_start3A_320] : memref<1007616x16xf32, #tpu.memory_space<hbm>> -> memref<1007616x16xf32, #tpu.memory_space<hbm>>
      tpu.enqueue_indirect_dma source(%dma_start3A_321 : memref<1007616x16xf32, #tpu.memory_space<hbm>>) target(%dma_start3A_315 : memref<128x16xf32, #tpu.memory_space<vmem>>) offsets(%dma_start3A_318 : memref<128xi32, #tpu.memory_space<vmem>>) semaphore(%arg9 : memref<!tpu.dma_semaphore, #tpu.memory_space<semaphore_mem>>)
      %dma_start3A_322 = arith.constant 1 : i32
      %dma_start3A_323 = arith.constant 2176 : i32
      %dma_start3A_324 = arith.constant 0 : i32
      %dma_start3A_325 = tpu.memref_slice %arg6[%dma_start3A_323, %dma_start3A_324] : memref<3328x16xf32, #tpu.memory_space<vmem>> -> memref<128x16xf32, #tpu.memory_space<vmem>>
      %dma_start3A_326 = arith.constant 512 : i32
      %dma_start3A_327 = tpu.memref_slice %arg5[%dma_start3A_322, %dma_start3A_326] : memref<2x1664xi32, #tpu.memory_space<vmem>> -> memref<1x128xi32, #tpu.memory_space<vmem>>
      %dma_start3A_328 = tpu.memref_squeeze %dma_start3A_327 : memref<1x128xi32, #tpu.memory_space<vmem>> -> memref<128xi32, #tpu.memory_space<vmem>>
      %dma_start3A_329 = arith.constant 0 : i32
      %dma_start3A_330 = arith.constant 0 : i32
      %dma_start3A_331 = tpu.memref_slice %arg3[%dma_start3A_329, %dma_start3A_330] : memref<1007616x16xf32, #tpu.memory_space<hbm>> -> memref<1007616x16xf32, #tpu.memory_space<hbm>>
      tpu.enqueue_indirect_dma source(%dma_start3A_331 : memref<1007616x16xf32, #tpu.memory_space<hbm>>) target(%dma_start3A_325 : memref<128x16xf32, #tpu.memory_space<vmem>>) offsets(%dma_start3A_328 : memref<128xi32, #tpu.memory_space<vmem>>) semaphore(%arg9 : memref<!tpu.dma_semaphore, #tpu.memory_space<semaphore_mem>>)
      %dma_start3A_332 = arith.constant 1 : i32
      %dma_start3A_333 = arith.constant 2304 : i32
      %dma_start3A_334 = arith.constant 0 : i32
      %dma_start3A_335 = tpu.memref_slice %arg6[%dma_start3A_333, %dma_start3A_334] : memref<3328x16xf32, #tpu.memory_space<vmem>> -> memref<128x16xf32, #tpu.memory_space<vmem>>
      %dma_start3A_336 = arith.constant 640 : i32
      %dma_start3A_337 = tpu.memref_slice %arg5[%dma_start3A_332, %dma_start3A_336] : memref<2x1664xi32, #tpu.memory_space<vmem>> -> memref<1x128xi32, #tpu.memory_space<vmem>>
      %dma_start3A_338 = tpu.memref_squeeze %dma_start3A_337 : memref<1x128xi32, #tpu.memory_space<vmem>> -> memref<128xi32, #tpu.memory_space<vmem>>
      %dma_start3A_339 = arith.constant 0 : i32
      %dma_start3A_340 = arith.constant 0 : i32
      %dma_start3A_341 = tpu.memref_slice %arg3[%dma_start3A_339, %dma_start3A_340] : memref<1007616x16xf32, #tpu.memory_space<hbm>> -> memref<1007616x16xf32, #tpu.memory_space<hbm>>
      tpu.enqueue_indirect_dma source(%dma_start3A_341 : memref<1007616x16xf32, #tpu.memory_space<hbm>>) target(%dma_start3A_335 : memref<128x16xf32, #tpu.memory_space<vmem>>) offsets(%dma_start3A_338 : memref<128xi32, #tpu.memory_space<vmem>>) semaphore(%arg9 : memref<!tpu.dma_semaphore, #tpu.memory_space<semaphore_mem>>)
      %dma_start3A_342 = arith.constant 1 : i32
      %dma_start3A_343 = arith.constant 2432 : i32
      %dma_start3A_344 = arith.constant 0 : i32
      %dma_start3A_345 = tpu.memref_slice %arg6[%dma_start3A_343, %dma_start3A_344] : memref<3328x16xf32, #tpu.memory_space<vmem>> -> memref<128x16xf32, #tpu.memory_space<vmem>>
      %dma_start3A_346 = arith.constant 768 : i32
      %dma_start3A_347 = tpu.memref_slice %arg5[%dma_start3A_342, %dma_start3A_346] : memref<2x1664xi32, #tpu.memory_space<vmem>> -> memref<1x128xi32, #tpu.memory_space<vmem>>
      %dma_start3A_348 = tpu.memref_squeeze %dma_start3A_347 : memref<1x128xi32, #tpu.memory_space<vmem>> -> memref<128xi32, #tpu.memory_space<vmem>>
      %dma_start3A_349 = arith.constant 0 : i32
      %dma_start3A_350 = arith.constant 0 : i32
      %dma_start3A_351 = tpu.memref_slice %arg3[%dma_start3A_349, %dma_start3A_350] : memref<1007616x16xf32, #tpu.memory_space<hbm>> -> memref<1007616x16xf32, #tpu.memory_space<hbm>>
      tpu.enqueue_indirect_dma source(%dma_start3A_351 : memref<1007616x16xf32, #tpu.memory_space<hbm>>) target(%dma_start3A_345 : memref<128x16xf32, #tpu.memory_space<vmem>>) offsets(%dma_start3A_348 : memref<128xi32, #tpu.memory_space<vmem>>) semaphore(%arg9 : memref<!tpu.dma_semaphore, #tpu.memory_space<semaphore_mem>>)
      %dma_start3A_352 = arith.constant 1 : i32
      %dma_start3A_353 = arith.constant 2560 : i32
      %dma_start3A_354 = arith.constant 0 : i32
      %dma_start3A_355 = tpu.memref_slice %arg6[%dma_start3A_353, %dma_start3A_354] : memref<3328x16xf32, #tpu.memory_space<vmem>> -> memref<128x16xf32, #tpu.memory_space<vmem>>
      %dma_start3A_356 = arith.constant 896 : i32
      %dma_start3A_357 = tpu.memref_slice %arg5[%dma_start3A_352, %dma_start3A_356] : memref<2x1664xi32, #tpu.memory_space<vmem>> -> memref<1x128xi32, #tpu.memory_space<vmem>>
      %dma_start3A_358 = tpu.memref_squeeze %dma_start3A_357 : memref<1x128xi32, #tpu.memory_space<vmem>> -> memref<128xi32, #tpu.memory_space<vmem>>
      %dma_start3A_359 = arith.constant 0 : i32
      %dma_start3A_360 = arith.constant 0 : i32
      %dma_start3A_361 = tpu.memref_slice %arg3[%dma_start3A_359, %dma_start3A_360] : memref<1007616x16xf32, #tpu.memory_space<hbm>> -> memref<1007616x16xf32, #tpu.memory_space<hbm>>
      tpu.enqueue_indirect_dma source(%dma_start3A_361 : memref<1007616x16xf32, #tpu.memory_space<hbm>>) target(%dma_start3A_355 : memref<128x16xf32, #tpu.memory_space<vmem>>) offsets(%dma_start3A_358 : memref<128xi32, #tpu.memory_space<vmem>>) semaphore(%arg9 : memref<!tpu.dma_semaphore, #tpu.memory_space<semaphore_mem>>)
      %dma_start3A_362 = arith.constant 1 : i32
      %dma_start3A_363 = arith.constant 2688 : i32
      %dma_start3A_364 = arith.constant 0 : i32
      %dma_start3A_365 = tpu.memref_slice %arg6[%dma_start3A_363, %dma_start3A_364] : memref<3328x16xf32, #tpu.memory_space<vmem>> -> memref<128x16xf32, #tpu.memory_space<vmem>>
      %dma_start3A_366 = arith.constant 1024 : i32
      %dma_start3A_367 = tpu.memref_slice %arg5[%dma_start3A_362, %dma_start3A_366] : memref<2x1664xi32, #tpu.memory_space<vmem>> -> memref<1x128xi32, #tpu.memory_space<vmem>>
      %dma_start3A_368 = tpu.memref_squeeze %dma_start3A_367 : memref<1x128xi32, #tpu.memory_space<vmem>> -> memref<128xi32, #tpu.memory_space<vmem>>
      %dma_start3A_369 = arith.constant 0 : i32
      %dma_start3A_370 = arith.constant 0 : i32
      %dma_start3A_371 = tpu.memref_slice %arg3[%dma_start3A_369, %dma_start3A_370] : memref<1007616x16xf32, #tpu.memory_space<hbm>> -> memref<1007616x16xf32, #tpu.memory_space<hbm>>
      tpu.enqueue_indirect_dma source(%dma_start3A_371 : memref<1007616x16xf32, #tpu.memory_space<hbm>>) target(%dma_start3A_365 : memref<128x16xf32, #tpu.memory_space<vmem>>) offsets(%dma_start3A_368 : memref<128xi32, #tpu.memory_space<vmem>>) semaphore(%arg9 : memref<!tpu.dma_semaphore, #tpu.memory_space<semaphore_mem>>)
      %dma_start3A_372 = arith.constant 1 : i32
      %dma_start3A_373 = arith.constant 2816 : i32
      %dma_start3A_374 = arith.constant 0 : i32
      %dma_start3A_375 = tpu.memref_slice %arg6[%dma_start3A_373, %dma_start3A_374] : memref<3328x16xf32, #tpu.memory_space<vmem>> -> memref<128x16xf32, #tpu.memory_space<vmem>>
      %dma_start3A_376 = arith.constant 1152 : i32
      %dma_start3A_377 = tpu.memref_slice %arg5[%dma_start3A_372, %dma_start3A_376] : memref<2x1664xi32, #tpu.memory_space<vmem>> -> memref<1x128xi32, #tpu.memory_space<vmem>>
      %dma_start3A_378 = tpu.memref_squeeze %dma_start3A_377 : memref<1x128xi32, #tpu.memory_space<vmem>> -> memref<128xi32, #tpu.memory_space<vmem>>
      %dma_start3A_379 = arith.constant 0 : i32
      %dma_start3A_380 = arith.constant 0 : i32
      %dma_start3A_381 = tpu.memref_slice %arg3[%dma_start3A_379, %dma_start3A_380] : memref<1007616x16xf32, #tpu.memory_space<hbm>> -> memref<1007616x16xf32, #tpu.memory_space<hbm>>
      tpu.enqueue_indirect_dma source(%dma_start3A_381 : memref<1007616x16xf32, #tpu.memory_space<hbm>>) target(%dma_start3A_375 : memref<128x16xf32, #tpu.memory_space<vmem>>) offsets(%dma_start3A_378 : memref<128xi32, #tpu.memory_space<vmem>>) semaphore(%arg9 : memref<!tpu.dma_semaphore, #tpu.memory_space<semaphore_mem>>)
      %dma_start3A_382 = arith.constant 1 : i32
      %dma_start3A_383 = arith.constant 2944 : i32
      %dma_start3A_384 = arith.constant 0 : i32
      %dma_start3A_385 = tpu.memref_slice %arg6[%dma_start3A_383, %dma_start3A_384] : memref<3328x16xf32, #tpu.memory_space<vmem>> -> memref<128x16xf32, #tpu.memory_space<vmem>>
      %dma_start3A_386 = arith.constant 1280 : i32
      %dma_start3A_387 = tpu.memref_slice %arg5[%dma_start3A_382, %dma_start3A_386] : memref<2x1664xi32, #tpu.memory_space<vmem>> -> memref<1x128xi32, #tpu.memory_space<vmem>>
      %dma_start3A_388 = tpu.memref_squeeze %dma_start3A_387 : memref<1x128xi32, #tpu.memory_space<vmem>> -> memref<128xi32, #tpu.memory_space<vmem>>
      %dma_start3A_389 = arith.constant 0 : i32
      %dma_start3A_390 = arith.constant 0 : i32
      %dma_start3A_391 = tpu.memref_slice %arg3[%dma_start3A_389, %dma_start3A_390] : memref<1007616x16xf32, #tpu.memory_space<hbm>> -> memref<1007616x16xf32, #tpu.memory_space<hbm>>
      tpu.enqueue_indirect_dma source(%dma_start3A_391 : memref<1007616x16xf32, #tpu.memory_space<hbm>>) target(%dma_start3A_385 : memref<128x16xf32, #tpu.memory_space<vmem>>) offsets(%dma_start3A_388 : memref<128xi32, #tpu.memory_space<vmem>>) semaphore(%arg9 : memref<!tpu.dma_semaphore, #tpu.memory_space<semaphore_mem>>)
      %dma_start3A_392 = arith.constant 1 : i32
      %dma_start3A_393 = arith.constant 3072 : i32
      %dma_start3A_394 = arith.constant 0 : i32
      %dma_start3A_395 = tpu.memref_slice %arg6[%dma_start3A_393, %dma_start3A_394] : memref<3328x16xf32, #tpu.memory_space<vmem>> -> memref<128x16xf32, #tpu.memory_space<vmem>>
      %dma_start3A_396 = arith.constant 1408 : i32
      %dma_start3A_397 = tpu.memref_slice %arg5[%dma_start3A_392, %dma_start3A_396] : memref<2x1664xi32, #tpu.memory_space<vmem>> -> memref<1x128xi32, #tpu.memory_space<vmem>>
      %dma_start3A_398 = tpu.memref_squeeze %dma_start3A_397 : memref<1x128xi32, #tpu.memory_space<vmem>> -> memref<128xi32, #tpu.memory_space<vmem>>
      %dma_start3A_399 = arith.constant 0 : i32
      %dma_start3A_400 = arith.constant 0 : i32
      %dma_start3A_401 = tpu.memref_slice %arg3[%dma_start3A_399, %dma_start3A_400] : memref<1007616x16xf32, #tpu.memory_space<hbm>> -> memref<1007616x16xf32, #tpu.memory_space<hbm>>
      tpu.enqueue_indirect_dma source(%dma_start3A_401 : memref<1007616x16xf32, #tpu.memory_space<hbm>>) target(%dma_start3A_395 : memref<128x16xf32, #tpu.memory_space<vmem>>) offsets(%dma_start3A_398 : memref<128xi32, #tpu.memory_space<vmem>>) semaphore(%arg9 : memref<!tpu.dma_semaphore, #tpu.memory_space<semaphore_mem>>)
      %dma_start3A_402 = arith.constant 1 : i32
      %dma_start3A_403 = arith.constant 3200 : i32
      %dma_start3A_404 = arith.constant 0 : i32
      %dma_start3A_405 = tpu.memref_slice %arg6[%dma_start3A_403, %dma_start3A_404] : memref<3328x16xf32, #tpu.memory_space<vmem>> -> memref<128x16xf32, #tpu.memory_space<vmem>>
      %dma_start3A_406 = arith.constant 1536 : i32
      %dma_start3A_407 = tpu.memref_slice %arg5[%dma_start3A_402, %dma_start3A_406] : memref<2x1664xi32, #tpu.memory_space<vmem>> -> memref<1x128xi32, #tpu.memory_space<vmem>>
      %dma_start3A_408 = tpu.memref_squeeze %dma_start3A_407 : memref<1x128xi32, #tpu.memory_space<vmem>> -> memref<128xi32, #tpu.memory_space<vmem>>
      %dma_start3A_409 = arith.constant 0 : i32
      %dma_start3A_410 = arith.constant 0 : i32
      %dma_start3A_411 = tpu.memref_slice %arg3[%dma_start3A_409, %dma_start3A_410] : memref<1007616x16xf32, #tpu.memory_space<hbm>> -> memref<1007616x16xf32, #tpu.memory_space<hbm>>
      tpu.enqueue_indirect_dma source(%dma_start3A_411 : memref<1007616x16xf32, #tpu.memory_space<hbm>>) target(%dma_start3A_405 : memref<128x16xf32, #tpu.memory_space<vmem>>) offsets(%dma_start3A_408 : memref<128xi32, #tpu.memory_space<vmem>>) semaphore(%arg9 : memref<!tpu.dma_semaphore, #tpu.memory_space<semaphore_mem>>)
      %dma_wait3A_412 = arith.constant 0 : i32
      %dma_wait3A_413 = arith.constant 0 : i32
      %dma_wait3A_414 = arith.constant 0 : i32
      %dma_wait3A_415 = tpu.memref_slice %arg6[%dma_wait3A_413, %dma_wait3A_414] : memref<3328x16xf32, #tpu.memory_space<vmem>> -> memref<128x16xf32, #tpu.memory_space<vmem>>
      %dma_wait3A_416 = arith.constant 0 : i32
      %dma_wait3A_417 = tpu.memref_slice %arg5[%dma_wait3A_412, %dma_wait3A_416] : memref<2x1664xi32, #tpu.memory_space<vmem>> -> memref<1x128xi32, #tpu.memory_space<vmem>>
      %dma_wait3A_418 = tpu.memref_squeeze %dma_wait3A_417 : memref<1x128xi32, #tpu.memory_space<vmem>> -> memref<128xi32, #tpu.memory_space<vmem>>
      %dma_wait3A_419 = arith.constant 0 : i32
      %dma_wait3A_420 = arith.constant 0 : i32
      %dma_wait3A_421 = tpu.memref_slice %arg3[%dma_wait3A_419, %dma_wait3A_420] : memref<1007616x16xf32, #tpu.memory_space<hbm>> -> memref<1007616x16xf32, #tpu.memory_space<hbm>>
      tpu.wait_indirect_dma semaphore(%arg8 : memref<!tpu.dma_semaphore, #tpu.memory_space<semaphore_mem>>) src(%dma_wait3A_421 : memref<1007616x16xf32, #tpu.memory_space<hbm>>) dst(%dma_wait3A_415 : memref<128x16xf32, #tpu.memory_space<vmem>>)
      %dma_wait3A_422 = arith.constant 0 : i32
      %dma_wait3A_423 = arith.constant 128 : i32
      %dma_wait3A_424 = arith.constant 0 : i32
      %dma_wait3A_425 = tpu.memref_slice %arg6[%dma_wait3A_423, %dma_wait3A_424] : memref<3328x16xf32, #tpu.memory_space<vmem>> -> memref<128x16xf32, #tpu.memory_space<vmem>>
      %dma_wait3A_426 = arith.constant 128 : i32
      %dma_wait3A_427 = tpu.memref_slice %arg5[%dma_wait3A_422, %dma_wait3A_426] : memref<2x1664xi32, #tpu.memory_space<vmem>> -> memref<1x128xi32, #tpu.memory_space<vmem>>
      %dma_wait3A_428 = tpu.memref_squeeze %dma_wait3A_427 : memref<1x128xi32, #tpu.memory_space<vmem>> -> memref<128xi32, #tpu.memory_space<vmem>>
      %dma_wait3A_429 = arith.constant 0 : i32
      %dma_wait3A_430 = arith.constant 0 : i32
      %dma_wait3A_431 = tpu.memref_slice %arg3[%dma_wait3A_429, %dma_wait3A_430] : memref<1007616x16xf32, #tpu.memory_space<hbm>> -> memref<1007616x16xf32, #tpu.memory_space<hbm>>
      tpu.wait_indirect_dma semaphore(%arg8 : memref<!tpu.dma_semaphore, #tpu.memory_space<semaphore_mem>>) src(%dma_wait3A_431 : memref<1007616x16xf32, #tpu.memory_space<hbm>>) dst(%dma_wait3A_425 : memref<128x16xf32, #tpu.memory_space<vmem>>)
      %dma_wait3A_432 = arith.constant 0 : i32
      %dma_wait3A_433 = arith.constant 256 : i32
      %dma_wait3A_434 = arith.constant 0 : i32
      %dma_wait3A_435 = tpu.memref_slice %arg6[%dma_wait3A_433, %dma_wait3A_434] : memref<3328x16xf32, #tpu.memory_space<vmem>> -> memref<128x16xf32, #tpu.memory_space<vmem>>
      %dma_wait3A_436 = arith.constant 256 : i32
      %dma_wait3A_437 = tpu.memref_slice %arg5[%dma_wait3A_432, %dma_wait3A_436] : memref<2x1664xi32, #tpu.memory_space<vmem>> -> memref<1x128xi32, #tpu.memory_space<vmem>>
      %dma_wait3A_438 = tpu.memref_squeeze %dma_wait3A_437 : memref<1x128xi32, #tpu.memory_space<vmem>> -> memref<128xi32, #tpu.memory_space<vmem>>
      %dma_wait3A_439 = arith.constant 0 : i32
      %dma_wait3A_440 = arith.constant 0 : i32
      %dma_wait3A_441 = tpu.memref_slice %arg3[%dma_wait3A_439, %dma_wait3A_440] : memref<1007616x16xf32, #tpu.memory_space<hbm>> -> memref<1007616x16xf32, #tpu.memory_space<hbm>>
      tpu.wait_indirect_dma semaphore(%arg8 : memref<!tpu.dma_semaphore, #tpu.memory_space<semaphore_mem>>) src(%dma_wait3A_441 : memref<1007616x16xf32, #tpu.memory_space<hbm>>) dst(%dma_wait3A_435 : memref<128x16xf32, #tpu.memory_space<vmem>>)
      %dma_wait3A_442 = arith.constant 0 : i32
      %dma_wait3A_443 = arith.constant 384 : i32
      %dma_wait3A_444 = arith.constant 0 : i32
      %dma_wait3A_445 = tpu.memref_slice %arg6[%dma_wait3A_443, %dma_wait3A_444] : memref<3328x16xf32, #tpu.memory_space<vmem>> -> memref<128x16xf32, #tpu.memory_space<vmem>>
      %dma_wait3A_446 = arith.constant 384 : i32
      %dma_wait3A_447 = tpu.memref_slice %arg5[%dma_wait3A_442, %dma_wait3A_446] : memref<2x1664xi32, #tpu.memory_space<vmem>> -> memref<1x128xi32, #tpu.memory_space<vmem>>
      %dma_wait3A_448 = tpu.memref_squeeze %dma_wait3A_447 : memref<1x128xi32, #tpu.memory_space<vmem>> -> memref<128xi32, #tpu.memory_space<vmem>>
      %dma_wait3A_449 = arith.constant 0 : i32
      %dma_wait3A_450 = arith.constant 0 : i32
      %dma_wait3A_451 = tpu.memref_slice %arg3[%dma_wait3A_449, %dma_wait3A_450] : memref<1007616x16xf32, #tpu.memory_space<hbm>> -> memref<1007616x16xf32, #tpu.memory_space<hbm>>
      tpu.wait_indirect_dma semaphore(%arg8 : memref<!tpu.dma_semaphore, #tpu.memory_space<semaphore_mem>>) src(%dma_wait3A_451 : memref<1007616x16xf32, #tpu.memory_space<hbm>>) dst(%dma_wait3A_445 : memref<128x16xf32, #tpu.memory_space<vmem>>)
      %dma_wait3A_452 = arith.constant 0 : i32
      %dma_wait3A_453 = arith.constant 512 : i32
      %dma_wait3A_454 = arith.constant 0 : i32
      %dma_wait3A_455 = tpu.memref_slice %arg6[%dma_wait3A_453, %dma_wait3A_454] : memref<3328x16xf32, #tpu.memory_space<vmem>> -> memref<128x16xf32, #tpu.memory_space<vmem>>
      %dma_wait3A_456 = arith.constant 512 : i32
      %dma_wait3A_457 = tpu.memref_slice %arg5[%dma_wait3A_452, %dma_wait3A_456] : memref<2x1664xi32, #tpu.memory_space<vmem>> -> memref<1x128xi32, #tpu.memory_space<vmem>>
      %dma_wait3A_458 = tpu.memref_squeeze %dma_wait3A_457 : memref<1x128xi32, #tpu.memory_space<vmem>> -> memref<128xi32, #tpu.memory_space<vmem>>
      %dma_wait3A_459 = arith.constant 0 : i32
      %dma_wait3A_460 = arith.constant 0 : i32
      %dma_wait3A_461 = tpu.memref_slice %arg3[%dma_wait3A_459, %dma_wait3A_460] : memref<1007616x16xf32, #tpu.memory_space<hbm>> -> memref<1007616x16xf32, #tpu.memory_space<hbm>>
      tpu.wait_indirect_dma semaphore(%arg8 : memref<!tpu.dma_semaphore, #tpu.memory_space<semaphore_mem>>) src(%dma_wait3A_461 : memref<1007616x16xf32, #tpu.memory_space<hbm>>) dst(%dma_wait3A_455 : memref<128x16xf32, #tpu.memory_space<vmem>>)
      %dma_wait3A_462 = arith.constant 0 : i32
      %dma_wait3A_463 = arith.constant 640 : i32
      %dma_wait3A_464 = arith.constant 0 : i32
      %dma_wait3A_465 = tpu.memref_slice %arg6[%dma_wait3A_463, %dma_wait3A_464] : memref<3328x16xf32, #tpu.memory_space<vmem>> -> memref<128x16xf32, #tpu.memory_space<vmem>>
      %dma_wait3A_466 = arith.constant 640 : i32
      %dma_wait3A_467 = tpu.memref_slice %arg5[%dma_wait3A_462, %dma_wait3A_466] : memref<2x1664xi32, #tpu.memory_space<vmem>> -> memref<1x128xi32, #tpu.memory_space<vmem>>
      %dma_wait3A_468 = tpu.memref_squeeze %dma_wait3A_467 : memref<1x128xi32, #tpu.memory_space<vmem>> -> memref<128xi32, #tpu.memory_space<vmem>>
      %dma_wait3A_469 = arith.constant 0 : i32
      %dma_wait3A_470 = arith.constant 0 : i32
      %dma_wait3A_471 = tpu.memref_slice %arg3[%dma_wait3A_469, %dma_wait3A_470] : memref<1007616x16xf32, #tpu.memory_space<hbm>> -> memref<1007616x16xf32, #tpu.memory_space<hbm>>
      tpu.wait_indirect_dma semaphore(%arg8 : memref<!tpu.dma_semaphore, #tpu.memory_space<semaphore_mem>>) src(%dma_wait3A_471 : memref<1007616x16xf32, #tpu.memory_space<hbm>>) dst(%dma_wait3A_465 : memref<128x16xf32, #tpu.memory_space<vmem>>)
      %dma_wait3A_472 = arith.constant 0 : i32
      %dma_wait3A_473 = arith.constant 768 : i32
      %dma_wait3A_474 = arith.constant 0 : i32
      %dma_wait3A_475 = tpu.memref_slice %arg6[%dma_wait3A_473, %dma_wait3A_474] : memref<3328x16xf32, #tpu.memory_space<vmem>> -> memref<128x16xf32, #tpu.memory_space<vmem>>
      %dma_wait3A_476 = arith.constant 768 : i32
      %dma_wait3A_477 = tpu.memref_slice %arg5[%dma_wait3A_472, %dma_wait3A_476] : memref<2x1664xi32, #tpu.memory_space<vmem>> -> memref<1x128xi32, #tpu.memory_space<vmem>>
      %dma_wait3A_478 = tpu.memref_squeeze %dma_wait3A_477 : memref<1x128xi32, #tpu.memory_space<vmem>> -> memref<128xi32, #tpu.memory_space<vmem>>
      %dma_wait3A_479 = arith.constant 0 : i32
      %dma_wait3A_480 = arith.constant 0 : i32
      %dma_wait3A_481 = tpu.memref_slice %arg3[%dma_wait3A_479, %dma_wait3A_480] : memref<1007616x16xf32, #tpu.memory_space<hbm>> -> memref<1007616x16xf32, #tpu.memory_space<hbm>>
      tpu.wait_indirect_dma semaphore(%arg8 : memref<!tpu.dma_semaphore, #tpu.memory_space<semaphore_mem>>) src(%dma_wait3A_481 : memref<1007616x16xf32, #tpu.memory_space<hbm>>) dst(%dma_wait3A_475 : memref<128x16xf32, #tpu.memory_space<vmem>>)
      %dma_wait3A_482 = arith.constant 0 : i32
      %dma_wait3A_483 = arith.constant 896 : i32
      %dma_wait3A_484 = arith.constant 0 : i32
      %dma_wait3A_485 = tpu.memref_slice %arg6[%dma_wait3A_483, %dma_wait3A_484] : memref<3328x16xf32, #tpu.memory_space<vmem>> -> memref<128x16xf32, #tpu.memory_space<vmem>>
      %dma_wait3A_486 = arith.constant 896 : i32
      %dma_wait3A_487 = tpu.memref_slice %arg5[%dma_wait3A_482, %dma_wait3A_486] : memref<2x1664xi32, #tpu.memory_space<vmem>> -> memref<1x128xi32, #tpu.memory_space<vmem>>
      %dma_wait3A_488 = tpu.memref_squeeze %dma_wait3A_487 : memref<1x128xi32, #tpu.memory_space<vmem>> -> memref<128xi32, #tpu.memory_space<vmem>>
      %dma_wait3A_489 = arith.constant 0 : i32
      %dma_wait3A_490 = arith.constant 0 : i32
      %dma_wait3A_491 = tpu.memref_slice %arg3[%dma_wait3A_489, %dma_wait3A_490] : memref<1007616x16xf32, #tpu.memory_space<hbm>> -> memref<1007616x16xf32, #tpu.memory_space<hbm>>
      tpu.wait_indirect_dma semaphore(%arg8 : memref<!tpu.dma_semaphore, #tpu.memory_space<semaphore_mem>>) src(%dma_wait3A_491 : memref<1007616x16xf32, #tpu.memory_space<hbm>>) dst(%dma_wait3A_485 : memref<128x16xf32, #tpu.memory_space<vmem>>)
      %dma_wait3A_492 = arith.constant 0 : i32
      %dma_wait3A_493 = arith.constant 1024 : i32
      %dma_wait3A_494 = arith.constant 0 : i32
      %dma_wait3A_495 = tpu.memref_slice %arg6[%dma_wait3A_493, %dma_wait3A_494] : memref<3328x16xf32, #tpu.memory_space<vmem>> -> memref<128x16xf32, #tpu.memory_space<vmem>>
      %dma_wait3A_496 = arith.constant 1024 : i32
      %dma_wait3A_497 = tpu.memref_slice %arg5[%dma_wait3A_492, %dma_wait3A_496] : memref<2x1664xi32, #tpu.memory_space<vmem>> -> memref<1x128xi32, #tpu.memory_space<vmem>>
      %dma_wait3A_498 = tpu.memref_squeeze %dma_wait3A_497 : memref<1x128xi32, #tpu.memory_space<vmem>> -> memref<128xi32, #tpu.memory_space<vmem>>
      %dma_wait3A_499 = arith.constant 0 : i32
      %dma_wait3A_500 = arith.constant 0 : i32
      %dma_wait3A_501 = tpu.memref_slice %arg3[%dma_wait3A_499, %dma_wait3A_500] : memref<1007616x16xf32, #tpu.memory_space<hbm>> -> memref<1007616x16xf32, #tpu.memory_space<hbm>>
      tpu.wait_indirect_dma semaphore(%arg8 : memref<!tpu.dma_semaphore, #tpu.memory_space<semaphore_mem>>) src(%dma_wait3A_501 : memref<1007616x16xf32, #tpu.memory_space<hbm>>) dst(%dma_wait3A_495 : memref<128x16xf32, #tpu.memory_space<vmem>>)
      %dma_wait3A_502 = arith.constant 0 : i32
      %dma_wait3A_503 = arith.constant 1152 : i32
      %dma_wait3A_504 = arith.constant 0 : i32
      %dma_wait3A_505 = tpu.memref_slice %arg6[%dma_wait3A_503, %dma_wait3A_504] : memref<3328x16xf32, #tpu.memory_space<vmem>> -> memref<128x16xf32, #tpu.memory_space<vmem>>
      %dma_wait3A_506 = arith.constant 1152 : i32
      %dma_wait3A_507 = tpu.memref_slice %arg5[%dma_wait3A_502, %dma_wait3A_506] : memref<2x1664xi32, #tpu.memory_space<vmem>> -> memref<1x128xi32, #tpu.memory_space<vmem>>
      %dma_wait3A_508 = tpu.memref_squeeze %dma_wait3A_507 : memref<1x128xi32, #tpu.memory_space<vmem>> -> memref<128xi32, #tpu.memory_space<vmem>>
      %dma_wait3A_509 = arith.constant 0 : i32
      %dma_wait3A_510 = arith.constant 0 : i32
      %dma_wait3A_511 = tpu.memref_slice %arg3[%dma_wait3A_509, %dma_wait3A_510] : memref<1007616x16xf32, #tpu.memory_space<hbm>> -> memref<1007616x16xf32, #tpu.memory_space<hbm>>
      tpu.wait_indirect_dma semaphore(%arg8 : memref<!tpu.dma_semaphore, #tpu.memory_space<semaphore_mem>>) src(%dma_wait3A_511 : memref<1007616x16xf32, #tpu.memory_space<hbm>>) dst(%dma_wait3A_505 : memref<128x16xf32, #tpu.memory_space<vmem>>)
      %dma_wait3A_512 = arith.constant 0 : i32
      %dma_wait3A_513 = arith.constant 1280 : i32
      %dma_wait3A_514 = arith.constant 0 : i32
      %dma_wait3A_515 = tpu.memref_slice %arg6[%dma_wait3A_513, %dma_wait3A_514] : memref<3328x16xf32, #tpu.memory_space<vmem>> -> memref<128x16xf32, #tpu.memory_space<vmem>>
      %dma_wait3A_516 = arith.constant 1280 : i32
      %dma_wait3A_517 = tpu.memref_slice %arg5[%dma_wait3A_512, %dma_wait3A_516] : memref<2x1664xi32, #tpu.memory_space<vmem>> -> memref<1x128xi32, #tpu.memory_space<vmem>>
      %dma_wait3A_518 = tpu.memref_squeeze %dma_wait3A_517 : memref<1x128xi32, #tpu.memory_space<vmem>> -> memref<128xi32, #tpu.memory_space<vmem>>
      %dma_wait3A_519 = arith.constant 0 : i32
      %dma_wait3A_520 = arith.constant 0 : i32
      %dma_wait3A_521 = tpu.memref_slice %arg3[%dma_wait3A_519, %dma_wait3A_520] : memref<1007616x16xf32, #tpu.memory_space<hbm>> -> memref<1007616x16xf32, #tpu.memory_space<hbm>>
      tpu.wait_indirect_dma semaphore(%arg8 : memref<!tpu.dma_semaphore, #tpu.memory_space<semaphore_mem>>) src(%dma_wait3A_521 : memref<1007616x16xf32, #tpu.memory_space<hbm>>) dst(%dma_wait3A_515 : memref<128x16xf32, #tpu.memory_space<vmem>>)
      %dma_wait3A_522 = arith.constant 0 : i32
      %dma_wait3A_523 = arith.constant 1408 : i32
      %dma_wait3A_524 = arith.constant 0 : i32
      %dma_wait3A_525 = tpu.memref_slice %arg6[%dma_wait3A_523, %dma_wait3A_524] : memref<3328x16xf32, #tpu.memory_space<vmem>> -> memref<128x16xf32, #tpu.memory_space<vmem>>
      %dma_wait3A_526 = arith.constant 1408 : i32
      %dma_wait3A_527 = tpu.memref_slice %arg5[%dma_wait3A_522, %dma_wait3A_526] : memref<2x1664xi32, #tpu.memory_space<vmem>> -> memref<1x128xi32, #tpu.memory_space<vmem>>
      %dma_wait3A_528 = tpu.memref_squeeze %dma_wait3A_527 : memref<1x128xi32, #tpu.memory_space<vmem>> -> memref<128xi32, #tpu.memory_space<vmem>>
      %dma_wait3A_529 = arith.constant 0 : i32
      %dma_wait3A_530 = arith.constant 0 : i32
      %dma_wait3A_531 = tpu.memref_slice %arg3[%dma_wait3A_529, %dma_wait3A_530] : memref<1007616x16xf32, #tpu.memory_space<hbm>> -> memref<1007616x16xf32, #tpu.memory_space<hbm>>
      tpu.wait_indirect_dma semaphore(%arg8 : memref<!tpu.dma_semaphore, #tpu.memory_space<semaphore_mem>>) src(%dma_wait3A_531 : memref<1007616x16xf32, #tpu.memory_space<hbm>>) dst(%dma_wait3A_525 : memref<128x16xf32, #tpu.memory_space<vmem>>)
      %dma_wait3A_532 = arith.constant 0 : i32
      %dma_wait3A_533 = arith.constant 1536 : i32
      %dma_wait3A_534 = arith.constant 0 : i32
      %dma_wait3A_535 = tpu.memref_slice %arg6[%dma_wait3A_533, %dma_wait3A_534] : memref<3328x16xf32, #tpu.memory_space<vmem>> -> memref<128x16xf32, #tpu.memory_space<vmem>>
      %dma_wait3A_536 = arith.constant 1536 : i32
      %dma_wait3A_537 = tpu.memref_slice %arg5[%dma_wait3A_532, %dma_wait3A_536] : memref<2x1664xi32, #tpu.memory_space<vmem>> -> memref<1x128xi32, #tpu.memory_space<vmem>>
      %dma_wait3A_538 = tpu.memref_squeeze %dma_wait3A_537 : memref<1x128xi32, #tpu.memory_space<vmem>> -> memref<128xi32, #tpu.memory_space<vmem>>
      %dma_wait3A_539 = arith.constant 0 : i32
      %dma_wait3A_540 = arith.constant 0 : i32
      %dma_wait3A_541 = tpu.memref_slice %arg3[%dma_wait3A_539, %dma_wait3A_540] : memref<1007616x16xf32, #tpu.memory_space<hbm>> -> memref<1007616x16xf32, #tpu.memory_space<hbm>>
      tpu.wait_indirect_dma semaphore(%arg8 : memref<!tpu.dma_semaphore, #tpu.memory_space<semaphore_mem>>) src(%dma_wait3A_541 : memref<1007616x16xf32, #tpu.memory_space<hbm>>) dst(%dma_wait3A_535 : memref<128x16xf32, #tpu.memory_space<vmem>>)
      %broadcast_in_dim3A = arith.constant 0.000000e+00 : f32
      %broadcast_in_dim3A_542 = vector.broadcast %broadcast_in_dim3A : f32 to vector<16xf32>
      %scan3A_543 = arith.constant 0 : i32
      %scan3A_544 = arith.constant 52 : i32
      %scan3A_545 = arith.addi %scan3A_543, %scan3A_544 : i32
      %scan3A_546 = arith.constant 1 : i32
      %scan3A_547:4 = scf.for %scan3A_1131 = %scan3A_543 to %scan3A_545 step %scan3A_546 iter_args(%scan3A_1132 = %broadcast_in_dim3A_542, %scan3A_1133 = %broadcast_in_dim3A_542, %scan3A_1134 = %broadcast_in_dim3A_542, %scan3A_1135 = %broadcast_in_dim3A_542) -> (vector<16xf32>, vector<16xf32>, vector<16xf32>, vector<16xf32>)  : i32 {
        %mul3A_1136 = arith.constant 4 : i32
        %mul3A_1137 = arith.muli %scan3A_1131, %mul3A_1136 : i32
        %add3A_1138 = arith.constant 0 : i32
        %add3A_1139 = arith.addi %add3A_1138, %mul3A_1137 : i32
        %get3A = arith.index_cast %add3A_1139 : i32 to index
        %get3A_1140 = arith.constant 0 : index
        %get3A_1141 = tpu.vector_load %arg6[%get3A, %get3A_1140] {strides = array<i32>} : memref<3328x16xf32, #tpu.memory_space<vmem>>, vector<1x16xf32>,
        %get3A_1142 = vector.shape_cast %get3A_1141 : vector<1x16xf32> to vector<16xf32>
        %add3A_1143 = arith.addf %scan3A_1132, %get3A_1142 : vector<16xf32>
        %add3A_1144 = arith.constant 1 : i32
        %add3A_1145 = arith.addi %add3A_1139, %add3A_1144 : i32
        %get3A_1146 = arith.index_cast %add3A_1145 : i32 to index
        %get3A_1147 = arith.constant 0 : index
        %get3A_1148 = tpu.vector_load %arg6[%get3A_1146, %get3A_1147] {strides = array<i32>} : memref<3328x16xf32, #tpu.memory_space<vmem>>, vector<1x16xf32>,
        %get3A_1149 = vector.shape_cast %get3A_1148 : vector<1x16xf32> to vector<16xf32>
        %add3A_1150 = arith.addf %scan3A_1133, %get3A_1149 : vector<16xf32>
        %add3A_1151 = arith.constant 2 : i32
        %add3A_1152 = arith.addi %add3A_1139, %add3A_1151 : i32
        %get3A_1153 = arith.index_cast %add3A_1152 : i32 to index
        %get3A_1154 = arith.constant 0 : index
        %get3A_1155 = tpu.vector_load %arg6[%get3A_1153, %get3A_1154] {strides = array<i32>} : memref<3328x16xf32, #tpu.memory_space<vmem>>, vector<1x16xf32>,
        %get3A_1156 = vector.shape_cast %get3A_1155 : vector<1x16xf32> to vector<16xf32>
        %add3A_1157 = arith.addf %scan3A_1134, %get3A_1156 : vector<16xf32>
        %add3A_1158 = arith.constant 3 : i32
        %add3A_1159 = arith.addi %add3A_1139, %add3A_1158 : i32
        %get3A_1160 = arith.index_cast %add3A_1159 : i32 to index
        %get3A_1161 = arith.constant 0 : index
        %get3A_1162 = tpu.vector_load %arg6[%get3A_1160, %get3A_1161] {strides = array<i32>} : memref<3328x16xf32, #tpu.memory_space<vmem>>, vector<1x16xf32>,
        %get3A_1163 = vector.shape_cast %get3A_1162 : vector<1x16xf32> to vector<16xf32>
        %add3A_1164 = arith.addf %scan3A_1135, %get3A_1163 : vector<16xf32>
        scf.yield %add3A_1143, %add3A_1150, %add3A_1157, %add3A_1164 : vector<16xf32>, vector<16xf32>, vector<16xf32>, vector<16xf32>
      }
      %scan3A_548 = arith.constant 52 : i32
      %add3A_549 = arith.addf %scan3A_547#0, %scan3A_547#1 : vector<16xf32>
      %add3A_550 = arith.addf %scan3A_547#2, %scan3A_547#3 : vector<16xf32>
      %add3A_551 = arith.addf %add3A_549, %add3A_550 : vector<16xf32>
      %mul3A_552 = arith.constant 8 : i32
      %mul3A_553 = arith.muli %add3A_273, %mul3A_552 : i32
      %add3A_554 = arith.constant 0 : i32
      %add3A_555 = arith.addi %mul3A_553, %add3A_554 : i32
      %swap3A = arith.index_cast %add3A_555 : i32 to index
      %swap3A_556 = arith.constant 0 : index
      %swap3A_557 = tpu.vector_load %arg7[%swap3A, %swap3A_556] {strides = array<i32>} : memref<512x16xf32, #tpu.memory_space<vmem>>, vector<1x16xf32>,
      %swap3A_558 = vector.shape_cast %swap3A_557 : vector<1x16xf32> to vector<16xf32>
      %swap3A_559 = vector.shape_cast %add3A_551 : vector<16xf32> to vector<1x16xf32>
      tpu.vector_store %arg7[%swap3A, %swap3A_556], %swap3A_559 {strides = array<i32>} : memref<512x16xf32, #tpu.memory_space<vmem>>, vector<1x16xf32>,
      %broadcast_in_dim3A_560 = arith.constant 0.000000e+00 : f32
      %broadcast_in_dim3A_561 = vector.broadcast %broadcast_in_dim3A_560 : f32 to vector<16xf32>
      %scan3A_562 = arith.constant 0 : i32
      %scan3A_563 = arith.constant 52 : i32
      %scan3A_564 = arith.addi %scan3A_562, %scan3A_563 : i32
      %scan3A_565 = arith.constant 1 : i32
      %scan3A_566:4 = scf.for %scan3A_1131 = %scan3A_562 to %scan3A_564 step %scan3A_565 iter_args(%scan3A_1132 = %broadcast_in_dim3A_561, %scan3A_1133 = %broadcast_in_dim3A_561, %scan3A_1134 = %broadcast_in_dim3A_561, %scan3A_1135 = %broadcast_in_dim3A_561) -> (vector<16xf32>, vector<16xf32>, vector<16xf32>, vector<16xf32>)  : i32 {
        %mul3A_1136 = arith.constant 4 : i32
        %mul3A_1137 = arith.muli %scan3A_1131, %mul3A_1136 : i32
        %add3A_1138 = arith.constant 208 : i32
        %add3A_1139 = arith.addi %add3A_1138, %mul3A_1137 : i32
        %get3A = arith.index_cast %add3A_1139 : i32 to index
        %get3A_1140 = arith.constant 0 : index
        %get3A_1141 = tpu.vector_load %arg6[%get3A, %get3A_1140] {strides = array<i32>} : memref<3328x16xf32, #tpu.memory_space<vmem>>, vector<1x16xf32>,
        %get3A_1142 = vector.shape_cast %get3A_1141 : vector<1x16xf32> to vector<16xf32>
        %add3A_1143 = arith.addf %scan3A_1132, %get3A_1142 : vector<16xf32>
        %add3A_1144 = arith.constant 1 : i32
        %add3A_1145 = arith.addi %add3A_1139, %add3A_1144 : i32
        %get3A_1146 = arith.index_cast %add3A_1145 : i32 to index
        %get3A_1147 = arith.constant 0 : index
        %get3A_1148 = tpu.vector_load %arg6[%get3A_1146, %get3A_1147] {strides = array<i32>} : memref<3328x16xf32, #tpu.memory_space<vmem>>, vector<1x16xf32>,
        %get3A_1149 = vector.shape_cast %get3A_1148 : vector<1x16xf32> to vector<16xf32>
        %add3A_1150 = arith.addf %scan3A_1133, %get3A_1149 : vector<16xf32>
        %add3A_1151 = arith.constant 2 : i32
        %add3A_1152 = arith.addi %add3A_1139, %add3A_1151 : i32
        %get3A_1153 = arith.index_cast %add3A_1152 : i32 to index
        %get3A_1154 = arith.constant 0 : index
        %get3A_1155 = tpu.vector_load %arg6[%get3A_1153, %get3A_1154] {strides = array<i32>} : memref<3328x16xf32, #tpu.memory_space<vmem>>, vector<1x16xf32>,
        %get3A_1156 = vector.shape_cast %get3A_1155 : vector<1x16xf32> to vector<16xf32>
        %add3A_1157 = arith.addf %scan3A_1134, %get3A_1156 : vector<16xf32>
        %add3A_1158 = arith.constant 3 : i32
        %add3A_1159 = arith.addi %add3A_1139, %add3A_1158 : i32
        %get3A_1160 = arith.index_cast %add3A_1159 : i32 to index
        %get3A_1161 = arith.constant 0 : index
        %get3A_1162 = tpu.vector_load %arg6[%get3A_1160, %get3A_1161] {strides = array<i32>} : memref<3328x16xf32, #tpu.memory_space<vmem>>, vector<1x16xf32>,
        %get3A_1163 = vector.shape_cast %get3A_1162 : vector<1x16xf32> to vector<16xf32>
        %add3A_1164 = arith.addf %scan3A_1135, %get3A_1163 : vector<16xf32>
        scf.yield %add3A_1143, %add3A_1150, %add3A_1157, %add3A_1164 : vector<16xf32>, vector<16xf32>, vector<16xf32>, vector<16xf32>
      }
      %scan3A_567 = arith.constant 52 : i32
      %add3A_568 = arith.addf %scan3A_566#0, %scan3A_566#1 : vector<16xf32>
      %add3A_569 = arith.addf %scan3A_566#2, %scan3A_566#3 : vector<16xf32>
      %add3A_570 = arith.addf %add3A_568, %add3A_569 : vector<16xf32>
      %mul3A_571 = arith.constant 8 : i32
      %mul3A_572 = arith.muli %add3A_273, %mul3A_571 : i32
      %add3A_573 = arith.constant 1 : i32
      %add3A_574 = arith.addi %mul3A_572, %add3A_573 : i32
      %swap3A_575 = arith.index_cast %add3A_574 : i32 to index
      %swap3A_576 = arith.constant 0 : index
      %swap3A_577 = tpu.vector_load %arg7[%swap3A_575, %swap3A_576] {strides = array<i32>} : memref<512x16xf32, #tpu.memory_space<vmem>>, vector<1x16xf32>,
      %swap3A_578 = vector.shape_cast %swap3A_577 : vector<1x16xf32> to vector<16xf32>
      %swap3A_579 = vector.shape_cast %add3A_570 : vector<16xf32> to vector<1x16xf32>
      tpu.vector_store %arg7[%swap3A_575, %swap3A_576], %swap3A_579 {strides = array<i32>} : memref<512x16xf32, #tpu.memory_space<vmem>>, vector<1x16xf32>,
      %broadcast_in_dim3A_580 = arith.constant 0.000000e+00 : f32
      %broadcast_in_dim3A_581 = vector.broadcast %broadcast_in_dim3A_580 : f32 to vector<16xf32>
      %scan3A_582 = arith.constant 0 : i32
      %scan3A_583 = arith.constant 52 : i32
      %scan3A_584 = arith.addi %scan3A_582, %scan3A_583 : i32
      %scan3A_585 = arith.constant 1 : i32
      %scan3A_586:4 = scf.for %scan3A_1131 = %scan3A_582 to %scan3A_584 step %scan3A_585 iter_args(%scan3A_1132 = %broadcast_in_dim3A_581, %scan3A_1133 = %broadcast_in_dim3A_581, %scan3A_1134 = %broadcast_in_dim3A_581, %scan3A_1135 = %broadcast_in_dim3A_581) -> (vector<16xf32>, vector<16xf32>, vector<16xf32>, vector<16xf32>)  : i32 {
        %mul3A_1136 = arith.constant 4 : i32
        %mul3A_1137 = arith.muli %scan3A_1131, %mul3A_1136 : i32
        %add3A_1138 = arith.constant 416 : i32
        %add3A_1139 = arith.addi %add3A_1138, %mul3A_1137 : i32
        %get3A = arith.index_cast %add3A_1139 : i32 to index
        %get3A_1140 = arith.constant 0 : index
        %get3A_1141 = tpu.vector_load %arg6[%get3A, %get3A_1140] {strides = array<i32>} : memref<3328x16xf32, #tpu.memory_space<vmem>>, vector<1x16xf32>,
        %get3A_1142 = vector.shape_cast %get3A_1141 : vector<1x16xf32> to vector<16xf32>
        %add3A_1143 = arith.addf %scan3A_1132, %get3A_1142 : vector<16xf32>
        %add3A_1144 = arith.constant 1 : i32
        %add3A_1145 = arith.addi %add3A_1139, %add3A_1144 : i32
        %get3A_1146 = arith.index_cast %add3A_1145 : i32 to index
        %get3A_1147 = arith.constant 0 : index
        %get3A_1148 = tpu.vector_load %arg6[%get3A_1146, %get3A_1147] {strides = array<i32>} : memref<3328x16xf32, #tpu.memory_space<vmem>>, vector<1x16xf32>,
        %get3A_1149 = vector.shape_cast %get3A_1148 : vector<1x16xf32> to vector<16xf32>
        %add3A_1150 = arith.addf %scan3A_1133, %get3A_1149 : vector<16xf32>
        %add3A_1151 = arith.constant 2 : i32
        %add3A_1152 = arith.addi %add3A_1139, %add3A_1151 : i32
        %get3A_1153 = arith.index_cast %add3A_1152 : i32 to index
        %get3A_1154 = arith.constant 0 : index
        %get3A_1155 = tpu.vector_load %arg6[%get3A_1153, %get3A_1154] {strides = array<i32>} : memref<3328x16xf32, #tpu.memory_space<vmem>>, vector<1x16xf32>,
        %get3A_1156 = vector.shape_cast %get3A_1155 : vector<1x16xf32> to vector<16xf32>
        %add3A_1157 = arith.addf %scan3A_1134, %get3A_1156 : vector<16xf32>
        %add3A_1158 = arith.constant 3 : i32
        %add3A_1159 = arith.addi %add3A_1139, %add3A_1158 : i32
        %get3A_1160 = arith.index_cast %add3A_1159 : i32 to index
        %get3A_1161 = arith.constant 0 : index
        %get3A_1162 = tpu.vector_load %arg6[%get3A_1160, %get3A_1161] {strides = array<i32>} : memref<3328x16xf32, #tpu.memory_space<vmem>>, vector<1x16xf32>,
        %get3A_1163 = vector.shape_cast %get3A_1162 : vector<1x16xf32> to vector<16xf32>
        %add3A_1164 = arith.addf %scan3A_1135, %get3A_1163 : vector<16xf32>
        scf.yield %add3A_1143, %add3A_1150, %add3A_1157, %add3A_1164 : vector<16xf32>, vector<16xf32>, vector<16xf32>, vector<16xf32>
      }
      %scan3A_587 = arith.constant 52 : i32
      %add3A_588 = arith.addf %scan3A_586#0, %scan3A_586#1 : vector<16xf32>
      %add3A_589 = arith.addf %scan3A_586#2, %scan3A_586#3 : vector<16xf32>
      %add3A_590 = arith.addf %add3A_588, %add3A_589 : vector<16xf32>
      %mul3A_591 = arith.constant 8 : i32
      %mul3A_592 = arith.muli %add3A_273, %mul3A_591 : i32
      %add3A_593 = arith.constant 2 : i32
      %add3A_594 = arith.addi %mul3A_592, %add3A_593 : i32
      %swap3A_595 = arith.index_cast %add3A_594 : i32 to index
      %swap3A_596 = arith.constant 0 : index
      %swap3A_597 = tpu.vector_load %arg7[%swap3A_595, %swap3A_596] {strides = array<i32>} : memref<512x16xf32, #tpu.memory_space<vmem>>, vector<1x16xf32>,
      %swap3A_598 = vector.shape_cast %swap3A_597 : vector<1x16xf32> to vector<16xf32>
      %swap3A_599 = vector.shape_cast %add3A_590 : vector<16xf32> to vector<1x16xf32>
      tpu.vector_store %arg7[%swap3A_595, %swap3A_596], %swap3A_599 {strides = array<i32>} : memref<512x16xf32, #tpu.memory_space<vmem>>, vector<1x16xf32>,
      %broadcast_in_dim3A_600 = arith.constant 0.000000e+00 : f32
      %broadcast_in_dim3A_601 = vector.broadcast %broadcast_in_dim3A_600 : f32 to vector<16xf32>
      %scan3A_602 = arith.constant 0 : i32
      %scan3A_603 = arith.constant 52 : i32
      %scan3A_604 = arith.addi %scan3A_602, %scan3A_603 : i32
      %scan3A_605 = arith.constant 1 : i32
      %scan3A_606:4 = scf.for %scan3A_1131 = %scan3A_602 to %scan3A_604 step %scan3A_605 iter_args(%scan3A_1132 = %broadcast_in_dim3A_601, %scan3A_1133 = %broadcast_in_dim3A_601, %scan3A_1134 = %broadcast_in_dim3A_601, %scan3A_1135 = %broadcast_in_dim3A_601) -> (vector<16xf32>, vector<16xf32>, vector<16xf32>, vector<16xf32>)  : i32 {
        %mul3A_1136 = arith.constant 4 : i32
        %mul3A_1137 = arith.muli %scan3A_1131, %mul3A_1136 : i32
        %add3A_1138 = arith.constant 624 : i32
        %add3A_1139 = arith.addi %add3A_1138, %mul3A_1137 : i32
        %get3A = arith.index_cast %add3A_1139 : i32 to index
        %get3A_1140 = arith.constant 0 : index
        %get3A_1141 = tpu.vector_load %arg6[%get3A, %get3A_1140] {strides = array<i32>} : memref<3328x16xf32, #tpu.memory_space<vmem>>, vector<1x16xf32>,
        %get3A_1142 = vector.shape_cast %get3A_1141 : vector<1x16xf32> to vector<16xf32>
        %add3A_1143 = arith.addf %scan3A_1132, %get3A_1142 : vector<16xf32>
        %add3A_1144 = arith.constant 1 : i32
        %add3A_1145 = arith.addi %add3A_1139, %add3A_1144 : i32
        %get3A_1146 = arith.index_cast %add3A_1145 : i32 to index
        %get3A_1147 = arith.constant 0 : index
        %get3A_1148 = tpu.vector_load %arg6[%get3A_1146, %get3A_1147] {strides = array<i32>} : memref<3328x16xf32, #tpu.memory_space<vmem>>, vector<1x16xf32>,
        %get3A_1149 = vector.shape_cast %get3A_1148 : vector<1x16xf32> to vector<16xf32>
        %add3A_1150 = arith.addf %scan3A_1133, %get3A_1149 : vector<16xf32>
        %add3A_1151 = arith.constant 2 : i32
        %add3A_1152 = arith.addi %add3A_1139, %add3A_1151 : i32
        %get3A_1153 = arith.index_cast %add3A_1152 : i32 to index
        %get3A_1154 = arith.constant 0 : index
        %get3A_1155 = tpu.vector_load %arg6[%get3A_1153, %get3A_1154] {strides = array<i32>} : memref<3328x16xf32, #tpu.memory_space<vmem>>, vector<1x16xf32>,
        %get3A_1156 = vector.shape_cast %get3A_1155 : vector<1x16xf32> to vector<16xf32>
        %add3A_1157 = arith.addf %scan3A_1134, %get3A_1156 : vector<16xf32>
        %add3A_1158 = arith.constant 3 : i32
        %add3A_1159 = arith.addi %add3A_1139, %add3A_1158 : i32
        %get3A_1160 = arith.index_cast %add3A_1159 : i32 to index
        %get3A_1161 = arith.constant 0 : index
        %get3A_1162 = tpu.vector_load %arg6[%get3A_1160, %get3A_1161] {strides = array<i32>} : memref<3328x16xf32, #tpu.memory_space<vmem>>, vector<1x16xf32>,
        %get3A_1163 = vector.shape_cast %get3A_1162 : vector<1x16xf32> to vector<16xf32>
        %add3A_1164 = arith.addf %scan3A_1135, %get3A_1163 : vector<16xf32>
        scf.yield %add3A_1143, %add3A_1150, %add3A_1157, %add3A_1164 : vector<16xf32>, vector<16xf32>, vector<16xf32>, vector<16xf32>
      }
      %scan3A_607 = arith.constant 52 : i32
      %add3A_608 = arith.addf %scan3A_606#0, %scan3A_606#1 : vector<16xf32>
      %add3A_609 = arith.addf %scan3A_606#2, %scan3A_606#3 : vector<16xf32>
      %add3A_610 = arith.addf %add3A_608, %add3A_609 : vector<16xf32>
      %mul3A_611 = arith.constant 8 : i32
      %mul3A_612 = arith.muli %add3A_273, %mul3A_611 : i32
      %add3A_613 = arith.constant 3 : i32
      %add3A_614 = arith.addi %mul3A_612, %add3A_613 : i32
      %swap3A_615 = arith.index_cast %add3A_614 : i32 to index
      %swap3A_616 = arith.constant 0 : index
      %swap3A_617 = tpu.vector_load %arg7[%swap3A_615, %swap3A_616] {strides = array<i32>} : memref<512x16xf32, #tpu.memory_space<vmem>>, vector<1x16xf32>,
      %swap3A_618 = vector.shape_cast %swap3A_617 : vector<1x16xf32> to vector<16xf32>
      %swap3A_619 = vector.shape_cast %add3A_610 : vector<16xf32> to vector<1x16xf32>
      tpu.vector_store %arg7[%swap3A_615, %swap3A_616], %swap3A_619 {strides = array<i32>} : memref<512x16xf32, #tpu.memory_space<vmem>>, vector<1x16xf32>,
      %broadcast_in_dim3A_620 = arith.constant 0.000000e+00 : f32
      %broadcast_in_dim3A_621 = vector.broadcast %broadcast_in_dim3A_620 : f32 to vector<16xf32>
      %scan3A_622 = arith.constant 0 : i32
      %scan3A_623 = arith.constant 52 : i32
      %scan3A_624 = arith.addi %scan3A_622, %scan3A_623 : i32
      %scan3A_625 = arith.constant 1 : i32
      %scan3A_626:4 = scf.for %scan3A_1131 = %scan3A_622 to %scan3A_624 step %scan3A_625 iter_args(%scan3A_1132 = %broadcast_in_dim3A_621, %scan3A_1133 = %broadcast_in_dim3A_621, %scan3A_1134 = %broadcast_in_dim3A_621, %scan3A_1135 = %broadcast_in_dim3A_621) -> (vector<16xf32>, vector<16xf32>, vector<16xf32>, vector<16xf32>)  : i32 {
        %mul3A_1136 = arith.constant 4 : i32
        %mul3A_1137 = arith.muli %scan3A_1131, %mul3A_1136 : i32
        %add3A_1138 = arith.constant 832 : i32
        %add3A_1139 = arith.addi %add3A_1138, %mul3A_1137 : i32
        %get3A = arith.index_cast %add3A_1139 : i32 to index
        %get3A_1140 = arith.constant 0 : index
        %get3A_1141 = tpu.vector_load %arg6[%get3A, %get3A_1140] {strides = array<i32>} : memref<3328x16xf32, #tpu.memory_space<vmem>>, vector<1x16xf32>,
        %get3A_1142 = vector.shape_cast %get3A_1141 : vector<1x16xf32> to vector<16xf32>
        %add3A_1143 = arith.addf %scan3A_1132, %get3A_1142 : vector<16xf32>
        %add3A_1144 = arith.constant 1 : i32
        %add3A_1145 = arith.addi %add3A_1139, %add3A_1144 : i32
        %get3A_1146 = arith.index_cast %add3A_1145 : i32 to index
        %get3A_1147 = arith.constant 0 : index
        %get3A_1148 = tpu.vector_load %arg6[%get3A_1146, %get3A_1147] {strides = array<i32>} : memref<3328x16xf32, #tpu.memory_space<vmem>>, vector<1x16xf32>,
        %get3A_1149 = vector.shape_cast %get3A_1148 : vector<1x16xf32> to vector<16xf32>
        %add3A_1150 = arith.addf %scan3A_1133, %get3A_1149 : vector<16xf32>
        %add3A_1151 = arith.constant 2 : i32
        %add3A_1152 = arith.addi %add3A_1139, %add3A_1151 : i32
        %get3A_1153 = arith.index_cast %add3A_1152 : i32 to index
        %get3A_1154 = arith.constant 0 : index
        %get3A_1155 = tpu.vector_load %arg6[%get3A_1153, %get3A_1154] {strides = array<i32>} : memref<3328x16xf32, #tpu.memory_space<vmem>>, vector<1x16xf32>,
        %get3A_1156 = vector.shape_cast %get3A_1155 : vector<1x16xf32> to vector<16xf32>
        %add3A_1157 = arith.addf %scan3A_1134, %get3A_1156 : vector<16xf32>
        %add3A_1158 = arith.constant 3 : i32
        %add3A_1159 = arith.addi %add3A_1139, %add3A_1158 : i32
        %get3A_1160 = arith.index_cast %add3A_1159 : i32 to index
        %get3A_1161 = arith.constant 0 : index
        %get3A_1162 = tpu.vector_load %arg6[%get3A_1160, %get3A_1161] {strides = array<i32>} : memref<3328x16xf32, #tpu.memory_space<vmem>>, vector<1x16xf32>,
        %get3A_1163 = vector.shape_cast %get3A_1162 : vector<1x16xf32> to vector<16xf32>
        %add3A_1164 = arith.addf %scan3A_1135, %get3A_1163 : vector<16xf32>
        scf.yield %add3A_1143, %add3A_1150, %add3A_1157, %add3A_1164 : vector<16xf32>, vector<16xf32>, vector<16xf32>, vector<16xf32>
      }
      %scan3A_627 = arith.constant 52 : i32
      %add3A_628 = arith.addf %scan3A_626#0, %scan3A_626#1 : vector<16xf32>
      %add3A_629 = arith.addf %scan3A_626#2, %scan3A_626#3 : vector<16xf32>
      %add3A_630 = arith.addf %add3A_628, %add3A_629 : vector<16xf32>
      %mul3A_631 = arith.constant 8 : i32
      %mul3A_632 = arith.muli %add3A_273, %mul3A_631 : i32
      %add3A_633 = arith.constant 4 : i32
      %add3A_634 = arith.addi %mul3A_632, %add3A_633 : i32
      %swap3A_635 = arith.index_cast %add3A_634 : i32 to index
      %swap3A_636 = arith.constant 0 : index
      %swap3A_637 = tpu.vector_load %arg7[%swap3A_635, %swap3A_636] {strides = array<i32>} : memref<512x16xf32, #tpu.memory_space<vmem>>, vector<1x16xf32>,
      %swap3A_638 = vector.shape_cast %swap3A_637 : vector<1x16xf32> to vector<16xf32>
      %swap3A_639 = vector.shape_cast %add3A_630 : vector<16xf32> to vector<1x16xf32>
      tpu.vector_store %arg7[%swap3A_635, %swap3A_636], %swap3A_639 {strides = array<i32>} : memref<512x16xf32, #tpu.memory_space<vmem>>, vector<1x16xf32>,
      %broadcast_in_dim3A_640 = arith.constant 0.000000e+00 : f32
      %broadcast_in_dim3A_641 = vector.broadcast %broadcast_in_dim3A_640 : f32 to vector<16xf32>
      %scan3A_642 = arith.constant 0 : i32
      %scan3A_643 = arith.constant 52 : i32
      %scan3A_644 = arith.addi %scan3A_642, %scan3A_643 : i32
      %scan3A_645 = arith.constant 1 : i32
      %scan3A_646:4 = scf.for %scan3A_1131 = %scan3A_642 to %scan3A_644 step %scan3A_645 iter_args(%scan3A_1132 = %broadcast_in_dim3A_641, %scan3A_1133 = %broadcast_in_dim3A_641, %scan3A_1134 = %broadcast_in_dim3A_641, %scan3A_1135 = %broadcast_in_dim3A_641) -> (vector<16xf32>, vector<16xf32>, vector<16xf32>, vector<16xf32>)  : i32 {
        %mul3A_1136 = arith.constant 4 : i32
        %mul3A_1137 = arith.muli %scan3A_1131, %mul3A_1136 : i32
        %add3A_1138 = arith.constant 1040 : i32
        %add3A_1139 = arith.addi %add3A_1138, %mul3A_1137 : i32
        %get3A = arith.index_cast %add3A_1139 : i32 to index
        %get3A_1140 = arith.constant 0 : index
        %get3A_1141 = tpu.vector_load %arg6[%get3A, %get3A_1140] {strides = array<i32>} : memref<3328x16xf32, #tpu.memory_space<vmem>>, vector<1x16xf32>,
        %get3A_1142 = vector.shape_cast %get3A_1141 : vector<1x16xf32> to vector<16xf32>
        %add3A_1143 = arith.addf %scan3A_1132, %get3A_1142 : vector<16xf32>
        %add3A_1144 = arith.constant 1 : i32
        %add3A_1145 = arith.addi %add3A_1139, %add3A_1144 : i32
        %get3A_1146 = arith.index_cast %add3A_1145 : i32 to index
        %get3A_1147 = arith.constant 0 : index
        %get3A_1148 = tpu.vector_load %arg6[%get3A_1146, %get3A_1147] {strides = array<i32>} : memref<3328x16xf32, #tpu.memory_space<vmem>>, vector<1x16xf32>,
        %get3A_1149 = vector.shape_cast %get3A_1148 : vector<1x16xf32> to vector<16xf32>
        %add3A_1150 = arith.addf %scan3A_1133, %get3A_1149 : vector<16xf32>
        %add3A_1151 = arith.constant 2 : i32
        %add3A_1152 = arith.addi %add3A_1139, %add3A_1151 : i32
        %get3A_1153 = arith.index_cast %add3A_1152 : i32 to index
        %get3A_1154 = arith.constant 0 : index
        %get3A_1155 = tpu.vector_load %arg6[%get3A_1153, %get3A_1154] {strides = array<i32>} : memref<3328x16xf32, #tpu.memory_space<vmem>>, vector<1x16xf32>,
        %get3A_1156 = vector.shape_cast %get3A_1155 : vector<1x16xf32> to vector<16xf32>
        %add3A_1157 = arith.addf %scan3A_1134, %get3A_1156 : vector<16xf32>
        %add3A_1158 = arith.constant 3 : i32
        %add3A_1159 = arith.addi %add3A_1139, %add3A_1158 : i32
        %get3A_1160 = arith.index_cast %add3A_1159 : i32 to index
        %get3A_1161 = arith.constant 0 : index
        %get3A_1162 = tpu.vector_load %arg6[%get3A_1160, %get3A_1161] {strides = array<i32>} : memref<3328x16xf32, #tpu.memory_space<vmem>>, vector<1x16xf32>,
        %get3A_1163 = vector.shape_cast %get3A_1162 : vector<1x16xf32> to vector<16xf32>
        %add3A_1164 = arith.addf %scan3A_1135, %get3A_1163 : vector<16xf32>
        scf.yield %add3A_1143, %add3A_1150, %add3A_1157, %add3A_1164 : vector<16xf32>, vector<16xf32>, vector<16xf32>, vector<16xf32>
      }
      %scan3A_647 = arith.constant 52 : i32
      %add3A_648 = arith.addf %scan3A_646#0, %scan3A_646#1 : vector<16xf32>
      %add3A_649 = arith.addf %scan3A_646#2, %scan3A_646#3 : vector<16xf32>
      %add3A_650 = arith.addf %add3A_648, %add3A_649 : vector<16xf32>
      %mul3A_651 = arith.constant 8 : i32
      %mul3A_652 = arith.muli %add3A_273, %mul3A_651 : i32
      %add3A_653 = arith.constant 5 : i32
      %add3A_654 = arith.addi %mul3A_652, %add3A_653 : i32
      %swap3A_655 = arith.index_cast %add3A_654 : i32 to index
      %swap3A_656 = arith.constant 0 : index
      %swap3A_657 = tpu.vector_load %arg7[%swap3A_655, %swap3A_656] {strides = array<i32>} : memref<512x16xf32, #tpu.memory_space<vmem>>, vector<1x16xf32>,
      %swap3A_658 = vector.shape_cast %swap3A_657 : vector<1x16xf32> to vector<16xf32>
      %swap3A_659 = vector.shape_cast %add3A_650 : vector<16xf32> to vector<1x16xf32>
      tpu.vector_store %arg7[%swap3A_655, %swap3A_656], %swap3A_659 {strides = array<i32>} : memref<512x16xf32, #tpu.memory_space<vmem>>, vector<1x16xf32>,
      %broadcast_in_dim3A_660 = arith.constant 0.000000e+00 : f32
      %broadcast_in_dim3A_661 = vector.broadcast %broadcast_in_dim3A_660 : f32 to vector<16xf32>
      %scan3A_662 = arith.constant 0 : i32
      %scan3A_663 = arith.constant 52 : i32
      %scan3A_664 = arith.addi %scan3A_662, %scan3A_663 : i32
      %scan3A_665 = arith.constant 1 : i32
      %scan3A_666:4 = scf.for %scan3A_1131 = %scan3A_662 to %scan3A_664 step %scan3A_665 iter_args(%scan3A_1132 = %broadcast_in_dim3A_661, %scan3A_1133 = %broadcast_in_dim3A_661, %scan3A_1134 = %broadcast_in_dim3A_661, %scan3A_1135 = %broadcast_in_dim3A_661) -> (vector<16xf32>, vector<16xf32>, vector<16xf32>, vector<16xf32>)  : i32 {
        %mul3A_1136 = arith.constant 4 : i32
        %mul3A_1137 = arith.muli %scan3A_1131, %mul3A_1136 : i32
        %add3A_1138 = arith.constant 1248 : i32
        %add3A_1139 = arith.addi %add3A_1138, %mul3A_1137 : i32
        %get3A = arith.index_cast %add3A_1139 : i32 to index
        %get3A_1140 = arith.constant 0 : index
        %get3A_1141 = tpu.vector_load %arg6[%get3A, %get3A_1140] {strides = array<i32>} : memref<3328x16xf32, #tpu.memory_space<vmem>>, vector<1x16xf32>,
        %get3A_1142 = vector.shape_cast %get3A_1141 : vector<1x16xf32> to vector<16xf32>
        %add3A_1143 = arith.addf %scan3A_1132, %get3A_1142 : vector<16xf32>
        %add3A_1144 = arith.constant 1 : i32
        %add3A_1145 = arith.addi %add3A_1139, %add3A_1144 : i32
        %get3A_1146 = arith.index_cast %add3A_1145 : i32 to index
        %get3A_1147 = arith.constant 0 : index
        %get3A_1148 = tpu.vector_load %arg6[%get3A_1146, %get3A_1147] {strides = array<i32>} : memref<3328x16xf32, #tpu.memory_space<vmem>>, vector<1x16xf32>,
        %get3A_1149 = vector.shape_cast %get3A_1148 : vector<1x16xf32> to vector<16xf32>
        %add3A_1150 = arith.addf %scan3A_1133, %get3A_1149 : vector<16xf32>
        %add3A_1151 = arith.constant 2 : i32
        %add3A_1152 = arith.addi %add3A_1139, %add3A_1151 : i32
        %get3A_1153 = arith.index_cast %add3A_1152 : i32 to index
        %get3A_1154 = arith.constant 0 : index
        %get3A_1155 = tpu.vector_load %arg6[%get3A_1153, %get3A_1154] {strides = array<i32>} : memref<3328x16xf32, #tpu.memory_space<vmem>>, vector<1x16xf32>,
        %get3A_1156 = vector.shape_cast %get3A_1155 : vector<1x16xf32> to vector<16xf32>
        %add3A_1157 = arith.addf %scan3A_1134, %get3A_1156 : vector<16xf32>
        %add3A_1158 = arith.constant 3 : i32
        %add3A_1159 = arith.addi %add3A_1139, %add3A_1158 : i32
        %get3A_1160 = arith.index_cast %add3A_1159 : i32 to index
        %get3A_1161 = arith.constant 0 : index
        %get3A_1162 = tpu.vector_load %arg6[%get3A_1160, %get3A_1161] {strides = array<i32>} : memref<3328x16xf32, #tpu.memory_space<vmem>>, vector<1x16xf32>,
        %get3A_1163 = vector.shape_cast %get3A_1162 : vector<1x16xf32> to vector<16xf32>
        %add3A_1164 = arith.addf %scan3A_1135, %get3A_1163 : vector<16xf32>
        scf.yield %add3A_1143, %add3A_1150, %add3A_1157, %add3A_1164 : vector<16xf32>, vector<16xf32>, vector<16xf32>, vector<16xf32>
      }
      %scan3A_667 = arith.constant 52 : i32
      %add3A_668 = arith.addf %scan3A_666#0, %scan3A_666#1 : vector<16xf32>
      %add3A_669 = arith.addf %scan3A_666#2, %scan3A_666#3 : vector<16xf32>
      %add3A_670 = arith.addf %add3A_668, %add3A_669 : vector<16xf32>
      %mul3A_671 = arith.constant 8 : i32
      %mul3A_672 = arith.muli %add3A_273, %mul3A_671 : i32
      %add3A_673 = arith.constant 6 : i32
      %add3A_674 = arith.addi %mul3A_672, %add3A_673 : i32
      %swap3A_675 = arith.index_cast %add3A_674 : i32 to index
      %swap3A_676 = arith.constant 0 : index
      %swap3A_677 = tpu.vector_load %arg7[%swap3A_675, %swap3A_676] {strides = array<i32>} : memref<512x16xf32, #tpu.memory_space<vmem>>, vector<1x16xf32>,
      %swap3A_678 = vector.shape_cast %swap3A_677 : vector<1x16xf32> to vector<16xf32>
      %swap3A_679 = vector.shape_cast %add3A_670 : vector<16xf32> to vector<1x16xf32>
      tpu.vector_store %arg7[%swap3A_675, %swap3A_676], %swap3A_679 {strides = array<i32>} : memref<512x16xf32, #tpu.memory_space<vmem>>, vector<1x16xf32>,
      %broadcast_in_dim3A_680 = arith.constant 0.000000e+00 : f32
      %broadcast_in_dim3A_681 = vector.broadcast %broadcast_in_dim3A_680 : f32 to vector<16xf32>
      %scan3A_682 = arith.constant 0 : i32
      %scan3A_683 = arith.constant 52 : i32
      %scan3A_684 = arith.addi %scan3A_682, %scan3A_683 : i32
      %scan3A_685 = arith.constant 1 : i32
      %scan3A_686:4 = scf.for %scan3A_1131 = %scan3A_682 to %scan3A_684 step %scan3A_685 iter_args(%scan3A_1132 = %broadcast_in_dim3A_681, %scan3A_1133 = %broadcast_in_dim3A_681, %scan3A_1134 = %broadcast_in_dim3A_681, %scan3A_1135 = %broadcast_in_dim3A_681) -> (vector<16xf32>, vector<16xf32>, vector<16xf32>, vector<16xf32>)  : i32 {
        %mul3A_1136 = arith.constant 4 : i32
        %mul3A_1137 = arith.muli %scan3A_1131, %mul3A_1136 : i32
        %add3A_1138 = arith.constant 1456 : i32
        %add3A_1139 = arith.addi %add3A_1138, %mul3A_1137 : i32
        %get3A = arith.index_cast %add3A_1139 : i32 to index
        %get3A_1140 = arith.constant 0 : index
        %get3A_1141 = tpu.vector_load %arg6[%get3A, %get3A_1140] {strides = array<i32>} : memref<3328x16xf32, #tpu.memory_space<vmem>>, vector<1x16xf32>,
        %get3A_1142 = vector.shape_cast %get3A_1141 : vector<1x16xf32> to vector<16xf32>
        %add3A_1143 = arith.addf %scan3A_1132, %get3A_1142 : vector<16xf32>
        %add3A_1144 = arith.constant 1 : i32
        %add3A_1145 = arith.addi %add3A_1139, %add3A_1144 : i32
        %get3A_1146 = arith.index_cast %add3A_1145 : i32 to index
        %get3A_1147 = arith.constant 0 : index
        %get3A_1148 = tpu.vector_load %arg6[%get3A_1146, %get3A_1147] {strides = array<i32>} : memref<3328x16xf32, #tpu.memory_space<vmem>>, vector<1x16xf32>,
        %get3A_1149 = vector.shape_cast %get3A_1148 : vector<1x16xf32> to vector<16xf32>
        %add3A_1150 = arith.addf %scan3A_1133, %get3A_1149 : vector<16xf32>
        %add3A_1151 = arith.constant 2 : i32
        %add3A_1152 = arith.addi %add3A_1139, %add3A_1151 : i32
        %get3A_1153 = arith.index_cast %add3A_1152 : i32 to index
        %get3A_1154 = arith.constant 0 : index
        %get3A_1155 = tpu.vector_load %arg6[%get3A_1153, %get3A_1154] {strides = array<i32>} : memref<3328x16xf32, #tpu.memory_space<vmem>>, vector<1x16xf32>,
        %get3A_1156 = vector.shape_cast %get3A_1155 : vector<1x16xf32> to vector<16xf32>
        %add3A_1157 = arith.addf %scan3A_1134, %get3A_1156 : vector<16xf32>
        %add3A_1158 = arith.constant 3 : i32
        %add3A_1159 = arith.addi %add3A_1139, %add3A_1158 : i32
        %get3A_1160 = arith.index_cast %add3A_1159 : i32 to index
        %get3A_1161 = arith.constant 0 : index
        %get3A_1162 = tpu.vector_load %arg6[%get3A_1160, %get3A_1161] {strides = array<i32>} : memref<3328x16xf32, #tpu.memory_space<vmem>>, vector<1x16xf32>,
        %get3A_1163 = vector.shape_cast %get3A_1162 : vector<1x16xf32> to vector<16xf32>
        %add3A_1164 = arith.addf %scan3A_1135, %get3A_1163 : vector<16xf32>
        scf.yield %add3A_1143, %add3A_1150, %add3A_1157, %add3A_1164 : vector<16xf32>, vector<16xf32>, vector<16xf32>, vector<16xf32>
      }
      %scan3A_687 = arith.constant 52 : i32
      %add3A_688 = arith.addf %scan3A_686#0, %scan3A_686#1 : vector<16xf32>
      %add3A_689 = arith.addf %scan3A_686#2, %scan3A_686#3 : vector<16xf32>
      %add3A_690 = arith.addf %add3A_688, %add3A_689 : vector<16xf32>
      %mul3A_691 = arith.constant 8 : i32
      %mul3A_692 = arith.muli %add3A_273, %mul3A_691 : i32
      %add3A_693 = arith.constant 7 : i32
      %add3A_694 = arith.addi %mul3A_692, %add3A_693 : i32
      %swap3A_695 = arith.index_cast %add3A_694 : i32 to index
      %swap3A_696 = arith.constant 0 : index
      %swap3A_697 = tpu.vector_load %arg7[%swap3A_695, %swap3A_696] {strides = array<i32>} : memref<512x16xf32, #tpu.memory_space<vmem>>, vector<1x16xf32>,
      %swap3A_698 = vector.shape_cast %swap3A_697 : vector<1x16xf32> to vector<16xf32>
      %swap3A_699 = vector.shape_cast %add3A_690 : vector<16xf32> to vector<1x16xf32>
      tpu.vector_store %arg7[%swap3A_695, %swap3A_696], %swap3A_699 {strides = array<i32>} : memref<512x16xf32, #tpu.memory_space<vmem>>, vector<1x16xf32>,
      %add3A_700 = arith.constant 2 : i32
      %add3A_701 = arith.addi %add3A_273, %add3A_700 : i32
      %min3A = arith.constant 62 : i32
      %min3A_702 = arith.minsi %add3A_701, %min3A : i32
      %mul3A_703 = arith.constant 8 : i32
      %mul3A_704 = arith.muli %min3A_702, %mul3A_703 : i32
      %add3A_705 = arith.addi %mul3A_2, %mul3A_704 : i32
      %mul3A_706 = arith.constant 208 : i32
      %mul3A_707 = arith.muli %add3A_705, %mul3A_706 : i32
      %run_scoped3A_708 = arith.constant 0 : i32
      "tpu.region"() ({
        %run_scoped3A_1131 = tpu.sem_alloc : memref<!tpu.dma_semaphore, #tpu.memory_space<semaphore_mem>>
        %dma_start3A_1132 = arith.constant 0 : i32
        %dma_start3A_1133 = tpu.memref_slice %arg5[%run_scoped3A_708, %dma_start3A_1132] : memref<2x1664xi32, #tpu.memory_space<vmem>> -> memref<1x1664xi32, #tpu.memory_space<vmem>>
        %dma_start3A_1134 = tpu.memref_squeeze %dma_start3A_1133 : memref<1x1664xi32, #tpu.memory_space<vmem>> -> memref<1664xi32, #tpu.memory_space<vmem>>
        %dma_start3A_1135 = tpu.memref_slice %arg2[%mul3A_707] : memref<3407872xi32, #tpu.memory_space<hbm>> -> memref<1664xi32, #tpu.memory_space<hbm>>
        %dma_start3A_1136 = arith.constant 0 : i32
        %dma_start3A_1137 = tpu.memref_slice %arg5[%run_scoped3A_708, %dma_start3A_1136] : memref<2x1664xi32, #tpu.memory_space<vmem>> -> memref<1x1664xi32, #tpu.memory_space<vmem>>
        %dma_start3A_1138 = tpu.memref_squeeze %dma_start3A_1137 : memref<1x1664xi32, #tpu.memory_space<vmem>> -> memref<1664xi32, #tpu.memory_space<vmem>>
        %dma_start3A_1139 = tpu.memref_slice %arg2[%mul3A_707] : memref<3407872xi32, #tpu.memory_space<hbm>> -> memref<1664xi32, #tpu.memory_space<hbm>>
        tpu.enqueue_dma source(%dma_start3A_1139 : memref<1664xi32, #tpu.memory_space<hbm>>) target(%dma_start3A_1138 : memref<1664xi32, #tpu.memory_space<vmem>>) target_semaphore(%run_scoped3A_1131 : memref<!tpu.dma_semaphore, #tpu.memory_space<semaphore_mem>>)
        %dma_wait3A_1140 = arith.constant 0 : i32
        %dma_wait3A_1141 = tpu.memref_slice %arg5[%run_scoped3A_708, %dma_wait3A_1140] : memref<2x1664xi32, #tpu.memory_space<vmem>> -> memref<1x1664xi32, #tpu.memory_space<vmem>>
        %dma_wait3A_1142 = tpu.memref_squeeze %dma_wait3A_1141 : memref<1x1664xi32, #tpu.memory_space<vmem>> -> memref<1664xi32, #tpu.memory_space<vmem>>
        %dma_wait3A_1143 = tpu.memref_slice %arg2[%mul3A_707] : memref<3407872xi32, #tpu.memory_space<hbm>> -> memref<1664xi32, #tpu.memory_space<hbm>>
        %dma_wait3A_1144 = arith.constant 0 : i32
        %dma_wait3A_1145 = tpu.memref_slice %arg5[%run_scoped3A_708, %dma_wait3A_1144] : memref<2x1664xi32, #tpu.memory_space<vmem>> -> memref<1x1664xi32, #tpu.memory_space<vmem>>
        %dma_wait3A_1146 = tpu.memref_squeeze %dma_wait3A_1145 : memref<1x1664xi32, #tpu.memory_space<vmem>> -> memref<1664xi32, #tpu.memory_space<vmem>>
        %dma_wait3A_1147 = tpu.memref_slice %arg2[%mul3A_707] : memref<3407872xi32, #tpu.memory_space<hbm>> -> memref<1664xi32, #tpu.memory_space<hbm>>
        tpu.wait_dma2 semaphore(%run_scoped3A_1131 : memref<!tpu.dma_semaphore, #tpu.memory_space<semaphore_mem>>) src(%dma_wait3A_1147 : memref<1664xi32, #tpu.memory_space<hbm>>) dst(%dma_wait3A_1146 : memref<1664xi32, #tpu.memory_space<vmem>>)
        tpu.yield
      }) : () -> ()
      %dma_start3A_709 = arith.constant 0 : i32
      %dma_start3A_710 = arith.constant 0 : i32
      %dma_start3A_711 = arith.constant 0 : i32
      %dma_start3A_712 = tpu.memref_slice %arg6[%dma_start3A_710, %dma_start3A_711] : memref<3328x16xf32, #tpu.memory_space<vmem>> -> memref<128x16xf32, #tpu.memory_space<vmem>>
      %dma_start3A_713 = arith.constant 0 : i32
      %dma_start3A_714 = tpu.memref_slice %arg5[%dma_start3A_709, %dma_start3A_713] : memref<2x1664xi32, #tpu.memory_space<vmem>> -> memref<1x128xi32, #tpu.memory_space<vmem>>
      %dma_start3A_715 = tpu.memref_squeeze %dma_start3A_714 : memref<1x128xi32, #tpu.memory_space<vmem>> -> memref<128xi32, #tpu.memory_space<vmem>>
      %dma_start3A_716 = arith.constant 0 : i32
      %dma_start3A_717 = arith.constant 0 : i32
      %dma_start3A_718 = tpu.memref_slice %arg3[%dma_start3A_716, %dma_start3A_717] : memref<1007616x16xf32, #tpu.memory_space<hbm>> -> memref<1007616x16xf32, #tpu.memory_space<hbm>>
      tpu.enqueue_indirect_dma source(%dma_start3A_718 : memref<1007616x16xf32, #tpu.memory_space<hbm>>) target(%dma_start3A_712 : memref<128x16xf32, #tpu.memory_space<vmem>>) offsets(%dma_start3A_715 : memref<128xi32, #tpu.memory_space<vmem>>) semaphore(%arg8 : memref<!tpu.dma_semaphore, #tpu.memory_space<semaphore_mem>>)
      %dma_start3A_719 = arith.constant 0 : i32
      %dma_start3A_720 = arith.constant 128 : i32
      %dma_start3A_721 = arith.constant 0 : i32
      %dma_start3A_722 = tpu.memref_slice %arg6[%dma_start3A_720, %dma_start3A_721] : memref<3328x16xf32, #tpu.memory_space<vmem>> -> memref<128x16xf32, #tpu.memory_space<vmem>>
      %dma_start3A_723 = arith.constant 128 : i32
      %dma_start3A_724 = tpu.memref_slice %arg5[%dma_start3A_719, %dma_start3A_723] : memref<2x1664xi32, #tpu.memory_space<vmem>> -> memref<1x128xi32, #tpu.memory_space<vmem>>
      %dma_start3A_725 = tpu.memref_squeeze %dma_start3A_724 : memref<1x128xi32, #tpu.memory_space<vmem>> -> memref<128xi32, #tpu.memory_space<vmem>>
      %dma_start3A_726 = arith.constant 0 : i32
      %dma_start3A_727 = arith.constant 0 : i32
      %dma_start3A_728 = tpu.memref_slice %arg3[%dma_start3A_726, %dma_start3A_727] : memref<1007616x16xf32, #tpu.memory_space<hbm>> -> memref<1007616x16xf32, #tpu.memory_space<hbm>>
      tpu.enqueue_indirect_dma source(%dma_start3A_728 : memref<1007616x16xf32, #tpu.memory_space<hbm>>) target(%dma_start3A_722 : memref<128x16xf32, #tpu.memory_space<vmem>>) offsets(%dma_start3A_725 : memref<128xi32, #tpu.memory_space<vmem>>) semaphore(%arg8 : memref<!tpu.dma_semaphore, #tpu.memory_space<semaphore_mem>>)
      %dma_start3A_729 = arith.constant 0 : i32
      %dma_start3A_730 = arith.constant 256 : i32
      %dma_start3A_731 = arith.constant 0 : i32
      %dma_start3A_732 = tpu.memref_slice %arg6[%dma_start3A_730, %dma_start3A_731] : memref<3328x16xf32, #tpu.memory_space<vmem>> -> memref<128x16xf32, #tpu.memory_space<vmem>>
      %dma_start3A_733 = arith.constant 256 : i32
      %dma_start3A_734 = tpu.memref_slice %arg5[%dma_start3A_729, %dma_start3A_733] : memref<2x1664xi32, #tpu.memory_space<vmem>> -> memref<1x128xi32, #tpu.memory_space<vmem>>
      %dma_start3A_735 = tpu.memref_squeeze %dma_start3A_734 : memref<1x128xi32, #tpu.memory_space<vmem>> -> memref<128xi32, #tpu.memory_space<vmem>>
      %dma_start3A_736 = arith.constant 0 : i32
      %dma_start3A_737 = arith.constant 0 : i32
      %dma_start3A_738 = tpu.memref_slice %arg3[%dma_start3A_736, %dma_start3A_737] : memref<1007616x16xf32, #tpu.memory_space<hbm>> -> memref<1007616x16xf32, #tpu.memory_space<hbm>>
      tpu.enqueue_indirect_dma source(%dma_start3A_738 : memref<1007616x16xf32, #tpu.memory_space<hbm>>) target(%dma_start3A_732 : memref<128x16xf32, #tpu.memory_space<vmem>>) offsets(%dma_start3A_735 : memref<128xi32, #tpu.memory_space<vmem>>) semaphore(%arg8 : memref<!tpu.dma_semaphore, #tpu.memory_space<semaphore_mem>>)
      %dma_start3A_739 = arith.constant 0 : i32
      %dma_start3A_740 = arith.constant 384 : i32
      %dma_start3A_741 = arith.constant 0 : i32
      %dma_start3A_742 = tpu.memref_slice %arg6[%dma_start3A_740, %dma_start3A_741] : memref<3328x16xf32, #tpu.memory_space<vmem>> -> memref<128x16xf32, #tpu.memory_space<vmem>>
      %dma_start3A_743 = arith.constant 384 : i32
      %dma_start3A_744 = tpu.memref_slice %arg5[%dma_start3A_739, %dma_start3A_743] : memref<2x1664xi32, #tpu.memory_space<vmem>> -> memref<1x128xi32, #tpu.memory_space<vmem>>
      %dma_start3A_745 = tpu.memref_squeeze %dma_start3A_744 : memref<1x128xi32, #tpu.memory_space<vmem>> -> memref<128xi32, #tpu.memory_space<vmem>>
      %dma_start3A_746 = arith.constant 0 : i32
      %dma_start3A_747 = arith.constant 0 : i32
      %dma_start3A_748 = tpu.memref_slice %arg3[%dma_start3A_746, %dma_start3A_747] : memref<1007616x16xf32, #tpu.memory_space<hbm>> -> memref<1007616x16xf32, #tpu.memory_space<hbm>>
      tpu.enqueue_indirect_dma source(%dma_start3A_748 : memref<1007616x16xf32, #tpu.memory_space<hbm>>) target(%dma_start3A_742 : memref<128x16xf32, #tpu.memory_space<vmem>>) offsets(%dma_start3A_745 : memref<128xi32, #tpu.memory_space<vmem>>) semaphore(%arg8 : memref<!tpu.dma_semaphore, #tpu.memory_space<semaphore_mem>>)
      %dma_start3A_749 = arith.constant 0 : i32
      %dma_start3A_750 = arith.constant 512 : i32
      %dma_start3A_751 = arith.constant 0 : i32
      %dma_start3A_752 = tpu.memref_slice %arg6[%dma_start3A_750, %dma_start3A_751] : memref<3328x16xf32, #tpu.memory_space<vmem>> -> memref<128x16xf32, #tpu.memory_space<vmem>>
      %dma_start3A_753 = arith.constant 512 : i32
      %dma_start3A_754 = tpu.memref_slice %arg5[%dma_start3A_749, %dma_start3A_753] : memref<2x1664xi32, #tpu.memory_space<vmem>> -> memref<1x128xi32, #tpu.memory_space<vmem>>
      %dma_start3A_755 = tpu.memref_squeeze %dma_start3A_754 : memref<1x128xi32, #tpu.memory_space<vmem>> -> memref<128xi32, #tpu.memory_space<vmem>>
      %dma_start3A_756 = arith.constant 0 : i32
      %dma_start3A_757 = arith.constant 0 : i32
      %dma_start3A_758 = tpu.memref_slice %arg3[%dma_start3A_756, %dma_start3A_757] : memref<1007616x16xf32, #tpu.memory_space<hbm>> -> memref<1007616x16xf32, #tpu.memory_space<hbm>>
      tpu.enqueue_indirect_dma source(%dma_start3A_758 : memref<1007616x16xf32, #tpu.memory_space<hbm>>) target(%dma_start3A_752 : memref<128x16xf32, #tpu.memory_space<vmem>>) offsets(%dma_start3A_755 : memref<128xi32, #tpu.memory_space<vmem>>) semaphore(%arg8 : memref<!tpu.dma_semaphore, #tpu.memory_space<semaphore_mem>>)
      %dma_start3A_759 = arith.constant 0 : i32
      %dma_start3A_760 = arith.constant 640 : i32
      %dma_start3A_761 = arith.constant 0 : i32
      %dma_start3A_762 = tpu.memref_slice %arg6[%dma_start3A_760, %dma_start3A_761] : memref<3328x16xf32, #tpu.memory_space<vmem>> -> memref<128x16xf32, #tpu.memory_space<vmem>>
      %dma_start3A_763 = arith.constant 640 : i32
      %dma_start3A_764 = tpu.memref_slice %arg5[%dma_start3A_759, %dma_start3A_763] : memref<2x1664xi32, #tpu.memory_space<vmem>> -> memref<1x128xi32, #tpu.memory_space<vmem>>
      %dma_start3A_765 = tpu.memref_squeeze %dma_start3A_764 : memref<1x128xi32, #tpu.memory_space<vmem>> -> memref<128xi32, #tpu.memory_space<vmem>>
      %dma_start3A_766 = arith.constant 0 : i32
      %dma_start3A_767 = arith.constant 0 : i32
      %dma_start3A_768 = tpu.memref_slice %arg3[%dma_start3A_766, %dma_start3A_767] : memref<1007616x16xf32, #tpu.memory_space<hbm>> -> memref<1007616x16xf32, #tpu.memory_space<hbm>>
      tpu.enqueue_indirect_dma source(%dma_start3A_768 : memref<1007616x16xf32, #tpu.memory_space<hbm>>) target(%dma_start3A_762 : memref<128x16xf32, #tpu.memory_space<vmem>>) offsets(%dma_start3A_765 : memref<128xi32, #tpu.memory_space<vmem>>) semaphore(%arg8 : memref<!tpu.dma_semaphore, #tpu.memory_space<semaphore_mem>>)
      %dma_start3A_769 = arith.constant 0 : i32
      %dma_start3A_770 = arith.constant 768 : i32
      %dma_start3A_771 = arith.constant 0 : i32
      %dma_start3A_772 = tpu.memref_slice %arg6[%dma_start3A_770, %dma_start3A_771] : memref<3328x16xf32, #tpu.memory_space<vmem>> -> memref<128x16xf32, #tpu.memory_space<vmem>>
      %dma_start3A_773 = arith.constant 768 : i32
      %dma_start3A_774 = tpu.memref_slice %arg5[%dma_start3A_769, %dma_start3A_773] : memref<2x1664xi32, #tpu.memory_space<vmem>> -> memref<1x128xi32, #tpu.memory_space<vmem>>
      %dma_start3A_775 = tpu.memref_squeeze %dma_start3A_774 : memref<1x128xi32, #tpu.memory_space<vmem>> -> memref<128xi32, #tpu.memory_space<vmem>>
      %dma_start3A_776 = arith.constant 0 : i32
      %dma_start3A_777 = arith.constant 0 : i32
      %dma_start3A_778 = tpu.memref_slice %arg3[%dma_start3A_776, %dma_start3A_777] : memref<1007616x16xf32, #tpu.memory_space<hbm>> -> memref<1007616x16xf32, #tpu.memory_space<hbm>>
      tpu.enqueue_indirect_dma source(%dma_start3A_778 : memref<1007616x16xf32, #tpu.memory_space<hbm>>) target(%dma_start3A_772 : memref<128x16xf32, #tpu.memory_space<vmem>>) offsets(%dma_start3A_775 : memref<128xi32, #tpu.memory_space<vmem>>) semaphore(%arg8 : memref<!tpu.dma_semaphore, #tpu.memory_space<semaphore_mem>>)
      %dma_start3A_779 = arith.constant 0 : i32
      %dma_start3A_780 = arith.constant 896 : i32
      %dma_start3A_781 = arith.constant 0 : i32
      %dma_start3A_782 = tpu.memref_slice %arg6[%dma_start3A_780, %dma_start3A_781] : memref<3328x16xf32, #tpu.memory_space<vmem>> -> memref<128x16xf32, #tpu.memory_space<vmem>>
      %dma_start3A_783 = arith.constant 896 : i32
      %dma_start3A_784 = tpu.memref_slice %arg5[%dma_start3A_779, %dma_start3A_783] : memref<2x1664xi32, #tpu.memory_space<vmem>> -> memref<1x128xi32, #tpu.memory_space<vmem>>
      %dma_start3A_785 = tpu.memref_squeeze %dma_start3A_784 : memref<1x128xi32, #tpu.memory_space<vmem>> -> memref<128xi32, #tpu.memory_space<vmem>>
      %dma_start3A_786 = arith.constant 0 : i32
      %dma_start3A_787 = arith.constant 0 : i32
      %dma_start3A_788 = tpu.memref_slice %arg3[%dma_start3A_786, %dma_start3A_787] : memref<1007616x16xf32, #tpu.memory_space<hbm>> -> memref<1007616x16xf32, #tpu.memory_space<hbm>>
      tpu.enqueue_indirect_dma source(%dma_start3A_788 : memref<1007616x16xf32, #tpu.memory_space<hbm>>) target(%dma_start3A_782 : memref<128x16xf32, #tpu.memory_space<vmem>>) offsets(%dma_start3A_785 : memref<128xi32, #tpu.memory_space<vmem>>) semaphore(%arg8 : memref<!tpu.dma_semaphore, #tpu.memory_space<semaphore_mem>>)
      %dma_start3A_789 = arith.constant 0 : i32
      %dma_start3A_790 = arith.constant 1024 : i32
      %dma_start3A_791 = arith.constant 0 : i32
      %dma_start3A_792 = tpu.memref_slice %arg6[%dma_start3A_790, %dma_start3A_791] : memref<3328x16xf32, #tpu.memory_space<vmem>> -> memref<128x16xf32, #tpu.memory_space<vmem>>
      %dma_start3A_793 = arith.constant 1024 : i32
      %dma_start3A_794 = tpu.memref_slice %arg5[%dma_start3A_789, %dma_start3A_793] : memref<2x1664xi32, #tpu.memory_space<vmem>> -> memref<1x128xi32, #tpu.memory_space<vmem>>
      %dma_start3A_795 = tpu.memref_squeeze %dma_start3A_794 : memref<1x128xi32, #tpu.memory_space<vmem>> -> memref<128xi32, #tpu.memory_space<vmem>>
      %dma_start3A_796 = arith.constant 0 : i32
      %dma_start3A_797 = arith.constant 0 : i32
      %dma_start3A_798 = tpu.memref_slice %arg3[%dma_start3A_796, %dma_start3A_797] : memref<1007616x16xf32, #tpu.memory_space<hbm>> -> memref<1007616x16xf32, #tpu.memory_space<hbm>>
      tpu.enqueue_indirect_dma source(%dma_start3A_798 : memref<1007616x16xf32, #tpu.memory_space<hbm>>) target(%dma_start3A_792 : memref<128x16xf32, #tpu.memory_space<vmem>>) offsets(%dma_start3A_795 : memref<128xi32, #tpu.memory_space<vmem>>) semaphore(%arg8 : memref<!tpu.dma_semaphore, #tpu.memory_space<semaphore_mem>>)
      %dma_start3A_799 = arith.constant 0 : i32
      %dma_start3A_800 = arith.constant 1152 : i32
      %dma_start3A_801 = arith.constant 0 : i32
      %dma_start3A_802 = tpu.memref_slice %arg6[%dma_start3A_800, %dma_start3A_801] : memref<3328x16xf32, #tpu.memory_space<vmem>> -> memref<128x16xf32, #tpu.memory_space<vmem>>
      %dma_start3A_803 = arith.constant 1152 : i32
      %dma_start3A_804 = tpu.memref_slice %arg5[%dma_start3A_799, %dma_start3A_803] : memref<2x1664xi32, #tpu.memory_space<vmem>> -> memref<1x128xi32, #tpu.memory_space<vmem>>
      %dma_start3A_805 = tpu.memref_squeeze %dma_start3A_804 : memref<1x128xi32, #tpu.memory_space<vmem>> -> memref<128xi32, #tpu.memory_space<vmem>>
      %dma_start3A_806 = arith.constant 0 : i32
      %dma_start3A_807 = arith.constant 0 : i32
      %dma_start3A_808 = tpu.memref_slice %arg3[%dma_start3A_806, %dma_start3A_807] : memref<1007616x16xf32, #tpu.memory_space<hbm>> -> memref<1007616x16xf32, #tpu.memory_space<hbm>>
      tpu.enqueue_indirect_dma source(%dma_start3A_808 : memref<1007616x16xf32, #tpu.memory_space<hbm>>) target(%dma_start3A_802 : memref<128x16xf32, #tpu.memory_space<vmem>>) offsets(%dma_start3A_805 : memref<128xi32, #tpu.memory_space<vmem>>) semaphore(%arg8 : memref<!tpu.dma_semaphore, #tpu.memory_space<semaphore_mem>>)
      %dma_start3A_809 = arith.constant 0 : i32
      %dma_start3A_810 = arith.constant 1280 : i32
      %dma_start3A_811 = arith.constant 0 : i32
      %dma_start3A_812 = tpu.memref_slice %arg6[%dma_start3A_810, %dma_start3A_811] : memref<3328x16xf32, #tpu.memory_space<vmem>> -> memref<128x16xf32, #tpu.memory_space<vmem>>
      %dma_start3A_813 = arith.constant 1280 : i32
      %dma_start3A_814 = tpu.memref_slice %arg5[%dma_start3A_809, %dma_start3A_813] : memref<2x1664xi32, #tpu.memory_space<vmem>> -> memref<1x128xi32, #tpu.memory_space<vmem>>
      %dma_start3A_815 = tpu.memref_squeeze %dma_start3A_814 : memref<1x128xi32, #tpu.memory_space<vmem>> -> memref<128xi32, #tpu.memory_space<vmem>>
      %dma_start3A_816 = arith.constant 0 : i32
      %dma_start3A_817 = arith.constant 0 : i32
      %dma_start3A_818 = tpu.memref_slice %arg3[%dma_start3A_816, %dma_start3A_817] : memref<1007616x16xf32, #tpu.memory_space<hbm>> -> memref<1007616x16xf32, #tpu.memory_space<hbm>>
      tpu.enqueue_indirect_dma source(%dma_start3A_818 : memref<1007616x16xf32, #tpu.memory_space<hbm>>) target(%dma_start3A_812 : memref<128x16xf32, #tpu.memory_space<vmem>>) offsets(%dma_start3A_815 : memref<128xi32, #tpu.memory_space<vmem>>) semaphore(%arg8 : memref<!tpu.dma_semaphore, #tpu.memory_space<semaphore_mem>>)
      %dma_start3A_819 = arith.constant 0 : i32
      %dma_start3A_820 = arith.constant 1408 : i32
      %dma_start3A_821 = arith.constant 0 : i32
      %dma_start3A_822 = tpu.memref_slice %arg6[%dma_start3A_820, %dma_start3A_821] : memref<3328x16xf32, #tpu.memory_space<vmem>> -> memref<128x16xf32, #tpu.memory_space<vmem>>
      %dma_start3A_823 = arith.constant 1408 : i32
      %dma_start3A_824 = tpu.memref_slice %arg5[%dma_start3A_819, %dma_start3A_823] : memref<2x1664xi32, #tpu.memory_space<vmem>> -> memref<1x128xi32, #tpu.memory_space<vmem>>
      %dma_start3A_825 = tpu.memref_squeeze %dma_start3A_824 : memref<1x128xi32, #tpu.memory_space<vmem>> -> memref<128xi32, #tpu.memory_space<vmem>>
      %dma_start3A_826 = arith.constant 0 : i32
      %dma_start3A_827 = arith.constant 0 : i32
      %dma_start3A_828 = tpu.memref_slice %arg3[%dma_start3A_826, %dma_start3A_827] : memref<1007616x16xf32, #tpu.memory_space<hbm>> -> memref<1007616x16xf32, #tpu.memory_space<hbm>>
      tpu.enqueue_indirect_dma source(%dma_start3A_828 : memref<1007616x16xf32, #tpu.memory_space<hbm>>) target(%dma_start3A_822 : memref<128x16xf32, #tpu.memory_space<vmem>>) offsets(%dma_start3A_825 : memref<128xi32, #tpu.memory_space<vmem>>) semaphore(%arg8 : memref<!tpu.dma_semaphore, #tpu.memory_space<semaphore_mem>>)
      %dma_start3A_829 = arith.constant 0 : i32
      %dma_start3A_830 = arith.constant 1536 : i32
      %dma_start3A_831 = arith.constant 0 : i32
      %dma_start3A_832 = tpu.memref_slice %arg6[%dma_start3A_830, %dma_start3A_831] : memref<3328x16xf32, #tpu.memory_space<vmem>> -> memref<128x16xf32, #tpu.memory_space<vmem>>
      %dma_start3A_833 = arith.constant 1536 : i32
      %dma_start3A_834 = tpu.memref_slice %arg5[%dma_start3A_829, %dma_start3A_833] : memref<2x1664xi32, #tpu.memory_space<vmem>> -> memref<1x128xi32, #tpu.memory_space<vmem>>
      %dma_start3A_835 = tpu.memref_squeeze %dma_start3A_834 : memref<1x128xi32, #tpu.memory_space<vmem>> -> memref<128xi32, #tpu.memory_space<vmem>>
      %dma_start3A_836 = arith.constant 0 : i32
      %dma_start3A_837 = arith.constant 0 : i32
      %dma_start3A_838 = tpu.memref_slice %arg3[%dma_start3A_836, %dma_start3A_837] : memref<1007616x16xf32, #tpu.memory_space<hbm>> -> memref<1007616x16xf32, #tpu.memory_space<hbm>>
      tpu.enqueue_indirect_dma source(%dma_start3A_838 : memref<1007616x16xf32, #tpu.memory_space<hbm>>) target(%dma_start3A_832 : memref<128x16xf32, #tpu.memory_space<vmem>>) offsets(%dma_start3A_835 : memref<128xi32, #tpu.memory_space<vmem>>) semaphore(%arg8 : memref<!tpu.dma_semaphore, #tpu.memory_space<semaphore_mem>>)
      %dma_wait3A_839 = arith.constant 1 : i32
      %dma_wait3A_840 = arith.constant 1664 : i32
      %dma_wait3A_841 = arith.constant 0 : i32
      %dma_wait3A_842 = tpu.memref_slice %arg6[%dma_wait3A_840, %dma_wait3A_841] : memref<3328x16xf32, #tpu.memory_space<vmem>> -> memref<128x16xf32, #tpu.memory_space<vmem>>
      %dma_wait3A_843 = arith.constant 0 : i32
      %dma_wait3A_844 = tpu.memref_slice %arg5[%dma_wait3A_839, %dma_wait3A_843] : memref<2x1664xi32, #tpu.memory_space<vmem>> -> memref<1x128xi32, #tpu.memory_space<vmem>>
      %dma_wait3A_845 = tpu.memref_squeeze %dma_wait3A_844 : memref<1x128xi32, #tpu.memory_space<vmem>> -> memref<128xi32, #tpu.memory_space<vmem>>
      %dma_wait3A_846 = arith.constant 0 : i32
      %dma_wait3A_847 = arith.constant 0 : i32
      %dma_wait3A_848 = tpu.memref_slice %arg3[%dma_wait3A_846, %dma_wait3A_847] : memref<1007616x16xf32, #tpu.memory_space<hbm>> -> memref<1007616x16xf32, #tpu.memory_space<hbm>>
      tpu.wait_indirect_dma semaphore(%arg9 : memref<!tpu.dma_semaphore, #tpu.memory_space<semaphore_mem>>) src(%dma_wait3A_848 : memref<1007616x16xf32, #tpu.memory_space<hbm>>) dst(%dma_wait3A_842 : memref<128x16xf32, #tpu.memory_space<vmem>>)
      %dma_wait3A_849 = arith.constant 1 : i32
      %dma_wait3A_850 = arith.constant 1792 : i32
      %dma_wait3A_851 = arith.constant 0 : i32
      %dma_wait3A_852 = tpu.memref_slice %arg6[%dma_wait3A_850, %dma_wait3A_851] : memref<3328x16xf32, #tpu.memory_space<vmem>> -> memref<128x16xf32, #tpu.memory_space<vmem>>
      %dma_wait3A_853 = arith.constant 128 : i32
      %dma_wait3A_854 = tpu.memref_slice %arg5[%dma_wait3A_849, %dma_wait3A_853] : memref<2x1664xi32, #tpu.memory_space<vmem>> -> memref<1x128xi32, #tpu.memory_space<vmem>>
      %dma_wait3A_855 = tpu.memref_squeeze %dma_wait3A_854 : memref<1x128xi32, #tpu.memory_space<vmem>> -> memref<128xi32, #tpu.memory_space<vmem>>
      %dma_wait3A_856 = arith.constant 0 : i32
      %dma_wait3A_857 = arith.constant 0 : i32
      %dma_wait3A_858 = tpu.memref_slice %arg3[%dma_wait3A_856, %dma_wait3A_857] : memref<1007616x16xf32, #tpu.memory_space<hbm>> -> memref<1007616x16xf32, #tpu.memory_space<hbm>>
      tpu.wait_indirect_dma semaphore(%arg9 : memref<!tpu.dma_semaphore, #tpu.memory_space<semaphore_mem>>) src(%dma_wait3A_858 : memref<1007616x16xf32, #tpu.memory_space<hbm>>) dst(%dma_wait3A_852 : memref<128x16xf32, #tpu.memory_space<vmem>>)
      %dma_wait3A_859 = arith.constant 1 : i32
      %dma_wait3A_860 = arith.constant 1920 : i32
      %dma_wait3A_861 = arith.constant 0 : i32
      %dma_wait3A_862 = tpu.memref_slice %arg6[%dma_wait3A_860, %dma_wait3A_861] : memref<3328x16xf32, #tpu.memory_space<vmem>> -> memref<128x16xf32, #tpu.memory_space<vmem>>
      %dma_wait3A_863 = arith.constant 256 : i32
      %dma_wait3A_864 = tpu.memref_slice %arg5[%dma_wait3A_859, %dma_wait3A_863] : memref<2x1664xi32, #tpu.memory_space<vmem>> -> memref<1x128xi32, #tpu.memory_space<vmem>>
      %dma_wait3A_865 = tpu.memref_squeeze %dma_wait3A_864 : memref<1x128xi32, #tpu.memory_space<vmem>> -> memref<128xi32, #tpu.memory_space<vmem>>
      %dma_wait3A_866 = arith.constant 0 : i32
      %dma_wait3A_867 = arith.constant 0 : i32
      %dma_wait3A_868 = tpu.memref_slice %arg3[%dma_wait3A_866, %dma_wait3A_867] : memref<1007616x16xf32, #tpu.memory_space<hbm>> -> memref<1007616x16xf32, #tpu.memory_space<hbm>>
      tpu.wait_indirect_dma semaphore(%arg9 : memref<!tpu.dma_semaphore, #tpu.memory_space<semaphore_mem>>) src(%dma_wait3A_868 : memref<1007616x16xf32, #tpu.memory_space<hbm>>) dst(%dma_wait3A_862 : memref<128x16xf32, #tpu.memory_space<vmem>>)
      %dma_wait3A_869 = arith.constant 1 : i32
      %dma_wait3A_870 = arith.constant 2048 : i32
      %dma_wait3A_871 = arith.constant 0 : i32
      %dma_wait3A_872 = tpu.memref_slice %arg6[%dma_wait3A_870, %dma_wait3A_871] : memref<3328x16xf32, #tpu.memory_space<vmem>> -> memref<128x16xf32, #tpu.memory_space<vmem>>
      %dma_wait3A_873 = arith.constant 384 : i32
      %dma_wait3A_874 = tpu.memref_slice %arg5[%dma_wait3A_869, %dma_wait3A_873] : memref<2x1664xi32, #tpu.memory_space<vmem>> -> memref<1x128xi32, #tpu.memory_space<vmem>>
      %dma_wait3A_875 = tpu.memref_squeeze %dma_wait3A_874 : memref<1x128xi32, #tpu.memory_space<vmem>> -> memref<128xi32, #tpu.memory_space<vmem>>
      %dma_wait3A_876 = arith.constant 0 : i32
      %dma_wait3A_877 = arith.constant 0 : i32
      %dma_wait3A_878 = tpu.memref_slice %arg3[%dma_wait3A_876, %dma_wait3A_877] : memref<1007616x16xf32, #tpu.memory_space<hbm>> -> memref<1007616x16xf32, #tpu.memory_space<hbm>>
      tpu.wait_indirect_dma semaphore(%arg9 : memref<!tpu.dma_semaphore, #tpu.memory_space<semaphore_mem>>) src(%dma_wait3A_878 : memref<1007616x16xf32, #tpu.memory_space<hbm>>) dst(%dma_wait3A_872 : memref<128x16xf32, #tpu.memory_space<vmem>>)
      %dma_wait3A_879 = arith.constant 1 : i32
      %dma_wait3A_880 = arith.constant 2176 : i32
      %dma_wait3A_881 = arith.constant 0 : i32
      %dma_wait3A_882 = tpu.memref_slice %arg6[%dma_wait3A_880, %dma_wait3A_881] : memref<3328x16xf32, #tpu.memory_space<vmem>> -> memref<128x16xf32, #tpu.memory_space<vmem>>
      %dma_wait3A_883 = arith.constant 512 : i32
      %dma_wait3A_884 = tpu.memref_slice %arg5[%dma_wait3A_879, %dma_wait3A_883] : memref<2x1664xi32, #tpu.memory_space<vmem>> -> memref<1x128xi32, #tpu.memory_space<vmem>>
      %dma_wait3A_885 = tpu.memref_squeeze %dma_wait3A_884 : memref<1x128xi32, #tpu.memory_space<vmem>> -> memref<128xi32, #tpu.memory_space<vmem>>
      %dma_wait3A_886 = arith.constant 0 : i32
      %dma_wait3A_887 = arith.constant 0 : i32
      %dma_wait3A_888 = tpu.memref_slice %arg3[%dma_wait3A_886, %dma_wait3A_887] : memref<1007616x16xf32, #tpu.memory_space<hbm>> -> memref<1007616x16xf32, #tpu.memory_space<hbm>>
      tpu.wait_indirect_dma semaphore(%arg9 : memref<!tpu.dma_semaphore, #tpu.memory_space<semaphore_mem>>) src(%dma_wait3A_888 : memref<1007616x16xf32, #tpu.memory_space<hbm>>) dst(%dma_wait3A_882 : memref<128x16xf32, #tpu.memory_space<vmem>>)
      %dma_wait3A_889 = arith.constant 1 : i32
      %dma_wait3A_890 = arith.constant 2304 : i32
      %dma_wait3A_891 = arith.constant 0 : i32
      %dma_wait3A_892 = tpu.memref_slice %arg6[%dma_wait3A_890, %dma_wait3A_891] : memref<3328x16xf32, #tpu.memory_space<vmem>> -> memref<128x16xf32, #tpu.memory_space<vmem>>
      %dma_wait3A_893 = arith.constant 640 : i32
      %dma_wait3A_894 = tpu.memref_slice %arg5[%dma_wait3A_889, %dma_wait3A_893] : memref<2x1664xi32, #tpu.memory_space<vmem>> -> memref<1x128xi32, #tpu.memory_space<vmem>>
      %dma_wait3A_895 = tpu.memref_squeeze %dma_wait3A_894 : memref<1x128xi32, #tpu.memory_space<vmem>> -> memref<128xi32, #tpu.memory_space<vmem>>
      %dma_wait3A_896 = arith.constant 0 : i32
      %dma_wait3A_897 = arith.constant 0 : i32
      %dma_wait3A_898 = tpu.memref_slice %arg3[%dma_wait3A_896, %dma_wait3A_897] : memref<1007616x16xf32, #tpu.memory_space<hbm>> -> memref<1007616x16xf32, #tpu.memory_space<hbm>>
      tpu.wait_indirect_dma semaphore(%arg9 : memref<!tpu.dma_semaphore, #tpu.memory_space<semaphore_mem>>) src(%dma_wait3A_898 : memref<1007616x16xf32, #tpu.memory_space<hbm>>) dst(%dma_wait3A_892 : memref<128x16xf32, #tpu.memory_space<vmem>>)
      %dma_wait3A_899 = arith.constant 1 : i32
      %dma_wait3A_900 = arith.constant 2432 : i32
      %dma_wait3A_901 = arith.constant 0 : i32
      %dma_wait3A_902 = tpu.memref_slice %arg6[%dma_wait3A_900, %dma_wait3A_901] : memref<3328x16xf32, #tpu.memory_space<vmem>> -> memref<128x16xf32, #tpu.memory_space<vmem>>
      %dma_wait3A_903 = arith.constant 768 : i32
      %dma_wait3A_904 = tpu.memref_slice %arg5[%dma_wait3A_899, %dma_wait3A_903] : memref<2x1664xi32, #tpu.memory_space<vmem>> -> memref<1x128xi32, #tpu.memory_space<vmem>>
      %dma_wait3A_905 = tpu.memref_squeeze %dma_wait3A_904 : memref<1x128xi32, #tpu.memory_space<vmem>> -> memref<128xi32, #tpu.memory_space<vmem>>
      %dma_wait3A_906 = arith.constant 0 : i32
      %dma_wait3A_907 = arith.constant 0 : i32
      %dma_wait3A_908 = tpu.memref_slice %arg3[%dma_wait3A_906, %dma_wait3A_907] : memref<1007616x16xf32, #tpu.memory_space<hbm>> -> memref<1007616x16xf32, #tpu.memory_space<hbm>>
      tpu.wait_indirect_dma semaphore(%arg9 : memref<!tpu.dma_semaphore, #tpu.memory_space<semaphore_mem>>) src(%dma_wait3A_908 : memref<1007616x16xf32, #tpu.memory_space<hbm>>) dst(%dma_wait3A_902 : memref<128x16xf32, #tpu.memory_space<vmem>>)
      %dma_wait3A_909 = arith.constant 1 : i32
      %dma_wait3A_910 = arith.constant 2560 : i32
      %dma_wait3A_911 = arith.constant 0 : i32
      %dma_wait3A_912 = tpu.memref_slice %arg6[%dma_wait3A_910, %dma_wait3A_911] : memref<3328x16xf32, #tpu.memory_space<vmem>> -> memref<128x16xf32, #tpu.memory_space<vmem>>
      %dma_wait3A_913 = arith.constant 896 : i32
      %dma_wait3A_914 = tpu.memref_slice %arg5[%dma_wait3A_909, %dma_wait3A_913] : memref<2x1664xi32, #tpu.memory_space<vmem>> -> memref<1x128xi32, #tpu.memory_space<vmem>>
      %dma_wait3A_915 = tpu.memref_squeeze %dma_wait3A_914 : memref<1x128xi32, #tpu.memory_space<vmem>> -> memref<128xi32, #tpu.memory_space<vmem>>
      %dma_wait3A_916 = arith.constant 0 : i32
      %dma_wait3A_917 = arith.constant 0 : i32
      %dma_wait3A_918 = tpu.memref_slice %arg3[%dma_wait3A_916, %dma_wait3A_917] : memref<1007616x16xf32, #tpu.memory_space<hbm>> -> memref<1007616x16xf32, #tpu.memory_space<hbm>>
      tpu.wait_indirect_dma semaphore(%arg9 : memref<!tpu.dma_semaphore, #tpu.memory_space<semaphore_mem>>) src(%dma_wait3A_918 : memref<1007616x16xf32, #tpu.memory_space<hbm>>) dst(%dma_wait3A_912 : memref<128x16xf32, #tpu.memory_space<vmem>>)
      %dma_wait3A_919 = arith.constant 1 : i32
      %dma_wait3A_920 = arith.constant 2688 : i32
      %dma_wait3A_921 = arith.constant 0 : i32
      %dma_wait3A_922 = tpu.memref_slice %arg6[%dma_wait3A_920, %dma_wait3A_921] : memref<3328x16xf32, #tpu.memory_space<vmem>> -> memref<128x16xf32, #tpu.memory_space<vmem>>
      %dma_wait3A_923 = arith.constant 1024 : i32
      %dma_wait3A_924 = tpu.memref_slice %arg5[%dma_wait3A_919, %dma_wait3A_923] : memref<2x1664xi32, #tpu.memory_space<vmem>> -> memref<1x128xi32, #tpu.memory_space<vmem>>
      %dma_wait3A_925 = tpu.memref_squeeze %dma_wait3A_924 : memref<1x128xi32, #tpu.memory_space<vmem>> -> memref<128xi32, #tpu.memory_space<vmem>>
      %dma_wait3A_926 = arith.constant 0 : i32
      %dma_wait3A_927 = arith.constant 0 : i32
      %dma_wait3A_928 = tpu.memref_slice %arg3[%dma_wait3A_926, %dma_wait3A_927] : memref<1007616x16xf32, #tpu.memory_space<hbm>> -> memref<1007616x16xf32, #tpu.memory_space<hbm>>
      tpu.wait_indirect_dma semaphore(%arg9 : memref<!tpu.dma_semaphore, #tpu.memory_space<semaphore_mem>>) src(%dma_wait3A_928 : memref<1007616x16xf32, #tpu.memory_space<hbm>>) dst(%dma_wait3A_922 : memref<128x16xf32, #tpu.memory_space<vmem>>)
      %dma_wait3A_929 = arith.constant 1 : i32
      %dma_wait3A_930 = arith.constant 2816 : i32
      %dma_wait3A_931 = arith.constant 0 : i32
      %dma_wait3A_932 = tpu.memref_slice %arg6[%dma_wait3A_930, %dma_wait3A_931] : memref<3328x16xf32, #tpu.memory_space<vmem>> -> memref<128x16xf32, #tpu.memory_space<vmem>>
      %dma_wait3A_933 = arith.constant 1152 : i32
      %dma_wait3A_934 = tpu.memref_slice %arg5[%dma_wait3A_929, %dma_wait3A_933] : memref<2x1664xi32, #tpu.memory_space<vmem>> -> memref<1x128xi32, #tpu.memory_space<vmem>>
      %dma_wait3A_935 = tpu.memref_squeeze %dma_wait3A_934 : memref<1x128xi32, #tpu.memory_space<vmem>> -> memref<128xi32, #tpu.memory_space<vmem>>
      %dma_wait3A_936 = arith.constant 0 : i32
      %dma_wait3A_937 = arith.constant 0 : i32
      %dma_wait3A_938 = tpu.memref_slice %arg3[%dma_wait3A_936, %dma_wait3A_937] : memref<1007616x16xf32, #tpu.memory_space<hbm>> -> memref<1007616x16xf32, #tpu.memory_space<hbm>>
      tpu.wait_indirect_dma semaphore(%arg9 : memref<!tpu.dma_semaphore, #tpu.memory_space<semaphore_mem>>) src(%dma_wait3A_938 : memref<1007616x16xf32, #tpu.memory_space<hbm>>) dst(%dma_wait3A_932 : memref<128x16xf32, #tpu.memory_space<vmem>>)
      %dma_wait3A_939 = arith.constant 1 : i32
      %dma_wait3A_940 = arith.constant 2944 : i32
      %dma_wait3A_941 = arith.constant 0 : i32
      %dma_wait3A_942 = tpu.memref_slice %arg6[%dma_wait3A_940, %dma_wait3A_941] : memref<3328x16xf32, #tpu.memory_space<vmem>> -> memref<128x16xf32, #tpu.memory_space<vmem>>
      %dma_wait3A_943 = arith.constant 1280 : i32
      %dma_wait3A_944 = tpu.memref_slice %arg5[%dma_wait3A_939, %dma_wait3A_943] : memref<2x1664xi32, #tpu.memory_space<vmem>> -> memref<1x128xi32, #tpu.memory_space<vmem>>
      %dma_wait3A_945 = tpu.memref_squeeze %dma_wait3A_944 : memref<1x128xi32, #tpu.memory_space<vmem>> -> memref<128xi32, #tpu.memory_space<vmem>>
      %dma_wait3A_946 = arith.constant 0 : i32
      %dma_wait3A_947 = arith.constant 0 : i32
      %dma_wait3A_948 = tpu.memref_slice %arg3[%dma_wait3A_946, %dma_wait3A_947] : memref<1007616x16xf32, #tpu.memory_space<hbm>> -> memref<1007616x16xf32, #tpu.memory_space<hbm>>
      tpu.wait_indirect_dma semaphore(%arg9 : memref<!tpu.dma_semaphore, #tpu.memory_space<semaphore_mem>>) src(%dma_wait3A_948 : memref<1007616x16xf32, #tpu.memory_space<hbm>>) dst(%dma_wait3A_942 : memref<128x16xf32, #tpu.memory_space<vmem>>)
      %dma_wait3A_949 = arith.constant 1 : i32
      %dma_wait3A_950 = arith.constant 3072 : i32
      %dma_wait3A_951 = arith.constant 0 : i32
      %dma_wait3A_952 = tpu.memref_slice %arg6[%dma_wait3A_950, %dma_wait3A_951] : memref<3328x16xf32, #tpu.memory_space<vmem>> -> memref<128x16xf32, #tpu.memory_space<vmem>>
      %dma_wait3A_953 = arith.constant 1408 : i32
      %dma_wait3A_954 = tpu.memref_slice %arg5[%dma_wait3A_949, %dma_wait3A_953] : memref<2x1664xi32, #tpu.memory_space<vmem>> -> memref<1x128xi32, #tpu.memory_space<vmem>>
      %dma_wait3A_955 = tpu.memref_squeeze %dma_wait3A_954 : memref<1x128xi32, #tpu.memory_space<vmem>> -> memref<128xi32, #tpu.memory_space<vmem>>
      %dma_wait3A_956 = arith.constant 0 : i32
      %dma_wait3A_957 = arith.constant 0 : i32
      %dma_wait3A_958 = tpu.memref_slice %arg3[%dma_wait3A_956, %dma_wait3A_957] : memref<1007616x16xf32, #tpu.memory_space<hbm>> -> memref<1007616x16xf32, #tpu.memory_space<hbm>>
      tpu.wait_indirect_dma semaphore(%arg9 : memref<!tpu.dma_semaphore, #tpu.memory_space<semaphore_mem>>) src(%dma_wait3A_958 : memref<1007616x16xf32, #tpu.memory_space<hbm>>) dst(%dma_wait3A_952 : memref<128x16xf32, #tpu.memory_space<vmem>>)
      %dma_wait3A_959 = arith.constant 1 : i32
      %dma_wait3A_960 = arith.constant 3200 : i32
      %dma_wait3A_961 = arith.constant 0 : i32
      %dma_wait3A_962 = tpu.memref_slice %arg6[%dma_wait3A_960, %dma_wait3A_961] : memref<3328x16xf32, #tpu.memory_space<vmem>> -> memref<128x16xf32, #tpu.memory_space<vmem>>
      %dma_wait3A_963 = arith.constant 1536 : i32
      %dma_wait3A_964 = tpu.memref_slice %arg5[%dma_wait3A_959, %dma_wait3A_963] : memref<2x1664xi32, #tpu.memory_space<vmem>> -> memref<1x128xi32, #tpu.memory_space<vmem>>
      %dma_wait3A_965 = tpu.memref_squeeze %dma_wait3A_964 : memref<1x128xi32, #tpu.memory_space<vmem>> -> memref<128xi32, #tpu.memory_space<vmem>>
      %dma_wait3A_966 = arith.constant 0 : i32
      %dma_wait3A_967 = arith.constant 0 : i32
      %dma_wait3A_968 = tpu.memref_slice %arg3[%dma_wait3A_966, %dma_wait3A_967] : memref<1007616x16xf32, #tpu.memory_space<hbm>> -> memref<1007616x16xf32, #tpu.memory_space<hbm>>
      tpu.wait_indirect_dma semaphore(%arg9 : memref<!tpu.dma_semaphore, #tpu.memory_space<semaphore_mem>>) src(%dma_wait3A_968 : memref<1007616x16xf32, #tpu.memory_space<hbm>>) dst(%dma_wait3A_962 : memref<128x16xf32, #tpu.memory_space<vmem>>)
      %add3A_969 = arith.constant 1 : i32
      %add3A_970 = arith.addi %add3A_273, %add3A_969 : i32
      %broadcast_in_dim3A_971 = arith.constant 0.000000e+00 : f32
      %broadcast_in_dim3A_972 = vector.broadcast %broadcast_in_dim3A_971 : f32 to vector<16xf32>
      %scan3A_973 = arith.constant 0 : i32
      %scan3A_974 = arith.constant 52 : i32
      %scan3A_975 = arith.addi %scan3A_973, %scan3A_974 : i32
      %scan3A_976 = arith.constant 1 : i32
      %scan3A_977:4 = scf.for %scan3A_1131 = %scan3A_973 to %scan3A_975 step %scan3A_976 iter_args(%scan3A_1132 = %broadcast_in_dim3A_972, %scan3A_1133 = %broadcast_in_dim3A_972, %scan3A_1134 = %broadcast_in_dim3A_972, %scan3A_1135 = %broadcast_in_dim3A_972) -> (vector<16xf32>, vector<16xf32>, vector<16xf32>, vector<16xf32>)  : i32 {
        %mul3A_1136 = arith.constant 4 : i32
        %mul3A_1137 = arith.muli %scan3A_1131, %mul3A_1136 : i32
        %add3A_1138 = arith.constant 1664 : i32
        %add3A_1139 = arith.addi %add3A_1138, %mul3A_1137 : i32
        %get3A = arith.index_cast %add3A_1139 : i32 to index
        %get3A_1140 = arith.constant 0 : index
        %get3A_1141 = tpu.vector_load %arg6[%get3A, %get3A_1140] {strides = array<i32>} : memref<3328x16xf32, #tpu.memory_space<vmem>>, vector<1x16xf32>,
        %get3A_1142 = vector.shape_cast %get3A_1141 : vector<1x16xf32> to vector<16xf32>
        %add3A_1143 = arith.addf %scan3A_1132, %get3A_1142 : vector<16xf32>
        %add3A_1144 = arith.constant 1 : i32
        %add3A_1145 = arith.addi %add3A_1139, %add3A_1144 : i32
        %get3A_1146 = arith.index_cast %add3A_1145 : i32 to index
        %get3A_1147 = arith.constant 0 : index
        %get3A_1148 = tpu.vector_load %arg6[%get3A_1146, %get3A_1147] {strides = array<i32>} : memref<3328x16xf32, #tpu.memory_space<vmem>>, vector<1x16xf32>,
        %get3A_1149 = vector.shape_cast %get3A_1148 : vector<1x16xf32> to vector<16xf32>
        %add3A_1150 = arith.addf %scan3A_1133, %get3A_1149 : vector<16xf32>
        %add3A_1151 = arith.constant 2 : i32
        %add3A_1152 = arith.addi %add3A_1139, %add3A_1151 : i32
        %get3A_1153 = arith.index_cast %add3A_1152 : i32 to index
        %get3A_1154 = arith.constant 0 : index
        %get3A_1155 = tpu.vector_load %arg6[%get3A_1153, %get3A_1154] {strides = array<i32>} : memref<3328x16xf32, #tpu.memory_space<vmem>>, vector<1x16xf32>,
        %get3A_1156 = vector.shape_cast %get3A_1155 : vector<1x16xf32> to vector<16xf32>
        %add3A_1157 = arith.addf %scan3A_1134, %get3A_1156 : vector<16xf32>
        %add3A_1158 = arith.constant 3 : i32
        %add3A_1159 = arith.addi %add3A_1139, %add3A_1158 : i32
        %get3A_1160 = arith.index_cast %add3A_1159 : i32 to index
        %get3A_1161 = arith.constant 0 : index
        %get3A_1162 = tpu.vector_load %arg6[%get3A_1160, %get3A_1161] {strides = array<i32>} : memref<3328x16xf32, #tpu.memory_space<vmem>>, vector<1x16xf32>,
        %get3A_1163 = vector.shape_cast %get3A_1162 : vector<1x16xf32> to vector<16xf32>
        %add3A_1164 = arith.addf %scan3A_1135, %get3A_1163 : vector<16xf32>
        scf.yield %add3A_1143, %add3A_1150, %add3A_1157, %add3A_1164 : vector<16xf32>, vector<16xf32>, vector<16xf32>, vector<16xf32>
      }
      %scan3A_978 = arith.constant 52 : i32
      %add3A_979 = arith.addf %scan3A_977#0, %scan3A_977#1 : vector<16xf32>
      %add3A_980 = arith.addf %scan3A_977#2, %scan3A_977#3 : vector<16xf32>
      %add3A_981 = arith.addf %add3A_979, %add3A_980 : vector<16xf32>
      %mul3A_982 = arith.constant 8 : i32
      %mul3A_983 = arith.muli %add3A_970, %mul3A_982 : i32
      %add3A_984 = arith.constant 0 : i32
      %add3A_985 = arith.addi %mul3A_983, %add3A_984 : i32
      %swap3A_986 = arith.index_cast %add3A_985 : i32 to index
      %swap3A_987 = arith.constant 0 : index
      %swap3A_988 = tpu.vector_load %arg7[%swap3A_986, %swap3A_987] {strides = array<i32>} : memref<512x16xf32, #tpu.memory_space<vmem>>, vector<1x16xf32>,
      %swap3A_989 = vector.shape_cast %swap3A_988 : vector<1x16xf32> to vector<16xf32>
      %swap3A_990 = vector.shape_cast %add3A_981 : vector<16xf32> to vector<1x16xf32>
      tpu.vector_store %arg7[%swap3A_986, %swap3A_987], %swap3A_990 {strides = array<i32>} : memref<512x16xf32, #tpu.memory_space<vmem>>, vector<1x16xf32>,
      %broadcast_in_dim3A_991 = arith.constant 0.000000e+00 : f32
      %broadcast_in_dim3A_992 = vector.broadcast %broadcast_in_dim3A_991 : f32 to vector<16xf32>
      %scan3A_993 = arith.constant 0 : i32
      %scan3A_994 = arith.constant 52 : i32
      %scan3A_995 = arith.addi %scan3A_993, %scan3A_994 : i32
      %scan3A_996 = arith.constant 1 : i32
      %scan3A_997:4 = scf.for %scan3A_1131 = %scan3A_993 to %scan3A_995 step %scan3A_996 iter_args(%scan3A_1132 = %broadcast_in_dim3A_992, %scan3A_1133 = %broadcast_in_dim3A_992, %scan3A_1134 = %broadcast_in_dim3A_992, %scan3A_1135 = %broadcast_in_dim3A_992) -> (vector<16xf32>, vector<16xf32>, vector<16xf32>, vector<16xf32>)  : i32 {
        %mul3A_1136 = arith.constant 4 : i32
        %mul3A_1137 = arith.muli %scan3A_1131, %mul3A_1136 : i32
        %add3A_1138 = arith.constant 1872 : i32
        %add3A_1139 = arith.addi %add3A_1138, %mul3A_1137 : i32
        %get3A = arith.index_cast %add3A_1139 : i32 to index
        %get3A_1140 = arith.constant 0 : index
        %get3A_1141 = tpu.vector_load %arg6[%get3A, %get3A_1140] {strides = array<i32>} : memref<3328x16xf32, #tpu.memory_space<vmem>>, vector<1x16xf32>,
        %get3A_1142 = vector.shape_cast %get3A_1141 : vector<1x16xf32> to vector<16xf32>
        %add3A_1143 = arith.addf %scan3A_1132, %get3A_1142 : vector<16xf32>
        %add3A_1144 = arith.constant 1 : i32
        %add3A_1145 = arith.addi %add3A_1139, %add3A_1144 : i32
        %get3A_1146 = arith.index_cast %add3A_1145 : i32 to index
        %get3A_1147 = arith.constant 0 : index
        %get3A_1148 = tpu.vector_load %arg6[%get3A_1146, %get3A_1147] {strides = array<i32>} : memref<3328x16xf32, #tpu.memory_space<vmem>>, vector<1x16xf32>,
        %get3A_1149 = vector.shape_cast %get3A_1148 : vector<1x16xf32> to vector<16xf32>
        %add3A_1150 = arith.addf %scan3A_1133, %get3A_1149 : vector<16xf32>
        %add3A_1151 = arith.constant 2 : i32
        %add3A_1152 = arith.addi %add3A_1139, %add3A_1151 : i32
        %get3A_1153 = arith.index_cast %add3A_1152 : i32 to index
        %get3A_1154 = arith.constant 0 : index
        %get3A_1155 = tpu.vector_load %arg6[%get3A_1153, %get3A_1154] {strides = array<i32>} : memref<3328x16xf32, #tpu.memory_space<vmem>>, vector<1x16xf32>,
        %get3A_1156 = vector.shape_cast %get3A_1155 : vector<1x16xf32> to vector<16xf32>
        %add3A_1157 = arith.addf %scan3A_1134, %get3A_1156 : vector<16xf32>
        %add3A_1158 = arith.constant 3 : i32
        %add3A_1159 = arith.addi %add3A_1139, %add3A_1158 : i32
        %get3A_1160 = arith.index_cast %add3A_1159 : i32 to index
        %get3A_1161 = arith.constant 0 : index
        %get3A_1162 = tpu.vector_load %arg6[%get3A_1160, %get3A_1161] {strides = array<i32>} : memref<3328x16xf32, #tpu.memory_space<vmem>>, vector<1x16xf32>,
        %get3A_1163 = vector.shape_cast %get3A_1162 : vector<1x16xf32> to vector<16xf32>
        %add3A_1164 = arith.addf %scan3A_1135, %get3A_1163 : vector<16xf32>
        scf.yield %add3A_1143, %add3A_1150, %add3A_1157, %add3A_1164 : vector<16xf32>, vector<16xf32>, vector<16xf32>, vector<16xf32>
      }
      %scan3A_998 = arith.constant 52 : i32
      %add3A_999 = arith.addf %scan3A_997#0, %scan3A_997#1 : vector<16xf32>
      %add3A_1000 = arith.addf %scan3A_997#2, %scan3A_997#3 : vector<16xf32>
      %add3A_1001 = arith.addf %add3A_999, %add3A_1000 : vector<16xf32>
      %mul3A_1002 = arith.constant 8 : i32
      %mul3A_1003 = arith.muli %add3A_970, %mul3A_1002 : i32
      %add3A_1004 = arith.constant 1 : i32
      %add3A_1005 = arith.addi %mul3A_1003, %add3A_1004 : i32
      %swap3A_1006 = arith.index_cast %add3A_1005 : i32 to index
      %swap3A_1007 = arith.constant 0 : index
      %swap3A_1008 = tpu.vector_load %arg7[%swap3A_1006, %swap3A_1007] {strides = array<i32>} : memref<512x16xf32, #tpu.memory_space<vmem>>, vector<1x16xf32>,
      %swap3A_1009 = vector.shape_cast %swap3A_1008 : vector<1x16xf32> to vector<16xf32>
      %swap3A_1010 = vector.shape_cast %add3A_1001 : vector<16xf32> to vector<1x16xf32>
      tpu.vector_store %arg7[%swap3A_1006, %swap3A_1007], %swap3A_1010 {strides = array<i32>} : memref<512x16xf32, #tpu.memory_space<vmem>>, vector<1x16xf32>,
      %broadcast_in_dim3A_1011 = arith.constant 0.000000e+00 : f32
      %broadcast_in_dim3A_1012 = vector.broadcast %broadcast_in_dim3A_1011 : f32 to vector<16xf32>
      %scan3A_1013 = arith.constant 0 : i32
      %scan3A_1014 = arith.constant 52 : i32
      %scan3A_1015 = arith.addi %scan3A_1013, %scan3A_1014 : i32
      %scan3A_1016 = arith.constant 1 : i32
      %scan3A_1017:4 = scf.for %scan3A_1131 = %scan3A_1013 to %scan3A_1015 step %scan3A_1016 iter_args(%scan3A_1132 = %broadcast_in_dim3A_1012, %scan3A_1133 = %broadcast_in_dim3A_1012, %scan3A_1134 = %broadcast_in_dim3A_1012, %scan3A_1135 = %broadcast_in_dim3A_1012) -> (vector<16xf32>, vector<16xf32>, vector<16xf32>, vector<16xf32>)  : i32 {
        %mul3A_1136 = arith.constant 4 : i32
        %mul3A_1137 = arith.muli %scan3A_1131, %mul3A_1136 : i32
        %add3A_1138 = arith.constant 2080 : i32
        %add3A_1139 = arith.addi %add3A_1138, %mul3A_1137 : i32
        %get3A = arith.index_cast %add3A_1139 : i32 to index
        %get3A_1140 = arith.constant 0 : index
        %get3A_1141 = tpu.vector_load %arg6[%get3A, %get3A_1140] {strides = array<i32>} : memref<3328x16xf32, #tpu.memory_space<vmem>>, vector<1x16xf32>,
        %get3A_1142 = vector.shape_cast %get3A_1141 : vector<1x16xf32> to vector<16xf32>
        %add3A_1143 = arith.addf %scan3A_1132, %get3A_1142 : vector<16xf32>
        %add3A_1144 = arith.constant 1 : i32
        %add3A_1145 = arith.addi %add3A_1139, %add3A_1144 : i32
        %get3A_1146 = arith.index_cast %add3A_1145 : i32 to index
        %get3A_1147 = arith.constant 0 : index
        %get3A_1148 = tpu.vector_load %arg6[%get3A_1146, %get3A_1147] {strides = array<i32>} : memref<3328x16xf32, #tpu.memory_space<vmem>>, vector<1x16xf32>,
        %get3A_1149 = vector.shape_cast %get3A_1148 : vector<1x16xf32> to vector<16xf32>
        %add3A_1150 = arith.addf %scan3A_1133, %get3A_1149 : vector<16xf32>
        %add3A_1151 = arith.constant 2 : i32
        %add3A_1152 = arith.addi %add3A_1139, %add3A_1151 : i32
        %get3A_1153 = arith.index_cast %add3A_1152 : i32 to index
        %get3A_1154 = arith.constant 0 : index
        %get3A_1155 = tpu.vector_load %arg6[%get3A_1153, %get3A_1154] {strides = array<i32>} : memref<3328x16xf32, #tpu.memory_space<vmem>>, vector<1x16xf32>,
        %get3A_1156 = vector.shape_cast %get3A_1155 : vector<1x16xf32> to vector<16xf32>
        %add3A_1157 = arith.addf %scan3A_1134, %get3A_1156 : vector<16xf32>
        %add3A_1158 = arith.constant 3 : i32
        %add3A_1159 = arith.addi %add3A_1139, %add3A_1158 : i32
        %get3A_1160 = arith.index_cast %add3A_1159 : i32 to index
        %get3A_1161 = arith.constant 0 : index
        %get3A_1162 = tpu.vector_load %arg6[%get3A_1160, %get3A_1161] {strides = array<i32>} : memref<3328x16xf32, #tpu.memory_space<vmem>>, vector<1x16xf32>,
        %get3A_1163 = vector.shape_cast %get3A_1162 : vector<1x16xf32> to vector<16xf32>
        %add3A_1164 = arith.addf %scan3A_1135, %get3A_1163 : vector<16xf32>
        scf.yield %add3A_1143, %add3A_1150, %add3A_1157, %add3A_1164 : vector<16xf32>, vector<16xf32>, vector<16xf32>, vector<16xf32>
      }
      %scan3A_1018 = arith.constant 52 : i32
      %add3A_1019 = arith.addf %scan3A_1017#0, %scan3A_1017#1 : vector<16xf32>
      %add3A_1020 = arith.addf %scan3A_1017#2, %scan3A_1017#3 : vector<16xf32>
      %add3A_1021 = arith.addf %add3A_1019, %add3A_1020 : vector<16xf32>
      %mul3A_1022 = arith.constant 8 : i32
      %mul3A_1023 = arith.muli %add3A_970, %mul3A_1022 : i32
      %add3A_1024 = arith.constant 2 : i32
      %add3A_1025 = arith.addi %mul3A_1023, %add3A_1024 : i32
      %swap3A_1026 = arith.index_cast %add3A_1025 : i32 to index
      %swap3A_1027 = arith.constant 0 : index
      %swap3A_1028 = tpu.vector_load %arg7[%swap3A_1026, %swap3A_1027] {strides = array<i32>} : memref<512x16xf32, #tpu.memory_space<vmem>>, vector<1x16xf32>,
      %swap3A_1029 = vector.shape_cast %swap3A_1028 : vector<1x16xf32> to vector<16xf32>
      %swap3A_1030 = vector.shape_cast %add3A_1021 : vector<16xf32> to vector<1x16xf32>
      tpu.vector_store %arg7[%swap3A_1026, %swap3A_1027], %swap3A_1030 {strides = array<i32>} : memref<512x16xf32, #tpu.memory_space<vmem>>, vector<1x16xf32>,
      %broadcast_in_dim3A_1031 = arith.constant 0.000000e+00 : f32
      %broadcast_in_dim3A_1032 = vector.broadcast %broadcast_in_dim3A_1031 : f32 to vector<16xf32>
      %scan3A_1033 = arith.constant 0 : i32
      %scan3A_1034 = arith.constant 52 : i32
      %scan3A_1035 = arith.addi %scan3A_1033, %scan3A_1034 : i32
      %scan3A_1036 = arith.constant 1 : i32
      %scan3A_1037:4 = scf.for %scan3A_1131 = %scan3A_1033 to %scan3A_1035 step %scan3A_1036 iter_args(%scan3A_1132 = %broadcast_in_dim3A_1032, %scan3A_1133 = %broadcast_in_dim3A_1032, %scan3A_1134 = %broadcast_in_dim3A_1032, %scan3A_1135 = %broadcast_in_dim3A_1032) -> (vector<16xf32>, vector<16xf32>, vector<16xf32>, vector<16xf32>)  : i32 {
        %mul3A_1136 = arith.constant 4 : i32
        %mul3A_1137 = arith.muli %scan3A_1131, %mul3A_1136 : i32
        %add3A_1138 = arith.constant 2288 : i32
        %add3A_1139 = arith.addi %add3A_1138, %mul3A_1137 : i32
        %get3A = arith.index_cast %add3A_1139 : i32 to index
        %get3A_1140 = arith.constant 0 : index
        %get3A_1141 = tpu.vector_load %arg6[%get3A, %get3A_1140] {strides = array<i32>} : memref<3328x16xf32, #tpu.memory_space<vmem>>, vector<1x16xf32>,
        %get3A_1142 = vector.shape_cast %get3A_1141 : vector<1x16xf32> to vector<16xf32>
        %add3A_1143 = arith.addf %scan3A_1132, %get3A_1142 : vector<16xf32>
        %add3A_1144 = arith.constant 1 : i32
        %add3A_1145 = arith.addi %add3A_1139, %add3A_1144 : i32
        %get3A_1146 = arith.index_cast %add3A_1145 : i32 to index
        %get3A_1147 = arith.constant 0 : index
        %get3A_1148 = tpu.vector_load %arg6[%get3A_1146, %get3A_1147] {strides = array<i32>} : memref<3328x16xf32, #tpu.memory_space<vmem>>, vector<1x16xf32>,
        %get3A_1149 = vector.shape_cast %get3A_1148 : vector<1x16xf32> to vector<16xf32>
        %add3A_1150 = arith.addf %scan3A_1133, %get3A_1149 : vector<16xf32>
        %add3A_1151 = arith.constant 2 : i32
        %add3A_1152 = arith.addi %add3A_1139, %add3A_1151 : i32
        %get3A_1153 = arith.index_cast %add3A_1152 : i32 to index
        %get3A_1154 = arith.constant 0 : index
        %get3A_1155 = tpu.vector_load %arg6[%get3A_1153, %get3A_1154] {strides = array<i32>} : memref<3328x16xf32, #tpu.memory_space<vmem>>, vector<1x16xf32>,
        %get3A_1156 = vector.shape_cast %get3A_1155 : vector<1x16xf32> to vector<16xf32>
        %add3A_1157 = arith.addf %scan3A_1134, %get3A_1156 : vector<16xf32>
        %add3A_1158 = arith.constant 3 : i32
        %add3A_1159 = arith.addi %add3A_1139, %add3A_1158 : i32
        %get3A_1160 = arith.index_cast %add3A_1159 : i32 to index
        %get3A_1161 = arith.constant 0 : index
        %get3A_1162 = tpu.vector_load %arg6[%get3A_1160, %get3A_1161] {strides = array<i32>} : memref<3328x16xf32, #tpu.memory_space<vmem>>, vector<1x16xf32>,
        %get3A_1163 = vector.shape_cast %get3A_1162 : vector<1x16xf32> to vector<16xf32>
        %add3A_1164 = arith.addf %scan3A_1135, %get3A_1163 : vector<16xf32>
        scf.yield %add3A_1143, %add3A_1150, %add3A_1157, %add3A_1164 : vector<16xf32>, vector<16xf32>, vector<16xf32>, vector<16xf32>
      }
      %scan3A_1038 = arith.constant 52 : i32
      %add3A_1039 = arith.addf %scan3A_1037#0, %scan3A_1037#1 : vector<16xf32>
      %add3A_1040 = arith.addf %scan3A_1037#2, %scan3A_1037#3 : vector<16xf32>
      %add3A_1041 = arith.addf %add3A_1039, %add3A_1040 : vector<16xf32>
      %mul3A_1042 = arith.constant 8 : i32
      %mul3A_1043 = arith.muli %add3A_970, %mul3A_1042 : i32
      %add3A_1044 = arith.constant 3 : i32
      %add3A_1045 = arith.addi %mul3A_1043, %add3A_1044 : i32
      %swap3A_1046 = arith.index_cast %add3A_1045 : i32 to index
      %swap3A_1047 = arith.constant 0 : index
      %swap3A_1048 = tpu.vector_load %arg7[%swap3A_1046, %swap3A_1047] {strides = array<i32>} : memref<512x16xf32, #tpu.memory_space<vmem>>, vector<1x16xf32>,
      %swap3A_1049 = vector.shape_cast %swap3A_1048 : vector<1x16xf32> to vector<16xf32>
      %swap3A_1050 = vector.shape_cast %add3A_1041 : vector<16xf32> to vector<1x16xf32>
      tpu.vector_store %arg7[%swap3A_1046, %swap3A_1047], %swap3A_1050 {strides = array<i32>} : memref<512x16xf32, #tpu.memory_space<vmem>>, vector<1x16xf32>,
      %broadcast_in_dim3A_1051 = arith.constant 0.000000e+00 : f32
      %broadcast_in_dim3A_1052 = vector.broadcast %broadcast_in_dim3A_1051 : f32 to vector<16xf32>
      %scan3A_1053 = arith.constant 0 : i32
      %scan3A_1054 = arith.constant 52 : i32
      %scan3A_1055 = arith.addi %scan3A_1053, %scan3A_1054 : i32
      %scan3A_1056 = arith.constant 1 : i32
      %scan3A_1057:4 = scf.for %scan3A_1131 = %scan3A_1053 to %scan3A_1055 step %scan3A_1056 iter_args(%scan3A_1132 = %broadcast_in_dim3A_1052, %scan3A_1133 = %broadcast_in_dim3A_1052, %scan3A_1134 = %broadcast_in_dim3A_1052, %scan3A_1135 = %broadcast_in_dim3A_1052) -> (vector<16xf32>, vector<16xf32>, vector<16xf32>, vector<16xf32>)  : i32 {
        %mul3A_1136 = arith.constant 4 : i32
        %mul3A_1137 = arith.muli %scan3A_1131, %mul3A_1136 : i32
        %add3A_1138 = arith.constant 2496 : i32
        %add3A_1139 = arith.addi %add3A_1138, %mul3A_1137 : i32
        %get3A = arith.index_cast %add3A_1139 : i32 to index
        %get3A_1140 = arith.constant 0 : index
        %get3A_1141 = tpu.vector_load %arg6[%get3A, %get3A_1140] {strides = array<i32>} : memref<3328x16xf32, #tpu.memory_space<vmem>>, vector<1x16xf32>,
        %get3A_1142 = vector.shape_cast %get3A_1141 : vector<1x16xf32> to vector<16xf32>
        %add3A_1143 = arith.addf %scan3A_1132, %get3A_1142 : vector<16xf32>
        %add3A_1144 = arith.constant 1 : i32
        %add3A_1145 = arith.addi %add3A_1139, %add3A_1144 : i32
        %get3A_1146 = arith.index_cast %add3A_1145 : i32 to index
        %get3A_1147 = arith.constant 0 : index
        %get3A_1148 = tpu.vector_load %arg6[%get3A_1146, %get3A_1147] {strides = array<i32>} : memref<3328x16xf32, #tpu.memory_space<vmem>>, vector<1x16xf32>,
        %get3A_1149 = vector.shape_cast %get3A_1148 : vector<1x16xf32> to vector<16xf32>
        %add3A_1150 = arith.addf %scan3A_1133, %get3A_1149 : vector<16xf32>
        %add3A_1151 = arith.constant 2 : i32
        %add3A_1152 = arith.addi %add3A_1139, %add3A_1151 : i32
        %get3A_1153 = arith.index_cast %add3A_1152 : i32 to index
        %get3A_1154 = arith.constant 0 : index
        %get3A_1155 = tpu.vector_load %arg6[%get3A_1153, %get3A_1154] {strides = array<i32>} : memref<3328x16xf32, #tpu.memory_space<vmem>>, vector<1x16xf32>,
        %get3A_1156 = vector.shape_cast %get3A_1155 : vector<1x16xf32> to vector<16xf32>
        %add3A_1157 = arith.addf %scan3A_1134, %get3A_1156 : vector<16xf32>
        %add3A_1158 = arith.constant 3 : i32
        %add3A_1159 = arith.addi %add3A_1139, %add3A_1158 : i32
        %get3A_1160 = arith.index_cast %add3A_1159 : i32 to index
        %get3A_1161 = arith.constant 0 : index
        %get3A_1162 = tpu.vector_load %arg6[%get3A_1160, %get3A_1161] {strides = array<i32>} : memref<3328x16xf32, #tpu.memory_space<vmem>>, vector<1x16xf32>,
        %get3A_1163 = vector.shape_cast %get3A_1162 : vector<1x16xf32> to vector<16xf32>
        %add3A_1164 = arith.addf %scan3A_1135, %get3A_1163 : vector<16xf32>
        scf.yield %add3A_1143, %add3A_1150, %add3A_1157, %add3A_1164 : vector<16xf32>, vector<16xf32>, vector<16xf32>, vector<16xf32>
      }
      %scan3A_1058 = arith.constant 52 : i32
      %add3A_1059 = arith.addf %scan3A_1057#0, %scan3A_1057#1 : vector<16xf32>
      %add3A_1060 = arith.addf %scan3A_1057#2, %scan3A_1057#3 : vector<16xf32>
      %add3A_1061 = arith.addf %add3A_1059, %add3A_1060 : vector<16xf32>
      %mul3A_1062 = arith.constant 8 : i32
      %mul3A_1063 = arith.muli %add3A_970, %mul3A_1062 : i32
      %add3A_1064 = arith.constant 4 : i32
      %add3A_1065 = arith.addi %mul3A_1063, %add3A_1064 : i32
      %swap3A_1066 = arith.index_cast %add3A_1065 : i32 to index
      %swap3A_1067 = arith.constant 0 : index
      %swap3A_1068 = tpu.vector_load %arg7[%swap3A_1066, %swap3A_1067] {strides = array<i32>} : memref<512x16xf32, #tpu.memory_space<vmem>>, vector<1x16xf32>,
      %swap3A_1069 = vector.shape_cast %swap3A_1068 : vector<1x16xf32> to vector<16xf32>
      %swap3A_1070 = vector.shape_cast %add3A_1061 : vector<16xf32> to vector<1x16xf32>
      tpu.vector_store %arg7[%swap3A_1066, %swap3A_1067], %swap3A_1070 {strides = array<i32>} : memref<512x16xf32, #tpu.memory_space<vmem>>, vector<1x16xf32>,
      %broadcast_in_dim3A_1071 = arith.constant 0.000000e+00 : f32
      %broadcast_in_dim3A_1072 = vector.broadcast %broadcast_in_dim3A_1071 : f32 to vector<16xf32>
      %scan3A_1073 = arith.constant 0 : i32
      %scan3A_1074 = arith.constant 52 : i32
      %scan3A_1075 = arith.addi %scan3A_1073, %scan3A_1074 : i32
      %scan3A_1076 = arith.constant 1 : i32
      %scan3A_1077:4 = scf.for %scan3A_1131 = %scan3A_1073 to %scan3A_1075 step %scan3A_1076 iter_args(%scan3A_1132 = %broadcast_in_dim3A_1072, %scan3A_1133 = %broadcast_in_dim3A_1072, %scan3A_1134 = %broadcast_in_dim3A_1072, %scan3A_1135 = %broadcast_in_dim3A_1072) -> (vector<16xf32>, vector<16xf32>, vector<16xf32>, vector<16xf32>)  : i32 {
        %mul3A_1136 = arith.constant 4 : i32
        %mul3A_1137 = arith.muli %scan3A_1131, %mul3A_1136 : i32
        %add3A_1138 = arith.constant 2704 : i32
        %add3A_1139 = arith.addi %add3A_1138, %mul3A_1137 : i32
        %get3A = arith.index_cast %add3A_1139 : i32 to index
        %get3A_1140 = arith.constant 0 : index
        %get3A_1141 = tpu.vector_load %arg6[%get3A, %get3A_1140] {strides = array<i32>} : memref<3328x16xf32, #tpu.memory_space<vmem>>, vector<1x16xf32>,
        %get3A_1142 = vector.shape_cast %get3A_1141 : vector<1x16xf32> to vector<16xf32>
        %add3A_1143 = arith.addf %scan3A_1132, %get3A_1142 : vector<16xf32>
        %add3A_1144 = arith.constant 1 : i32
        %add3A_1145 = arith.addi %add3A_1139, %add3A_1144 : i32
        %get3A_1146 = arith.index_cast %add3A_1145 : i32 to index
        %get3A_1147 = arith.constant 0 : index
        %get3A_1148 = tpu.vector_load %arg6[%get3A_1146, %get3A_1147] {strides = array<i32>} : memref<3328x16xf32, #tpu.memory_space<vmem>>, vector<1x16xf32>,
        %get3A_1149 = vector.shape_cast %get3A_1148 : vector<1x16xf32> to vector<16xf32>
        %add3A_1150 = arith.addf %scan3A_1133, %get3A_1149 : vector<16xf32>
        %add3A_1151 = arith.constant 2 : i32
        %add3A_1152 = arith.addi %add3A_1139, %add3A_1151 : i32
        %get3A_1153 = arith.index_cast %add3A_1152 : i32 to index
        %get3A_1154 = arith.constant 0 : index
        %get3A_1155 = tpu.vector_load %arg6[%get3A_1153, %get3A_1154] {strides = array<i32>} : memref<3328x16xf32, #tpu.memory_space<vmem>>, vector<1x16xf32>,
        %get3A_1156 = vector.shape_cast %get3A_1155 : vector<1x16xf32> to vector<16xf32>
        %add3A_1157 = arith.addf %scan3A_1134, %get3A_1156 : vector<16xf32>
        %add3A_1158 = arith.constant 3 : i32
        %add3A_1159 = arith.addi %add3A_1139, %add3A_1158 : i32
        %get3A_1160 = arith.index_cast %add3A_1159 : i32 to index
        %get3A_1161 = arith.constant 0 : index
        %get3A_1162 = tpu.vector_load %arg6[%get3A_1160, %get3A_1161] {strides = array<i32>} : memref<3328x16xf32, #tpu.memory_space<vmem>>, vector<1x16xf32>,
        %get3A_1163 = vector.shape_cast %get3A_1162 : vector<1x16xf32> to vector<16xf32>
        %add3A_1164 = arith.addf %scan3A_1135, %get3A_1163 : vector<16xf32>
        scf.yield %add3A_1143, %add3A_1150, %add3A_1157, %add3A_1164 : vector<16xf32>, vector<16xf32>, vector<16xf32>, vector<16xf32>
      }
      %scan3A_1078 = arith.constant 52 : i32
      %add3A_1079 = arith.addf %scan3A_1077#0, %scan3A_1077#1 : vector<16xf32>
      %add3A_1080 = arith.addf %scan3A_1077#2, %scan3A_1077#3 : vector<16xf32>
      %add3A_1081 = arith.addf %add3A_1079, %add3A_1080 : vector<16xf32>
      %mul3A_1082 = arith.constant 8 : i32
      %mul3A_1083 = arith.muli %add3A_970, %mul3A_1082 : i32
      %add3A_1084 = arith.constant 5 : i32
      %add3A_1085 = arith.addi %mul3A_1083, %add3A_1084 : i32
      %swap3A_1086 = arith.index_cast %add3A_1085 : i32 to index
      %swap3A_1087 = arith.constant 0 : index
      %swap3A_1088 = tpu.vector_load %arg7[%swap3A_1086, %swap3A_1087] {strides = array<i32>} : memref<512x16xf32, #tpu.memory_space<vmem>>, vector<1x16xf32>,
      %swap3A_1089 = vector.shape_cast %swap3A_1088 : vector<1x16xf32> to vector<16xf32>
      %swap3A_1090 = vector.shape_cast %add3A_1081 : vector<16xf32> to vector<1x16xf32>
      tpu.vector_store %arg7[%swap3A_1086, %swap3A_1087], %swap3A_1090 {strides = array<i32>} : memref<512x16xf32, #tpu.memory_space<vmem>>, vector<1x16xf32>,
      %broadcast_in_dim3A_1091 = arith.constant 0.000000e+00 : f32
      %broadcast_in_dim3A_1092 = vector.broadcast %broadcast_in_dim3A_1091 : f32 to vector<16xf32>
      %scan3A_1093 = arith.constant 0 : i32
      %scan3A_1094 = arith.constant 52 : i32
      %scan3A_1095 = arith.addi %scan3A_1093, %scan3A_1094 : i32
      %scan3A_1096 = arith.constant 1 : i32
      %scan3A_1097:4 = scf.for %scan3A_1131 = %scan3A_1093 to %scan3A_1095 step %scan3A_1096 iter_args(%scan3A_1132 = %broadcast_in_dim3A_1092, %scan3A_1133 = %broadcast_in_dim3A_1092, %scan3A_1134 = %broadcast_in_dim3A_1092, %scan3A_1135 = %broadcast_in_dim3A_1092) -> (vector<16xf32>, vector<16xf32>, vector<16xf32>, vector<16xf32>)  : i32 {
        %mul3A_1136 = arith.constant 4 : i32
        %mul3A_1137 = arith.muli %scan3A_1131, %mul3A_1136 : i32
        %add3A_1138 = arith.constant 2912 : i32
        %add3A_1139 = arith.addi %add3A_1138, %mul3A_1137 : i32
        %get3A = arith.index_cast %add3A_1139 : i32 to index
        %get3A_1140 = arith.constant 0 : index
        %get3A_1141 = tpu.vector_load %arg6[%get3A, %get3A_1140] {strides = array<i32>} : memref<3328x16xf32, #tpu.memory_space<vmem>>, vector<1x16xf32>,
        %get3A_1142 = vector.shape_cast %get3A_1141 : vector<1x16xf32> to vector<16xf32>
        %add3A_1143 = arith.addf %scan3A_1132, %get3A_1142 : vector<16xf32>
        %add3A_1144 = arith.constant 1 : i32
        %add3A_1145 = arith.addi %add3A_1139, %add3A_1144 : i32
        %get3A_1146 = arith.index_cast %add3A_1145 : i32 to index
        %get3A_1147 = arith.constant 0 : index
        %get3A_1148 = tpu.vector_load %arg6[%get3A_1146, %get3A_1147] {strides = array<i32>} : memref<3328x16xf32, #tpu.memory_space<vmem>>, vector<1x16xf32>,
        %get3A_1149 = vector.shape_cast %get3A_1148 : vector<1x16xf32> to vector<16xf32>
        %add3A_1150 = arith.addf %scan3A_1133, %get3A_1149 : vector<16xf32>
        %add3A_1151 = arith.constant 2 : i32
        %add3A_1152 = arith.addi %add3A_1139, %add3A_1151 : i32
        %get3A_1153 = arith.index_cast %add3A_1152 : i32 to index
        %get3A_1154 = arith.constant 0 : index
        %get3A_1155 = tpu.vector_load %arg6[%get3A_1153, %get3A_1154] {strides = array<i32>} : memref<3328x16xf32, #tpu.memory_space<vmem>>, vector<1x16xf32>,
        %get3A_1156 = vector.shape_cast %get3A_1155 : vector<1x16xf32> to vector<16xf32>
        %add3A_1157 = arith.addf %scan3A_1134, %get3A_1156 : vector<16xf32>
        %add3A_1158 = arith.constant 3 : i32
        %add3A_1159 = arith.addi %add3A_1139, %add3A_1158 : i32
        %get3A_1160 = arith.index_cast %add3A_1159 : i32 to index
        %get3A_1161 = arith.constant 0 : index
        %get3A_1162 = tpu.vector_load %arg6[%get3A_1160, %get3A_1161] {strides = array<i32>} : memref<3328x16xf32, #tpu.memory_space<vmem>>, vector<1x16xf32>,
        %get3A_1163 = vector.shape_cast %get3A_1162 : vector<1x16xf32> to vector<16xf32>
        %add3A_1164 = arith.addf %scan3A_1135, %get3A_1163 : vector<16xf32>
        scf.yield %add3A_1143, %add3A_1150, %add3A_1157, %add3A_1164 : vector<16xf32>, vector<16xf32>, vector<16xf32>, vector<16xf32>
      }
      %scan3A_1098 = arith.constant 52 : i32
      %add3A_1099 = arith.addf %scan3A_1097#0, %scan3A_1097#1 : vector<16xf32>
      %add3A_1100 = arith.addf %scan3A_1097#2, %scan3A_1097#3 : vector<16xf32>
      %add3A_1101 = arith.addf %add3A_1099, %add3A_1100 : vector<16xf32>
      %mul3A_1102 = arith.constant 8 : i32
      %mul3A_1103 = arith.muli %add3A_970, %mul3A_1102 : i32
      %add3A_1104 = arith.constant 6 : i32
      %add3A_1105 = arith.addi %mul3A_1103, %add3A_1104 : i32
      %swap3A_1106 = arith.index_cast %add3A_1105 : i32 to index
      %swap3A_1107 = arith.constant 0 : index
      %swap3A_1108 = tpu.vector_load %arg7[%swap3A_1106, %swap3A_1107] {strides = array<i32>} : memref<512x16xf32, #tpu.memory_space<vmem>>, vector<1x16xf32>,
      %swap3A_1109 = vector.shape_cast %swap3A_1108 : vector<1x16xf32> to vector<16xf32>
      %swap3A_1110 = vector.shape_cast %add3A_1101 : vector<16xf32> to vector<1x16xf32>
      tpu.vector_store %arg7[%swap3A_1106, %swap3A_1107], %swap3A_1110 {strides = array<i32>} : memref<512x16xf32, #tpu.memory_space<vmem>>, vector<1x16xf32>,
      %broadcast_in_dim3A_1111 = arith.constant 0.000000e+00 : f32
      %broadcast_in_dim3A_1112 = vector.broadcast %broadcast_in_dim3A_1111 : f32 to vector<16xf32>
      %scan3A_1113 = arith.constant 0 : i32
      %scan3A_1114 = arith.constant 52 : i32
      %scan3A_1115 = arith.addi %scan3A_1113, %scan3A_1114 : i32
      %scan3A_1116 = arith.constant 1 : i32
      %scan3A_1117:4 = scf.for %scan3A_1131 = %scan3A_1113 to %scan3A_1115 step %scan3A_1116 iter_args(%scan3A_1132 = %broadcast_in_dim3A_1112, %scan3A_1133 = %broadcast_in_dim3A_1112, %scan3A_1134 = %broadcast_in_dim3A_1112, %scan3A_1135 = %broadcast_in_dim3A_1112) -> (vector<16xf32>, vector<16xf32>, vector<16xf32>, vector<16xf32>)  : i32 {
        %mul3A_1136 = arith.constant 4 : i32
        %mul3A_1137 = arith.muli %scan3A_1131, %mul3A_1136 : i32
        %add3A_1138 = arith.constant 3120 : i32
        %add3A_1139 = arith.addi %add3A_1138, %mul3A_1137 : i32
        %get3A = arith.index_cast %add3A_1139 : i32 to index
        %get3A_1140 = arith.constant 0 : index
        %get3A_1141 = tpu.vector_load %arg6[%get3A, %get3A_1140] {strides = array<i32>} : memref<3328x16xf32, #tpu.memory_space<vmem>>, vector<1x16xf32>,
        %get3A_1142 = vector.shape_cast %get3A_1141 : vector<1x16xf32> to vector<16xf32>
        %add3A_1143 = arith.addf %scan3A_1132, %get3A_1142 : vector<16xf32>
        %add3A_1144 = arith.constant 1 : i32
        %add3A_1145 = arith.addi %add3A_1139, %add3A_1144 : i32
        %get3A_1146 = arith.index_cast %add3A_1145 : i32 to index
        %get3A_1147 = arith.constant 0 : index
        %get3A_1148 = tpu.vector_load %arg6[%get3A_1146, %get3A_1147] {strides = array<i32>} : memref<3328x16xf32, #tpu.memory_space<vmem>>, vector<1x16xf32>,
        %get3A_1149 = vector.shape_cast %get3A_1148 : vector<1x16xf32> to vector<16xf32>
        %add3A_1150 = arith.addf %scan3A_1133, %get3A_1149 : vector<16xf32>
        %add3A_1151 = arith.constant 2 : i32
        %add3A_1152 = arith.addi %add3A_1139, %add3A_1151 : i32
        %get3A_1153 = arith.index_cast %add3A_1152 : i32 to index
        %get3A_1154 = arith.constant 0 : index
        %get3A_1155 = tpu.vector_load %arg6[%get3A_1153, %get3A_1154] {strides = array<i32>} : memref<3328x16xf32, #tpu.memory_space<vmem>>, vector<1x16xf32>,
        %get3A_1156 = vector.shape_cast %get3A_1155 : vector<1x16xf32> to vector<16xf32>
        %add3A_1157 = arith.addf %scan3A_1134, %get3A_1156 : vector<16xf32>
        %add3A_1158 = arith.constant 3 : i32
        %add3A_1159 = arith.addi %add3A_1139, %add3A_1158 : i32
        %get3A_1160 = arith.index_cast %add3A_1159 : i32 to index
        %get3A_1161 = arith.constant 0 : index
        %get3A_1162 = tpu.vector_load %arg6[%get3A_1160, %get3A_1161] {strides = array<i32>} : memref<3328x16xf32, #tpu.memory_space<vmem>>, vector<1x16xf32>,
        %get3A_1163 = vector.shape_cast %get3A_1162 : vector<1x16xf32> to vector<16xf32>
        %add3A_1164 = arith.addf %scan3A_1135, %get3A_1163 : vector<16xf32>
        scf.yield %add3A_1143, %add3A_1150, %add3A_1157, %add3A_1164 : vector<16xf32>, vector<16xf32>, vector<16xf32>, vector<16xf32>
      }
      %scan3A_1118 = arith.constant 52 : i32
      %add3A_1119 = arith.addf %scan3A_1117#0, %scan3A_1117#1 : vector<16xf32>
      %add3A_1120 = arith.addf %scan3A_1117#2, %scan3A_1117#3 : vector<16xf32>
      %add3A_1121 = arith.addf %add3A_1119, %add3A_1120 : vector<16xf32>
      %mul3A_1122 = arith.constant 8 : i32
      %mul3A_1123 = arith.muli %add3A_970, %mul3A_1122 : i32
      %add3A_1124 = arith.constant 7 : i32
      %add3A_1125 = arith.addi %mul3A_1123, %add3A_1124 : i32
      %swap3A_1126 = arith.index_cast %add3A_1125 : i32 to index
      %swap3A_1127 = arith.constant 0 : index
      %swap3A_1128 = tpu.vector_load %arg7[%swap3A_1126, %swap3A_1127] {strides = array<i32>} : memref<512x16xf32, #tpu.memory_space<vmem>>, vector<1x16xf32>,
      %swap3A_1129 = vector.shape_cast %swap3A_1128 : vector<1x16xf32> to vector<16xf32>
      %swap3A_1130 = vector.shape_cast %add3A_1121 : vector<16xf32> to vector<1x16xf32>
      tpu.vector_store %arg7[%swap3A_1126, %swap3A_1127], %swap3A_1130 {strides = array<i32>} : memref<512x16xf32, #tpu.memory_space<vmem>>, vector<1x16xf32>,
    }
    %scan3A_139 = arith.constant 32 : i32
    %dma_wait3A = arith.constant 0 : i32
    %dma_wait3A_140 = arith.constant 0 : i32
    %dma_wait3A_141 = arith.constant 0 : i32
    %dma_wait3A_142 = tpu.memref_slice %arg6[%dma_wait3A_140, %dma_wait3A_141] : memref<3328x16xf32, #tpu.memory_space<vmem>> -> memref<128x16xf32, #tpu.memory_space<vmem>>
    %dma_wait3A_143 = arith.constant 0 : i32
    %dma_wait3A_144 = tpu.memref_slice %arg5[%dma_wait3A, %dma_wait3A_143] : memref<2x1664xi32, #tpu.memory_space<vmem>> -> memref<1x128xi32, #tpu.memory_space<vmem>>
    %dma_wait3A_145 = tpu.memref_squeeze %dma_wait3A_144 : memref<1x128xi32, #tpu.memory_space<vmem>> -> memref<128xi32, #tpu.memory_space<vmem>>
    %dma_wait3A_146 = arith.constant 0 : i32
    %dma_wait3A_147 = arith.constant 0 : i32
    %dma_wait3A_148 = tpu.memref_slice %arg3[%dma_wait3A_146, %dma_wait3A_147] : memref<1007616x16xf32, #tpu.memory_space<hbm>> -> memref<1007616x16xf32, #tpu.memory_space<hbm>>
    tpu.wait_indirect_dma semaphore(%arg8 : memref<!tpu.dma_semaphore, #tpu.memory_space<semaphore_mem>>) src(%dma_wait3A_148 : memref<1007616x16xf32, #tpu.memory_space<hbm>>) dst(%dma_wait3A_142 : memref<128x16xf32, #tpu.memory_space<vmem>>)
    %dma_wait3A_149 = arith.constant 0 : i32
    %dma_wait3A_150 = arith.constant 128 : i32
    %dma_wait3A_151 = arith.constant 0 : i32
    %dma_wait3A_152 = tpu.memref_slice %arg6[%dma_wait3A_150, %dma_wait3A_151] : memref<3328x16xf32, #tpu.memory_space<vmem>> -> memref<128x16xf32, #tpu.memory_space<vmem>>
    %dma_wait3A_153 = arith.constant 128 : i32
    %dma_wait3A_154 = tpu.memref_slice %arg5[%dma_wait3A_149, %dma_wait3A_153] : memref<2x1664xi32, #tpu.memory_space<vmem>> -> memref<1x128xi32, #tpu.memory_space<vmem>>
    %dma_wait3A_155 = tpu.memref_squeeze %dma_wait3A_154 : memref<1x128xi32, #tpu.memory_space<vmem>> -> memref<128xi32, #tpu.memory_space<vmem>>
    %dma_wait3A_156 = arith.constant 0 : i32
    %dma_wait3A_157 = arith.constant 0 : i32
    %dma_wait3A_158 = tpu.memref_slice %arg3[%dma_wait3A_156, %dma_wait3A_157] : memref<1007616x16xf32, #tpu.memory_space<hbm>> -> memref<1007616x16xf32, #tpu.memory_space<hbm>>
    tpu.wait_indirect_dma semaphore(%arg8 : memref<!tpu.dma_semaphore, #tpu.memory_space<semaphore_mem>>) src(%dma_wait3A_158 : memref<1007616x16xf32, #tpu.memory_space<hbm>>) dst(%dma_wait3A_152 : memref<128x16xf32, #tpu.memory_space<vmem>>)
    %dma_wait3A_159 = arith.constant 0 : i32
    %dma_wait3A_160 = arith.constant 256 : i32
    %dma_wait3A_161 = arith.constant 0 : i32
    %dma_wait3A_162 = tpu.memref_slice %arg6[%dma_wait3A_160, %dma_wait3A_161] : memref<3328x16xf32, #tpu.memory_space<vmem>> -> memref<128x16xf32, #tpu.memory_space<vmem>>
    %dma_wait3A_163 = arith.constant 256 : i32
    %dma_wait3A_164 = tpu.memref_slice %arg5[%dma_wait3A_159, %dma_wait3A_163] : memref<2x1664xi32, #tpu.memory_space<vmem>> -> memref<1x128xi32, #tpu.memory_space<vmem>>
    %dma_wait3A_165 = tpu.memref_squeeze %dma_wait3A_164 : memref<1x128xi32, #tpu.memory_space<vmem>> -> memref<128xi32, #tpu.memory_space<vmem>>
    %dma_wait3A_166 = arith.constant 0 : i32
    %dma_wait3A_167 = arith.constant 0 : i32
    %dma_wait3A_168 = tpu.memref_slice %arg3[%dma_wait3A_166, %dma_wait3A_167] : memref<1007616x16xf32, #tpu.memory_space<hbm>> -> memref<1007616x16xf32, #tpu.memory_space<hbm>>
    tpu.wait_indirect_dma semaphore(%arg8 : memref<!tpu.dma_semaphore, #tpu.memory_space<semaphore_mem>>) src(%dma_wait3A_168 : memref<1007616x16xf32, #tpu.memory_space<hbm>>) dst(%dma_wait3A_162 : memref<128x16xf32, #tpu.memory_space<vmem>>)
    %dma_wait3A_169 = arith.constant 0 : i32
    %dma_wait3A_170 = arith.constant 384 : i32
    %dma_wait3A_171 = arith.constant 0 : i32
    %dma_wait3A_172 = tpu.memref_slice %arg6[%dma_wait3A_170, %dma_wait3A_171] : memref<3328x16xf32, #tpu.memory_space<vmem>> -> memref<128x16xf32, #tpu.memory_space<vmem>>
    %dma_wait3A_173 = arith.constant 384 : i32
    %dma_wait3A_174 = tpu.memref_slice %arg5[%dma_wait3A_169, %dma_wait3A_173] : memref<2x1664xi32, #tpu.memory_space<vmem>> -> memref<1x128xi32, #tpu.memory_space<vmem>>
    %dma_wait3A_175 = tpu.memref_squeeze %dma_wait3A_174 : memref<1x128xi32, #tpu.memory_space<vmem>> -> memref<128xi32, #tpu.memory_space<vmem>>
    %dma_wait3A_176 = arith.constant 0 : i32
    %dma_wait3A_177 = arith.constant 0 : i32
    %dma_wait3A_178 = tpu.memref_slice %arg3[%dma_wait3A_176, %dma_wait3A_177] : memref<1007616x16xf32, #tpu.memory_space<hbm>> -> memref<1007616x16xf32, #tpu.memory_space<hbm>>
    tpu.wait_indirect_dma semaphore(%arg8 : memref<!tpu.dma_semaphore, #tpu.memory_space<semaphore_mem>>) src(%dma_wait3A_178 : memref<1007616x16xf32, #tpu.memory_space<hbm>>) dst(%dma_wait3A_172 : memref<128x16xf32, #tpu.memory_space<vmem>>)
    %dma_wait3A_179 = arith.constant 0 : i32
    %dma_wait3A_180 = arith.constant 512 : i32
    %dma_wait3A_181 = arith.constant 0 : i32
    %dma_wait3A_182 = tpu.memref_slice %arg6[%dma_wait3A_180, %dma_wait3A_181] : memref<3328x16xf32, #tpu.memory_space<vmem>> -> memref<128x16xf32, #tpu.memory_space<vmem>>
    %dma_wait3A_183 = arith.constant 512 : i32
    %dma_wait3A_184 = tpu.memref_slice %arg5[%dma_wait3A_179, %dma_wait3A_183] : memref<2x1664xi32, #tpu.memory_space<vmem>> -> memref<1x128xi32, #tpu.memory_space<vmem>>
    %dma_wait3A_185 = tpu.memref_squeeze %dma_wait3A_184 : memref<1x128xi32, #tpu.memory_space<vmem>> -> memref<128xi32, #tpu.memory_space<vmem>>
    %dma_wait3A_186 = arith.constant 0 : i32
    %dma_wait3A_187 = arith.constant 0 : i32
    %dma_wait3A_188 = tpu.memref_slice %arg3[%dma_wait3A_186, %dma_wait3A_187] : memref<1007616x16xf32, #tpu.memory_space<hbm>> -> memref<1007616x16xf32, #tpu.memory_space<hbm>>
    tpu.wait_indirect_dma semaphore(%arg8 : memref<!tpu.dma_semaphore, #tpu.memory_space<semaphore_mem>>) src(%dma_wait3A_188 : memref<1007616x16xf32, #tpu.memory_space<hbm>>) dst(%dma_wait3A_182 : memref<128x16xf32, #tpu.memory_space<vmem>>)
    %dma_wait3A_189 = arith.constant 0 : i32
    %dma_wait3A_190 = arith.constant 640 : i32
    %dma_wait3A_191 = arith.constant 0 : i32
    %dma_wait3A_192 = tpu.memref_slice %arg6[%dma_wait3A_190, %dma_wait3A_191] : memref<3328x16xf32, #tpu.memory_space<vmem>> -> memref<128x16xf32, #tpu.memory_space<vmem>>
    %dma_wait3A_193 = arith.constant 640 : i32
    %dma_wait3A_194 = tpu.memref_slice %arg5[%dma_wait3A_189, %dma_wait3A_193] : memref<2x1664xi32, #tpu.memory_space<vmem>> -> memref<1x128xi32, #tpu.memory_space<vmem>>
    %dma_wait3A_195 = tpu.memref_squeeze %dma_wait3A_194 : memref<1x128xi32, #tpu.memory_space<vmem>> -> memref<128xi32, #tpu.memory_space<vmem>>
    %dma_wait3A_196 = arith.constant 0 : i32
    %dma_wait3A_197 = arith.constant 0 : i32
    %dma_wait3A_198 = tpu.memref_slice %arg3[%dma_wait3A_196, %dma_wait3A_197] : memref<1007616x16xf32, #tpu.memory_space<hbm>> -> memref<1007616x16xf32, #tpu.memory_space<hbm>>
    tpu.wait_indirect_dma semaphore(%arg8 : memref<!tpu.dma_semaphore, #tpu.memory_space<semaphore_mem>>) src(%dma_wait3A_198 : memref<1007616x16xf32, #tpu.memory_space<hbm>>) dst(%dma_wait3A_192 : memref<128x16xf32, #tpu.memory_space<vmem>>)
    %dma_wait3A_199 = arith.constant 0 : i32
    %dma_wait3A_200 = arith.constant 768 : i32
    %dma_wait3A_201 = arith.constant 0 : i32
    %dma_wait3A_202 = tpu.memref_slice %arg6[%dma_wait3A_200, %dma_wait3A_201] : memref<3328x16xf32, #tpu.memory_space<vmem>> -> memref<128x16xf32, #tpu.memory_space<vmem>>
    %dma_wait3A_203 = arith.constant 768 : i32
    %dma_wait3A_204 = tpu.memref_slice %arg5[%dma_wait3A_199, %dma_wait3A_203] : memref<2x1664xi32, #tpu.memory_space<vmem>> -> memref<1x128xi32, #tpu.memory_space<vmem>>
    %dma_wait3A_205 = tpu.memref_squeeze %dma_wait3A_204 : memref<1x128xi32, #tpu.memory_space<vmem>> -> memref<128xi32, #tpu.memory_space<vmem>>
    %dma_wait3A_206 = arith.constant 0 : i32
    %dma_wait3A_207 = arith.constant 0 : i32
    %dma_wait3A_208 = tpu.memref_slice %arg3[%dma_wait3A_206, %dma_wait3A_207] : memref<1007616x16xf32, #tpu.memory_space<hbm>> -> memref<1007616x16xf32, #tpu.memory_space<hbm>>
    tpu.wait_indirect_dma semaphore(%arg8 : memref<!tpu.dma_semaphore, #tpu.memory_space<semaphore_mem>>) src(%dma_wait3A_208 : memref<1007616x16xf32, #tpu.memory_space<hbm>>) dst(%dma_wait3A_202 : memref<128x16xf32, #tpu.memory_space<vmem>>)
    %dma_wait3A_209 = arith.constant 0 : i32
    %dma_wait3A_210 = arith.constant 896 : i32
    %dma_wait3A_211 = arith.constant 0 : i32
    %dma_wait3A_212 = tpu.memref_slice %arg6[%dma_wait3A_210, %dma_wait3A_211] : memref<3328x16xf32, #tpu.memory_space<vmem>> -> memref<128x16xf32, #tpu.memory_space<vmem>>
    %dma_wait3A_213 = arith.constant 896 : i32
    %dma_wait3A_214 = tpu.memref_slice %arg5[%dma_wait3A_209, %dma_wait3A_213] : memref<2x1664xi32, #tpu.memory_space<vmem>> -> memref<1x128xi32, #tpu.memory_space<vmem>>
    %dma_wait3A_215 = tpu.memref_squeeze %dma_wait3A_214 : memref<1x128xi32, #tpu.memory_space<vmem>> -> memref<128xi32, #tpu.memory_space<vmem>>
    %dma_wait3A_216 = arith.constant 0 : i32
    %dma_wait3A_217 = arith.constant 0 : i32
    %dma_wait3A_218 = tpu.memref_slice %arg3[%dma_wait3A_216, %dma_wait3A_217] : memref<1007616x16xf32, #tpu.memory_space<hbm>> -> memref<1007616x16xf32, #tpu.memory_space<hbm>>
    tpu.wait_indirect_dma semaphore(%arg8 : memref<!tpu.dma_semaphore, #tpu.memory_space<semaphore_mem>>) src(%dma_wait3A_218 : memref<1007616x16xf32, #tpu.memory_space<hbm>>) dst(%dma_wait3A_212 : memref<128x16xf32, #tpu.memory_space<vmem>>)
    %dma_wait3A_219 = arith.constant 0 : i32
    %dma_wait3A_220 = arith.constant 1024 : i32
    %dma_wait3A_221 = arith.constant 0 : i32
    %dma_wait3A_222 = tpu.memref_slice %arg6[%dma_wait3A_220, %dma_wait3A_221] : memref<3328x16xf32, #tpu.memory_space<vmem>> -> memref<128x16xf32, #tpu.memory_space<vmem>>
    %dma_wait3A_223 = arith.constant 1024 : i32
    %dma_wait3A_224 = tpu.memref_slice %arg5[%dma_wait3A_219, %dma_wait3A_223] : memref<2x1664xi32, #tpu.memory_space<vmem>> -> memref<1x128xi32, #tpu.memory_space<vmem>>
    %dma_wait3A_225 = tpu.memref_squeeze %dma_wait3A_224 : memref<1x128xi32, #tpu.memory_space<vmem>> -> memref<128xi32, #tpu.memory_space<vmem>>
    %dma_wait3A_226 = arith.constant 0 : i32
    %dma_wait3A_227 = arith.constant 0 : i32
    %dma_wait3A_228 = tpu.memref_slice %arg3[%dma_wait3A_226, %dma_wait3A_227] : memref<1007616x16xf32, #tpu.memory_space<hbm>> -> memref<1007616x16xf32, #tpu.memory_space<hbm>>
    tpu.wait_indirect_dma semaphore(%arg8 : memref<!tpu.dma_semaphore, #tpu.memory_space<semaphore_mem>>) src(%dma_wait3A_228 : memref<1007616x16xf32, #tpu.memory_space<hbm>>) dst(%dma_wait3A_222 : memref<128x16xf32, #tpu.memory_space<vmem>>)
    %dma_wait3A_229 = arith.constant 0 : i32
    %dma_wait3A_230 = arith.constant 1152 : i32
    %dma_wait3A_231 = arith.constant 0 : i32
    %dma_wait3A_232 = tpu.memref_slice %arg6[%dma_wait3A_230, %dma_wait3A_231] : memref<3328x16xf32, #tpu.memory_space<vmem>> -> memref<128x16xf32, #tpu.memory_space<vmem>>
    %dma_wait3A_233 = arith.constant 1152 : i32
    %dma_wait3A_234 = tpu.memref_slice %arg5[%dma_wait3A_229, %dma_wait3A_233] : memref<2x1664xi32, #tpu.memory_space<vmem>> -> memref<1x128xi32, #tpu.memory_space<vmem>>
    %dma_wait3A_235 = tpu.memref_squeeze %dma_wait3A_234 : memref<1x128xi32, #tpu.memory_space<vmem>> -> memref<128xi32, #tpu.memory_space<vmem>>
    %dma_wait3A_236 = arith.constant 0 : i32
    %dma_wait3A_237 = arith.constant 0 : i32
    %dma_wait3A_238 = tpu.memref_slice %arg3[%dma_wait3A_236, %dma_wait3A_237] : memref<1007616x16xf32, #tpu.memory_space<hbm>> -> memref<1007616x16xf32, #tpu.memory_space<hbm>>
    tpu.wait_indirect_dma semaphore(%arg8 : memref<!tpu.dma_semaphore, #tpu.memory_space<semaphore_mem>>) src(%dma_wait3A_238 : memref<1007616x16xf32, #tpu.memory_space<hbm>>) dst(%dma_wait3A_232 : memref<128x16xf32, #tpu.memory_space<vmem>>)
    %dma_wait3A_239 = arith.constant 0 : i32
    %dma_wait3A_240 = arith.constant 1280 : i32
    %dma_wait3A_241 = arith.constant 0 : i32
    %dma_wait3A_242 = tpu.memref_slice %arg6[%dma_wait3A_240, %dma_wait3A_241] : memref<3328x16xf32, #tpu.memory_space<vmem>> -> memref<128x16xf32, #tpu.memory_space<vmem>>
    %dma_wait3A_243 = arith.constant 1280 : i32
    %dma_wait3A_244 = tpu.memref_slice %arg5[%dma_wait3A_239, %dma_wait3A_243] : memref<2x1664xi32, #tpu.memory_space<vmem>> -> memref<1x128xi32, #tpu.memory_space<vmem>>
    %dma_wait3A_245 = tpu.memref_squeeze %dma_wait3A_244 : memref<1x128xi32, #tpu.memory_space<vmem>> -> memref<128xi32, #tpu.memory_space<vmem>>
    %dma_wait3A_246 = arith.constant 0 : i32
    %dma_wait3A_247 = arith.constant 0 : i32
    %dma_wait3A_248 = tpu.memref_slice %arg3[%dma_wait3A_246, %dma_wait3A_247] : memref<1007616x16xf32, #tpu.memory_space<hbm>> -> memref<1007616x16xf32, #tpu.memory_space<hbm>>
    tpu.wait_indirect_dma semaphore(%arg8 : memref<!tpu.dma_semaphore, #tpu.memory_space<semaphore_mem>>) src(%dma_wait3A_248 : memref<1007616x16xf32, #tpu.memory_space<hbm>>) dst(%dma_wait3A_242 : memref<128x16xf32, #tpu.memory_space<vmem>>)
    %dma_wait3A_249 = arith.constant 0 : i32
    %dma_wait3A_250 = arith.constant 1408 : i32
    %dma_wait3A_251 = arith.constant 0 : i32
    %dma_wait3A_252 = tpu.memref_slice %arg6[%dma_wait3A_250, %dma_wait3A_251] : memref<3328x16xf32, #tpu.memory_space<vmem>> -> memref<128x16xf32, #tpu.memory_space<vmem>>
    %dma_wait3A_253 = arith.constant 1408 : i32
    %dma_wait3A_254 = tpu.memref_slice %arg5[%dma_wait3A_249, %dma_wait3A_253] : memref<2x1664xi32, #tpu.memory_space<vmem>> -> memref<1x128xi32, #tpu.memory_space<vmem>>
    %dma_wait3A_255 = tpu.memref_squeeze %dma_wait3A_254 : memref<1x128xi32, #tpu.memory_space<vmem>> -> memref<128xi32, #tpu.memory_space<vmem>>
    %dma_wait3A_256 = arith.constant 0 : i32
    %dma_wait3A_257 = arith.constant 0 : i32
    %dma_wait3A_258 = tpu.memref_slice %arg3[%dma_wait3A_256, %dma_wait3A_257] : memref<1007616x16xf32, #tpu.memory_space<hbm>> -> memref<1007616x16xf32, #tpu.memory_space<hbm>>
    tpu.wait_indirect_dma semaphore(%arg8 : memref<!tpu.dma_semaphore, #tpu.memory_space<semaphore_mem>>) src(%dma_wait3A_258 : memref<1007616x16xf32, #tpu.memory_space<hbm>>) dst(%dma_wait3A_252 : memref<128x16xf32, #tpu.memory_space<vmem>>)
    %dma_wait3A_259 = arith.constant 0 : i32
    %dma_wait3A_260 = arith.constant 1536 : i32
    %dma_wait3A_261 = arith.constant 0 : i32
    %dma_wait3A_262 = tpu.memref_slice %arg6[%dma_wait3A_260, %dma_wait3A_261] : memref<3328x16xf32, #tpu.memory_space<vmem>> -> memref<128x16xf32, #tpu.memory_space<vmem>>
    %dma_wait3A_263 = arith.constant 1536 : i32
    %dma_wait3A_264 = tpu.memref_slice %arg5[%dma_wait3A_259, %dma_wait3A_263] : memref<2x1664xi32, #tpu.memory_space<vmem>> -> memref<1x128xi32, #tpu.memory_space<vmem>>
    %dma_wait3A_265 = tpu.memref_squeeze %dma_wait3A_264 : memref<1x128xi32, #tpu.memory_space<vmem>> -> memref<128xi32, #tpu.memory_space<vmem>>
    %dma_wait3A_266 = arith.constant 0 : i32
    %dma_wait3A_267 = arith.constant 0 : i32
    %dma_wait3A_268 = tpu.memref_slice %arg3[%dma_wait3A_266, %dma_wait3A_267] : memref<1007616x16xf32, #tpu.memory_space<hbm>> -> memref<1007616x16xf32, #tpu.memory_space<hbm>>
    tpu.wait_indirect_dma semaphore(%arg8 : memref<!tpu.dma_semaphore, #tpu.memory_space<semaphore_mem>>) src(%dma_wait3A_268 : memref<1007616x16xf32, #tpu.memory_space<hbm>>) dst(%dma_wait3A_262 : memref<128x16xf32, #tpu.memory_space<vmem>>)
    "tpu.region"() ({
      %run_scoped3A_269 = tpu.sem_alloc : memref<!tpu.dma_semaphore, #tpu.memory_space<semaphore_mem>>
      %dma_start3A_270 = arith.constant 0 : i32
      %dma_start3A_271 = tpu.memref_slice %arg4[%mul3A_2, %dma_start3A_270] : memref<16384x16xf32, #tpu.memory_space<hbm>> -> memref<512x16xf32, #tpu.memory_space<hbm>>
      %dma_start3A_272 = arith.constant 0 : i32
      %dma_start3A_273 = tpu.memref_slice %arg4[%mul3A_2, %dma_start3A_272] : memref<16384x16xf32, #tpu.memory_space<hbm>> -> memref<512x16xf32, #tpu.memory_space<hbm>>
      tpu.enqueue_dma source(%arg7 : memref<512x16xf32, #tpu.memory_space<vmem>>) target(%dma_start3A_273 : memref<512x16xf32, #tpu.memory_space<hbm>>) target_semaphore(%run_scoped3A_269 : memref<!tpu.dma_semaphore, #tpu.memory_space<semaphore_mem>>)
      %dma_wait3A_274 = arith.constant 0 : i32
      %dma_wait3A_275 = tpu.memref_slice %arg4[%mul3A_2, %dma_wait3A_274] : memref<16384x16xf32, #tpu.memory_space<hbm>> -> memref<512x16xf32, #tpu.memory_space<hbm>>
      %dma_wait3A_276 = arith.constant 0 : i32
      %dma_wait3A_277 = tpu.memref_slice %arg4[%mul3A_2, %dma_wait3A_276] : memref<16384x16xf32, #tpu.memory_space<hbm>> -> memref<512x16xf32, #tpu.memory_space<hbm>>
      tpu.wait_dma2 semaphore(%run_scoped3A_269 : memref<!tpu.dma_semaphore, #tpu.memory_space<semaphore_mem>>) src(%arg7 : memref<512x16xf32, #tpu.memory_space<vmem>>) dst(%dma_wait3A_277 : memref<512x16xf32, #tpu.memory_space<hbm>>)
      tpu.yield
    }) : () -> ()
    return
  }
}

module attributes {stable_mosaic.version = 14 : i64} {
  func.func @body(%arg0: i32, %arg1: memref<16x8192xf32, #tpu.memory_space<vmem>>, %arg2: memref<1024x128xf32, #tpu.memory_space<vmem>>) attributes {dimension_semantics = [#tpu.dimension_semantics<arbitrary>], iteration_bounds = array<i64: 123>, scalar_prefetch = 0 : i64, scratch_operands = 0 : i64, tpu.core_type = #tpu.core_type<tc>, window_params = [{transform_indices = @transform_0, window_bounds = array<i64: 16, 8192>}, {transform_indices = @transform_1, window_bounds = array<i64: 1024, 128>}]} {
    %iota3A = tpu.iota {dimensions = array<i32: 0>} : vector<16x16xi32>
    %iota3A_0 = tpu.iota {dimensions = array<i32: 1>} : vector<16x16xi32>
    %add3A = arith.constant 0 : i32
    %add3A_1 = vector.broadcast %add3A : i32 to vector<16x16xi32>
    %add3A_2 = arith.addi %iota3A, %add3A_1 : vector<16x16xi32>
    %eq3A = arith.cmpi eq, %add3A_2, %iota3A_0 : vector<16x16xi32>
    %convert_element_type3A = arith.extui %eq3A : vector<16x16xi1> to vector<16x16xi32>
    %convert_element_type3A_3 = arith.sitofp %convert_element_type3A : vector<16x16xi32> to vector<16x16xf32>
    %get3A = arith.constant 0 : index
    %get3A_4 = arith.constant 0 : index
    %get3A_5 = vector.load %arg1[%get3A, %get3A_4] : memref<16x8192xf32, #tpu.memory_space<vmem>>, vector<16x8192xf32>
    %dot_general3A = arith.constant dense<0.000000e+00> : vector<8192x16xf32>
    %dot_general3A_6 = tpu.matmul %get3A_5, %convert_element_type3A_3, %dot_general3A {dimension_numbers = #tpu.dot_dimension_numbers<[0], [0], [1], [1], [0, 1, 1, 1], [], []>, transpose_lhs_hint = false} : vector<16x8192xf32>, vector<16x16xf32>, vector<8192x16xf32> -> vector<8192x16xf32>
    %reshape3A = vector.shape_cast %dot_general3A_6 : vector<8192x16xf32> to vector<1024x8x16xf32>
    %slice3A = vector.extract_strided_slice %reshape3A {offsets = [0, 0, 0], sizes = [1024, 1, 16], strides = [1, 1, 1]} : vector<1024x8x16xf32> to vector<1024x1x16xf32>
    %squeeze3A = vector.shape_cast %slice3A : vector<1024x1x16xf32> to vector<1024x16xf32>
    %swap3A = arith.constant 0 : index
    %swap3A_7 = arith.constant 0 : index
    %swap3A_8 = vector.load %arg2[%swap3A, %swap3A_7] : memref<1024x128xf32, #tpu.memory_space<vmem>>, vector<1024x16xf32>
    tpu.vector_store %arg2[%swap3A, %swap3A_7], %squeeze3A {strides = array<i32>} : memref<1024x128xf32, #tpu.memory_space<vmem>>, vector<1024x16xf32>,
    %slice3A_9 = vector.extract_strided_slice %reshape3A {offsets = [0, 1, 0], sizes = [1024, 1, 16], strides = [1, 1, 1]} : vector<1024x8x16xf32> to vector<1024x1x16xf32>
    %squeeze3A_10 = vector.shape_cast %slice3A_9 : vector<1024x1x16xf32> to vector<1024x16xf32>
    %swap3A_11 = arith.constant 0 : index
    %swap3A_12 = arith.constant 16 : index
    %swap3A_13 = vector.load %arg2[%swap3A_11, %swap3A_12] : memref<1024x128xf32, #tpu.memory_space<vmem>>, vector<1024x16xf32>
    tpu.vector_store %arg2[%swap3A_11, %swap3A_12], %squeeze3A_10 {strides = array<i32>} : memref<1024x128xf32, #tpu.memory_space<vmem>>, vector<1024x16xf32>,
    %slice3A_14 = vector.extract_strided_slice %reshape3A {offsets = [0, 2, 0], sizes = [1024, 1, 16], strides = [1, 1, 1]} : vector<1024x8x16xf32> to vector<1024x1x16xf32>
    %squeeze3A_15 = vector.shape_cast %slice3A_14 : vector<1024x1x16xf32> to vector<1024x16xf32>
    %swap3A_16 = arith.constant 0 : index
    %swap3A_17 = arith.constant 32 : index
    %swap3A_18 = vector.load %arg2[%swap3A_16, %swap3A_17] : memref<1024x128xf32, #tpu.memory_space<vmem>>, vector<1024x16xf32>
    tpu.vector_store %arg2[%swap3A_16, %swap3A_17], %squeeze3A_15 {strides = array<i32>} : memref<1024x128xf32, #tpu.memory_space<vmem>>, vector<1024x16xf32>,
    %slice3A_19 = vector.extract_strided_slice %reshape3A {offsets = [0, 3, 0], sizes = [1024, 1, 16], strides = [1, 1, 1]} : vector<1024x8x16xf32> to vector<1024x1x16xf32>
    %squeeze3A_20 = vector.shape_cast %slice3A_19 : vector<1024x1x16xf32> to vector<1024x16xf32>
    %swap3A_21 = arith.constant 0 : index
    %swap3A_22 = arith.constant 48 : index
    %swap3A_23 = vector.load %arg2[%swap3A_21, %swap3A_22] : memref<1024x128xf32, #tpu.memory_space<vmem>>, vector<1024x16xf32>
    tpu.vector_store %arg2[%swap3A_21, %swap3A_22], %squeeze3A_20 {strides = array<i32>} : memref<1024x128xf32, #tpu.memory_space<vmem>>, vector<1024x16xf32>,
    %slice3A_24 = vector.extract_strided_slice %reshape3A {offsets = [0, 4, 0], sizes = [1024, 1, 16], strides = [1, 1, 1]} : vector<1024x8x16xf32> to vector<1024x1x16xf32>
    %squeeze3A_25 = vector.shape_cast %slice3A_24 : vector<1024x1x16xf32> to vector<1024x16xf32>
    %swap3A_26 = arith.constant 0 : index
    %swap3A_27 = arith.constant 64 : index
    %swap3A_28 = vector.load %arg2[%swap3A_26, %swap3A_27] : memref<1024x128xf32, #tpu.memory_space<vmem>>, vector<1024x16xf32>
    tpu.vector_store %arg2[%swap3A_26, %swap3A_27], %squeeze3A_25 {strides = array<i32>} : memref<1024x128xf32, #tpu.memory_space<vmem>>, vector<1024x16xf32>,
    %slice3A_29 = vector.extract_strided_slice %reshape3A {offsets = [0, 5, 0], sizes = [1024, 1, 16], strides = [1, 1, 1]} : vector<1024x8x16xf32> to vector<1024x1x16xf32>
    %squeeze3A_30 = vector.shape_cast %slice3A_29 : vector<1024x1x16xf32> to vector<1024x16xf32>
    %swap3A_31 = arith.constant 0 : index
    %swap3A_32 = arith.constant 80 : index
    %swap3A_33 = vector.load %arg2[%swap3A_31, %swap3A_32] : memref<1024x128xf32, #tpu.memory_space<vmem>>, vector<1024x16xf32>
    tpu.vector_store %arg2[%swap3A_31, %swap3A_32], %squeeze3A_30 {strides = array<i32>} : memref<1024x128xf32, #tpu.memory_space<vmem>>, vector<1024x16xf32>,
    %slice3A_34 = vector.extract_strided_slice %reshape3A {offsets = [0, 6, 0], sizes = [1024, 1, 16], strides = [1, 1, 1]} : vector<1024x8x16xf32> to vector<1024x1x16xf32>
    %squeeze3A_35 = vector.shape_cast %slice3A_34 : vector<1024x1x16xf32> to vector<1024x16xf32>
    %swap3A_36 = arith.constant 0 : index
    %swap3A_37 = arith.constant 96 : index
    %swap3A_38 = vector.load %arg2[%swap3A_36, %swap3A_37] : memref<1024x128xf32, #tpu.memory_space<vmem>>, vector<1024x16xf32>
    tpu.vector_store %arg2[%swap3A_36, %swap3A_37], %squeeze3A_35 {strides = array<i32>} : memref<1024x128xf32, #tpu.memory_space<vmem>>, vector<1024x16xf32>,
    %slice3A_39 = vector.extract_strided_slice %reshape3A {offsets = [0, 7, 0], sizes = [1024, 1, 16], strides = [1, 1, 1]} : vector<1024x8x16xf32> to vector<1024x1x16xf32>
    %squeeze3A_40 = vector.shape_cast %slice3A_39 : vector<1024x1x16xf32> to vector<1024x16xf32>
    %swap3A_41 = arith.constant 0 : index
    %swap3A_42 = arith.constant 112 : index
    %swap3A_43 = vector.load %arg2[%swap3A_41, %swap3A_42] : memref<1024x128xf32, #tpu.memory_space<vmem>>, vector<1024x16xf32>
    tpu.vector_store %arg2[%swap3A_41, %swap3A_42], %squeeze3A_40 {strides = array<i32>} : memref<1024x128xf32, #tpu.memory_space<vmem>>, vector<1024x16xf32>,
    return
  }
  func.func @transform_0(%arg0: i32) -> (i32, i32) {
    %c0_i32 = arith.constant 0 : i32
    %c0_i32_0 = arith.constant 0 : i32
    return %c0_i32, %arg0 : i32, i32
  }
  func.func @transform_1(%arg0: i32) -> (i32, i32) {
    %c0_i32 = arith.constant 0 : i32
    %c0_i32_0 = arith.constant 0 : i32
    return %arg0, %c0_i32 : i32, i32
  }
}

module attributes {stable_mosaic.version = 14 : i64} {
  func.func @body(%arg0: i32, %arg1: memref<512x16xf32, #tpu.memory_space<vmem>>, %arg2: memref<512x208xi32, #tpu.memory_space<vmem>>, %arg3: memref<200x16xf32, #tpu.memory_space<vmem>>, %arg4: memref<1x200xf32, #tpu.memory_space<vmem>>, %arg5: memref<1000x200xf32, #tpu.memory_space<vmem>>, %arg6: memref<1000x1xf32, #tpu.memory_space<vmem>>, %arg7: memref<1000x512xf32, #tpu.memory_space<vmem>>) attributes {dimension_semantics = [#tpu.dimension_semantics<arbitrary>], iteration_bounds = array<i64: 32>, scalar_prefetch = 0 : i64, scratch_operands = 0 : i64, tpu.core_type = #tpu.core_type<tc>, window_params = [{transform_indices = @transform_0, window_bounds = array<i64: 512, 16>}, {transform_indices = @transform_1, window_bounds = array<i64: 512, 208>}, {pipeline_mode = #tpu.pipeline_mode<synchronous>, transform_indices = @transform_2, window_bounds = array<i64: 200, 16>}, {pipeline_mode = #tpu.pipeline_mode<synchronous>, transform_indices = @transform_3, window_bounds = array<i64: 1, 200>}, {pipeline_mode = #tpu.pipeline_mode<synchronous>, transform_indices = @transform_4, window_bounds = array<i64: 1000, 200>}, {pipeline_mode = #tpu.pipeline_mode<synchronous>, transform_indices = @transform_5, window_bounds = array<i64: 1000, 1>}, {transform_indices = @transform_6, window_bounds = array<i64: 1000, 512>}]} {
    %get3A = arith.constant 0 : index
    %get3A_0 = arith.constant 0 : index
    %get3A_1 = vector.load %arg2[%get3A, %get3A_0] : memref<512x208xi32, #tpu.memory_space<vmem>>, vector<512x208xi32>
    %ne3A = arith.constant 0 : i32
    %ne3A_2 = vector.broadcast %ne3A : i32 to vector<512x208xi32>
    %ne3A_3 = arith.cmpi ne, %get3A_1, %ne3A_2 : vector<512x208xi32>
    %convert_element_type3A = arith.extui %ne3A_3 : vector<512x208xi1> to vector<512x208xi32>
    %convert_element_type3A_4 = arith.sitofp %convert_element_type3A : vector<512x208xi32> to vector<512x208xf32>
    %reduce_sum3A = arith.constant dense<0.000000e+00> : vector<512xf32>
    %reduce_sum3A_5 = vector.multi_reduction <add>, %convert_element_type3A_4, %reduce_sum3A [1] : vector<512x208xf32> to vector<512xf32>
    %broadcast_in_dim3A = vector.shape_cast %reduce_sum3A_5 : vector<512xf32> to vector<512x1xf32>
    %get3A_6 = arith.constant 0 : index
    %get3A_7 = arith.constant 0 : index
    %get3A_8 = vector.load %arg1[%get3A_6, %get3A_7] : memref<512x16xf32, #tpu.memory_space<vmem>>, vector<512x16xf32>
    %div3A = vector.broadcast %broadcast_in_dim3A : vector<512x1xf32> to vector<512x16xf32>
    %div3A_9 = arith.divf %get3A_8, %div3A : vector<512x16xf32>
    %mul3A = arith.mulf %div3A_9, %div3A_9 : vector<512x16xf32>
    %reduce_sum3A_10 = arith.constant dense<0.000000e+00> : vector<512xf32>
    %reduce_sum3A_11 = vector.multi_reduction <add>, %mul3A, %reduce_sum3A_10 [1] : vector<512x16xf32> to vector<512xf32>
    %broadcast_in_dim3A_12 = vector.shape_cast %reduce_sum3A_11 : vector<512xf32> to vector<512x1xf32>
    %sqrt3A = math.sqrt %broadcast_in_dim3A_12 : vector<512x1xf32>
    %max3A = arith.constant 9.99999996E-13 : f32
    %max3A_13 = vector.broadcast %max3A : f32 to vector<512x1xf32>
    %max3A_14 = arith.maximumf %sqrt3A, %max3A_13 : vector<512x1xf32>
    %div3A_15 = vector.broadcast %max3A_14 : vector<512x1xf32> to vector<512x16xf32>
    %div3A_16 = arith.divf %div3A_9, %div3A_15 : vector<512x16xf32>
    %get3A_17 = arith.constant 0 : index
    %get3A_18 = arith.constant 0 : index
    %get3A_19 = vector.load %arg3[%get3A_17, %get3A_18] : memref<200x16xf32, #tpu.memory_space<vmem>>, vector<200x16xf32>
    %dot_general3A = arith.constant dense<0.000000e+00> : vector<512x200xf32>
    %dot_general3A_20 = tpu.matmul %div3A_16, %get3A_19, %dot_general3A {dimension_numbers = #tpu.dot_dimension_numbers<[1], [1], [0], [0], [0, 0, 1, 0], [], []>, transpose_lhs_hint = false} : vector<512x16xf32>, vector<200x16xf32>, vector<512x200xf32> -> vector<512x200xf32>
    %get3A_21 = arith.constant 0 : index
    %get3A_22 = arith.constant 0 : index
    %get3A_23 = vector.load %arg4[%get3A_21, %get3A_22] : memref<1x200xf32, #tpu.memory_space<vmem>>, vector<1x200xf32>
    %add3A = vector.broadcast %get3A_23 : vector<1x200xf32> to vector<512x200xf32>
    %add3A_24 = arith.addf %dot_general3A_20, %add3A : vector<512x200xf32>
    %max3A_25 = arith.constant 0.000000e+00 : f32
    %max3A_26 = vector.broadcast %max3A_25 : f32 to vector<512x200xf32>
    %max3A_27 = arith.maximumf %add3A_24, %max3A_26 : vector<512x200xf32>
    %get3A_28 = arith.constant 0 : index
    %get3A_29 = arith.constant 0 : index
    %get3A_30 = vector.load %arg5[%get3A_28, %get3A_29] : memref<1000x200xf32, #tpu.memory_space<vmem>>, vector<1000x200xf32>
    %convert_element_type3A_31 = arith.truncf %get3A_30 : vector<1000x200xf32> to vector<1000x200xbf16>
    %convert_element_type3A_32 = arith.truncf %max3A_27 : vector<512x200xf32> to vector<512x200xbf16>
    %dot_general3A_33 = arith.constant dense<0.000000e+00> : vector<1000x512xf32>
    %dot_general3A_34 = tpu.matmul %convert_element_type3A_31, %convert_element_type3A_32, %dot_general3A_33 {dimension_numbers = #tpu.dot_dimension_numbers<[1], [1], [0], [0], [0, 0, 1, 0], [], []>, transpose_lhs_hint = false} : vector<1000x200xbf16>, vector<512x200xbf16>, vector<1000x512xf32> -> vector<1000x512xf32>
    %get3A_35 = arith.constant 0 : index
    %get3A_36 = arith.constant 0 : index
    %get3A_37 = vector.load %arg6[%get3A_35, %get3A_36] : memref<1000x1xf32, #tpu.memory_space<vmem>>, vector<1000x1xf32>
    %add3A_38 = vector.broadcast %get3A_37 : vector<1000x1xf32> to vector<1000x512xf32>
    %add3A_39 = arith.addf %dot_general3A_34, %add3A_38 : vector<1000x512xf32>
    %reduce_max3A = arith.constant dense<0xFF800000> : vector<512xf32>
    %reduce_max3A_40 = vector.multi_reduction <maximumf>, %add3A_39, %reduce_max3A [0] : vector<1000x512xf32> to vector<512xf32>
    %broadcast_in_dim3A_41 = vector.shape_cast %reduce_max3A_40 : vector<512xf32> to vector<1x512xf32>
    %sub3A = vector.broadcast %broadcast_in_dim3A_41 : vector<1x512xf32> to vector<1000x512xf32>
    %sub3A_42 = arith.subf %add3A_39, %sub3A : vector<1000x512xf32>
    %exp3A = math.exp %sub3A_42 : vector<1000x512xf32>
    %reduce_sum3A_43 = arith.constant dense<0.000000e+00> : vector<512xf32>
    %reduce_sum3A_44 = vector.multi_reduction <add>, %exp3A, %reduce_sum3A_43 [0] : vector<1000x512xf32> to vector<512xf32>
    %broadcast_in_dim3A_45 = vector.shape_cast %reduce_sum3A_44 : vector<512xf32> to vector<1x512xf32>
    %div3A_46 = vector.broadcast %broadcast_in_dim3A_45 : vector<1x512xf32> to vector<1000x512xf32>
    %div3A_47 = arith.divf %exp3A, %div3A_46 : vector<1000x512xf32>
    %swap3A = arith.constant 0 : index
    %swap3A_48 = arith.constant 0 : index
    %swap3A_49 = vector.load %arg7[%swap3A, %swap3A_48] : memref<1000x512xf32, #tpu.memory_space<vmem>>, vector<1000x512xf32>
    tpu.vector_store %arg7[%swap3A, %swap3A_48], %div3A_47 {strides = array<i32>} : memref<1000x512xf32, #tpu.memory_space<vmem>>, vector<1000x512xf32>,
    return
  }
  func.func @transform_0(%arg0: i32) -> (i32, i32) {
    %c0_i32 = arith.constant 0 : i32
    %c0_i32_0 = arith.constant 0 : i32
    return %arg0, %c0_i32 : i32, i32
  }
  func.func @transform_1(%arg0: i32) -> (i32, i32) {
    %c0_i32 = arith.constant 0 : i32
    %c0_i32_0 = arith.constant 0 : i32
    return %arg0, %c0_i32 : i32, i32
  }
  func.func @transform_2(%arg0: i32) -> (i32, i32) {
    %c0_i32 = arith.constant 0 : i32
    %c0_i32_0 = arith.constant 0 : i32
    %c0_i32_1 = arith.constant 0 : i32
    return %c0_i32, %c0_i32_0 : i32, i32
  }
  func.func @transform_3(%arg0: i32) -> (i32, i32) {
    %c0_i32 = arith.constant 0 : i32
    %c0_i32_0 = arith.constant 0 : i32
    %c0_i32_1 = arith.constant 0 : i32
    return %c0_i32, %c0_i32_0 : i32, i32
  }
  func.func @transform_4(%arg0: i32) -> (i32, i32) {
    %c0_i32 = arith.constant 0 : i32
    %c0_i32_0 = arith.constant 0 : i32
    %c0_i32_1 = arith.constant 0 : i32
    return %c0_i32, %c0_i32_0 : i32, i32
  }
  func.func @transform_5(%arg0: i32) -> (i32, i32) {
    %c0_i32 = arith.constant 0 : i32
    %c0_i32_0 = arith.constant 0 : i32
    %c0_i32_1 = arith.constant 0 : i32
    return %c0_i32, %c0_i32_0 : i32, i32
  }
  func.func @transform_6(%arg0: i32) -> (i32, i32) {
    %c0_i32 = arith.constant 0 : i32
    %c0_i32_0 = arith.constant 0 : i32
    return %c0_i32, %arg0 : i32, i32
  }
}

</mosaic_0001>

<sc_bundles>
// kernel: kernel.5.cloned.1.call-start
scs
__scs_entry_jumppad:
0x0: {  	(pc) =	sbr.rel $0x88, $3  }
0x1: {  	(tag) =	ssettag $0x0;
	lr =	simm.s32 $0x1  }
0x2: {  	[smem:$0x3F9B] =	sst lr;
	_ =	strace $0xD0000000  }
0x3: {  	_ = 	snop  }
0x4: {  	_ = 	snop  }
0x5: {  	_ = 	snop  }
0x6: {  	_ = 	snop  }
0x7: {  	_ = 	snop  }
__scs_overlays_trampoline_lowered:
0x8: {  	[smem:$0x3FAA] =	sst s0  }
0x9: {  	[smem:$0x3FAB] =	sst s1  }
0xa: {  	[smem:$0x3FAC] =	sst s2  }
0xb: {  	[smem:$0x3FAD] =	sst s3  }
0xc: {  	[smem:$0x3FAE] =	sst s4  }
0xd: {  	[smem:$0x3FAF] =	sst s5  }
0xe: {  	[smem:$0x3FB0] =	sst s6  }
0xf: {  	[smem:$0x3FB1] =	sst s7  }
0x10: {  	[smem:$0x3FB2] =	sst s8  }
0x11: {  	[smem:$0x3FB3] =	sst s9;
	s0 =	simm.s32 @!p0 $0x0  }
0x12: {  	s1 =	sld [smem:$0x3F99];
	s0 =	simm.s32 @p0 $0x1  }
0x13: {  	[smem:$0x3FB4] =	sst s0;
	s0 =	simm.s32 @!p1 $0x0  }
0x14: {  	s2 =	sld [smem:$0x3F98];
	s0 =	simm.s32 @p1 $0x1  }
0x15: {  	[smem:$0x3FB5] =	sst s0;
	s0 =	simm.s32 @!p2 $0x0  }
0x16: {  	s3 =	sld [smem:$0x3FDB];
	s0 =	simm.s32 @p2 $0x1  }
0x17: {  	s4 =	simm.s32 $0x1BF5;
	[smem:$0x3FB7] =	sst s0  }
0x18: {  	s0 =	sld [smem:$0x3F9A];
	_ =	swait.ge [sflag:s4], $0x0  }
0x19: {  	s7 =	sld [smem:$0x3F9B]  }
0x1a: {  	s8 =	sadd.s32 $0xFFFFE003, lr  }
0x1b: {  	s9 =	sadd.s32 $0xFFFFFEF7, lr;
	s5 =	simm.s32 $0xFFFFFFFF;
	p2 =	slt.u32 s8, $0xFFFFF086  }
0x1c: {  	p1 =	slt.u32 s9, $0xF7A;
	s5 =	simm.s32 @!p2 $0x0  }
0x1d: {  	s5 =	simm.s32 @p1 $0x1;
	p0 =	seq.s32 s7, s2  }
0x1e: {  	s7 =	smul.u32 @!p0 $0xF7A, s2;
	p2 =	seq.s32 @!p0 s5, $0x0  }
0x1f: {  	s9 =	smul.u32 $0xF7A, s1;
	s8 =	simm.s32 @!p0 $0x1BF5;
	p2 =	por !p2, p0  }
0x20: {  	[sflag:s8] =	ssyncset.s32 @!p0 $0xFFFFF086;
	s6 =	sadd.s32 @!p0 s3, s7;
	s7 =	simm.s32 @!p0 $0x108  }
0x21: {  	s3 =	sadd.s32 s3, s9;
	s6 =	sadd.s32 @!p0 $0x88, s6;
	s7 =	simm.s32 @p2 $0x1082  }
0x22: {  	[simem:s7], [sflag:s8] =	dma.local @!p0 [hbm:s6], $0xF7A  }
0x23: {  	s9 =	sor.u32 $0xD0000000, s2;
	s6 =	simm.s32 $0x108;
	_ =	swait.ge @!p0 [sflag:s8], $0x0  }
0x24: {  	s3 =	sadd.s32 $0x88, s3;
	s6 =	simm.s32 @!p1 $0x1082;
	[sflag:s4] =	ssyncset.s32 $0xFFFFF086  }
0x25: {  	[simem:s6], [sflag:s4] =	dma.local [hbm:s3], $0xF7A  }
0x26: {  	[smem:$0x3F9B] =	sst s1;
	(tag) =	ssettag s2;
	_ =	strace s9  }
0x27: {  	s1 =	sld [smem:$0x3FAB]  }
0x28: {  	s2 =	sld [smem:$0x3FAC]  }
0x29: {  	s4 =	sld [smem:$0x3FAE]  }
0x2a: {  	p0 =	seq.s32 s5, $0x0;
	s5 =	sld [smem:$0x3FAF]  }
0x2b: {  	s6 =	sld [smem:$0x3FB0]  }
0x2c: {  	s7 =	sld [smem:$0x3FB1]  }
0x2d: {  	s3 =	simm.s32 $0x108;
	s8 =	sld [smem:$0x3FB2]  }
0x2e: {  	s3 =	simm.s32 @!p0 $0x1082;
	s9 =	sld [smem:$0x3FB3]  }
0x2f: {  	lr =	sadd.s32 s0, s3;
	s0 =	sld [smem:$0x3FAA]  }
0x30: {  	s3 =	sld [smem:$0x3FAD]  }
0x31: {  	[smem:$0x3FB6] =	sst s10  }
0x32: {  	s10 =	sld [smem:$0x3FB4];
	_ =	sdelay $0x3  }
0x33: {  	p0 =	seq.s32 s10, $0x1;
	s10 =	sld [smem:$0x3FB6];
	_ =	sdelay $0x3  }
0x34: {  	[smem:$0x3FB6] =	sst s10  }
0x35: {  	s10 =	sld [smem:$0x3FB5];
	_ =	sdelay $0x3  }
0x36: {  	p1 =	seq.s32 s10, $0x1;
	s10 =	sld [smem:$0x3FB6];
	_ =	sdelay $0x3  }
0x37: {  	[smem:$0x3FB6] =	sst s10  }
0x38: {  	s10 =	sld [smem:$0x3FB7]  }
0x39: {  	_ = 	snop;
	(pc) =	sbr.ind lr, $3  }
0x3a: {  	_ = 	snop  }
0x3b: {  	_ = 	snop  }
0x3c: {  	p2 =	seq.s32 s10, $0x1;
	s10 =	sld [smem:$0x3FB6]  }
0x3d: {  	_ =	shalt  }
0x3e: {  	_ =	shalt  }
0x3f: {  	_ =	shalt  }
0x40: {  	_ =	shalt  }
0x41: {  	_ =	shalt  }
0x42: {  	_ =	shalt  }
0x43: {  	_ =	shalt  }
0x44: {  	_ =	shalt  }
0x45: {  	_ =	shalt  }
0x46: {  	_ =	shalt  }
0x47: {  	_ =	shalt  }
0x48: {  	_ =	shalt  }
0x49: {  	_ =	shalt  }
0x4a: {  	_ =	shalt  }
0x4b: {  	_ =	shalt  }
0x4c: {  	_ =	shalt  }
0x4d: {  	_ =	shalt  }
0x4e: {  	_ =	shalt  }
0x4f: {  	_ =	shalt  }
0x50: {  	_ =	shalt  }
0x51: {  	_ =	shalt  }
0x52: {  	_ =	shalt  }
0x53: {  	_ =	shalt  }
0x54: {  	_ =	shalt  }
0x55: {  	_ =	shalt  }
0x56: {  	_ =	shalt  }
0x57: {  	_ =	shalt  }
0x58: {  	_ =	shalt  }
0x59: {  	_ =	shalt  }
0x5a: {  	_ =	shalt  }
0x5b: {  	_ =	shalt  }
0x5c: {  	_ =	shalt  }
0x5d: {  	_ =	shalt  }
0x5e: {  	_ =	shalt  }
0x5f: {  	_ =	shalt  }
0x60: {  	_ =	shalt  }
0x61: {  	_ =	shalt  }
0x62: {  	_ =	shalt  }
0x63: {  	_ =	shalt  }
0x64: {  	_ =	shalt  }
0x65: {  	_ =	shalt  }
0x66: {  	_ =	shalt  }
0x67: {  	_ =	shalt  }
0x68: {  	_ =	shalt  }
0x69: {  	_ =	shalt  }
0x6a: {  	_ =	shalt  }
0x6b: {  	_ =	shalt  }
0x6c: {  	_ =	shalt  }
0x6d: {  	_ =	shalt  }
0x6e: {  	_ =	shalt  }
0x6f: {  	_ =	shalt  }
0x70: {  	_ =	shalt  }
0x71: {  	_ =	shalt  }
0x72: {  	_ =	shalt  }
0x73: {  	_ =	shalt  }
0x74: {  	_ =	shalt  }
0x75: {  	_ =	shalt  }
0x76: {  	_ =	shalt  }
0x77: {  	_ =	shalt  }
0x78: {  	_ =	shalt  }
0x79: {  	_ =	shalt  }
0x7a: {  	_ =	shalt  }
0x7b: {  	_ =	shalt  }
0x7c: {  	_ =	shalt  }
0x7d: {  	_ =	shalt  }
0x7e: {  	_ =	shalt  }
0x7f: {  	_ =	shalt  }
0x80: {  	_ =	shalt  }
0x81: {  	_ =	shalt  }
0x82: {  	_ =	shalt  }
0x83: {  	_ =	shalt  }
0x84: {  	_ =	shalt  }
0x85: {  	_ =	shalt  }
0x86: {  	_ =	shalt  }
0x87: {  	_ =	shalt  }
.Lfunc_end0:
.L_simem_size_0:
called_computation_lowered:
.L_overlay_start_0:
0x88: {  	s2 =	sld [smem:$0x3FD9]  }
0x89: {  	s3 =	sld [smem:$0x3FFE];
	_ =	sdelay $0x1  }
0x8a: {  	s1 =	srdreg.scid  }
0x8b: {  	s0 =	sand.u32 $0x1, s1  }
0x8c: {  	s17 =	sshll.u32 s0, $0xA;
	s2 =	sadd.s32 s3, s2  }
0x8d: {  	s2 =	sadd.s32 s2, s17  }
0x8e: {  	[smem:$0x3FC2] =	sst s2  }
0x8f: {  	_ = 	snop  }
0x90: {  	s2 =	sld [smem:$0x3FD0];
	(tm) =	ssettm $0x1  }
0x91: {  	s18 =	sld [smem:$0x3FFB];
	_ =	sdelay $0x3  }
0x92: {  	_ =	strace s18  }
0x93: {  	s3 =	sld [smem:$0x3FFC];
	_ =	sdelay $0x3  }
0x94: {  	_ =	strace s3  }
0x95: {  	s3 =	sld [smem:$0x3FFD];
	_ =	sdelay $0x3  }
0x96: {  	_ =	strace s3  }
0x97: {  	_ =	strace $0x8FFFFFFF  }
0x98: {  	s19 =	sld [smem:$0x3FDB];
	_ =	sdelay $0x1  }
0x99: {  	s4 =	simm.s32 $_scs_section_size  }
0x9a: {  	s5 =	simm.s32 $_size__tile_overlayer_lowered;
	s6 =	simm.s32 $_tile_overlayer_lowered  }
0x9b: {  	s22 =	simm.s32 $0x1BFF;
	s21 =	sshll.u32 s6, $0x1;
	s3 =	sadd.s32 s4, s19  }
0x9c: {  	s7 =	simm.s32 $0x0;
	s20 =	sshll.u32 s5, $0x1;
	s5 =	sadd.s32 s21, s3  }
0x9d: {  	[timem:s7], [sflag:s22] =	dma.local [hbm:s5], s20  }
0x9e: {  	_ =	swait.ge [sflag:s22], s20  }
0x9f: {  	s4 =	ssub.s32 $0x0, s20;
	[sflag:s22] =	ssyncset.done $0x0  }
0xa0: {  	[sflag:s22] =	ssyncadd.s32 s4;
	_ =	sdelay $0x1  }
0xa1: {  	s23 =	simm.s32 $0x1B8B  }
0xa2: {  	_ =	swait.ge [sflag:s23], $0x1  }
0xa3: {  	[sflag:s23] =	ssyncset.done $0x0  }
0xa4: {  	s25 =	simm.s32 $0x1B8E;
	s24 =	sld [smem:$0x3FFE];
	[sflag:s23] =	ssyncadd.s32 $0xFFFFFFFF  }
0xa5: {  	s26 =	simm.s32 $execute0_lowered;
	[smem:$0x3FD2] =	sst s25  }
0xa6: {  	s5 =	sshll.u32 s26, $0x1;
	_ =	strace $0x80000046;
	[dreg:$0x1] =	wrdreg $0xFFFFFFFF  }
0xa7: {  	s28 =	simm.s32 $_size_execute0_lowered;
	s3 =	sadd.s32 s3, s5;
	[dreg:$0x0] =	wrdreg $0x0  }
0xa8: {  	s5 =	sshll.u32 s28, $0x1;
	[dreg:$0x2] =	wrdreg s3  }
0xa9: {  	[dreg:$0x3] =	wrdreg s5  }
0xaa: {  	[dreg:$0x4] =	wrdreg $0xC0  }
0xab: {  	_ =	task [dreg:s7], $0x5FFFF  }
0xac: {  	[dreg:$0x1] =	wrdreg $0xFFFFFFFF  }
0xad: {  	[dreg:$0x0] =	wrdreg $0x60  }
0xae: {  	[dreg:$0x2] =	wrdreg s24  }
0xaf: {  	[dreg:$0x3] =	wrdreg s2  }
0xb0: {  	[dreg:$0x4] =	wrdreg $0x9  }
0xb1: {  	_ =	task.clear_ibuf [dreg:s7], $0x5FFFF;
	_ =	strace $0x90000046  }
0xb2: {  	s29 =	simm.s32 $0x9;
	_ =	strace $0x80000048  }
0xb3: {  	_ =	swait.ge [sflag:s29], $0x1  }
0xb4: {  	[sflag:s29] =	ssyncadd.s32 $0xFFFFFFFF  }
0xb5: {  	_ =	strace $0x90000048  }
0xb6: {  	_ =	sfence  }
0xb7: {  	s30 =	sld [smem:$0x0];
	_ =	sdelay $0x2  }
0xb8: {  	s31 =	sshll.u32 s1, $0xD;
	s1 =	sshrl.u32 s1, $0x2  }
0xb9: {  	s3 =	sand.u32 $0x4000, s31;
	s1 =	sadd.s32 s1, s30  }
0xba: {  	s0 =	sor.u32 s3, s0;
	s1 =	sshll.u32 s1, $0x11  }
0xbb: {  	s0 =	sor.u32 s1, s0  }
0xbc: {  	s0 =	sadd.s32 $0x8F2B, s0  }
0xbd: {  	[sflag:s0] =	ssyncadd.remote.s32 $0x1  }
0xbe: {  	_ =	sfence.sel $0xFFFF  }
0xbf: {  	[dreg:$0x0] =	wrdreg $0xFFFFFFFF;
	(pc) =	sbr.abs _section_cstart, $3  }
0xc0: {  	[dreg:$0x1] =	wrdreg $0xFFFFFFFF  }
0xc1: {  	_ =	task.clear_ibuf [dreg:s7], $0x2FFFF;
	_ =	strace $0x9FFFFFFF  }
0xc2: {  	(tm) =	ssettm $0x7FFFFFFF  }
0xc3: {  	_ =	shalt  }
tec
execute0_lowered:
.L_overlay_start_1:
0x0: {  	(tag) =	ssettag $0x1  }
0x1: {  	s0 =	rddreg [dreg:$0x0]  }
0x2: {  	s1 =	rddreg [dreg:$0x1];
	s15 =	simm.s32 $0x0  }
0x3: {  	s2 =	srdreg.scid;
	s3 =	stileid.u32;
	s10 =	simm.s32 $0x3  }
0x4: {  	s11 =	simm.s32 $0x80;
	s28 =	simm.s32 $0x4D00;
	s29 =	simm.s32 $0x480  }
0x5: {  	s30 =	simm.s32 $0x5500;
	s31 =	simm.s32 $0x500;
	s8 =	simm.s32 $0x600  }
0x6: {  	s9 =	simm.s32 $0x6D00;
	s12 =	simm.s32 $0xB00;
	s20 =	simm.s32 $0xBD00  }
0x7: {  	s16 =	simm.s32 $0xB80;
	s21 =	simm.s32 $0xC500;
	s14 =	simm.s32 $0xC00  }
0x8: {  	s22 =	simm.s32 $0xCD00;
	s17 =	simm.s32 $0xC80;
	s23 =	simm.s32 $0xD500  }
0x9: {  	s13 =	simm.s32 $0x1;
	s24 =	simm.s32 $0x2;
	s19 =	simm.s32 $0x0  }
0xa: {  	[smem:$0x7FF] =	sst s15;
	s2 =	sand.u32 $0x1, s2;
	s3 =	sshll.u32 s3, $0x1  }
0xb: {  	s4 =	sadd.s32 $0x80E00, s0;
	s3 =	sor.u32 s2, s3;
	s2 =	ssub.s32 $0x2, s2  }
0xc: {  	s5 =	sshll.u32 s3, $0xA;
	s6 =	sshrl.u32 s2, $0x1;
	s7 =	smul.u32 $0x3400, s3  }
0xd: {  	_ =	strace $0x80000047;
	s0 =	sadd.s32 s5, s0;
	s2 =	ssub.s32 s2, s6  }
0xe: {  	s5 =	sshll.u32 s3, $0x9;
	s6 =	simm.s32 $0x6500;
	s25 =	sadd.s32 s4, s7  }
0xf: {  	s3 =	simm.s32 $0x680;
	s0 =	sadd.s32 $0xE8E00, s0;
	[dreg:$0x3] =	wrdreg s25  }
0x10: {  	s7 =	sor.u32 $0x10, s5;
	s26 =	smax.u32 s2, $0x1;
	[dreg:$0x4] =	wrdreg s0  }
0x11: {  	s2 =	simm.s32 $0x580;
	[dreg:$0x5] =	wrdreg s26;
	s0 =	simm.s32 $0x5D00  }
.LBB2_1:
0x12: {  	[dreg:$0x6] =	wrdreg s19  }
0x13: {  	s18 =	rddreg [dreg:$0x3]  }
0x14: {  	[tilespmem:s15], [sflag:$0x3] =	stream.linear.gather [hbm4b:s18+s15], $0x680, $0x38;
	[tilespmem:$0xFD00] =	vst v63  }
0x15: {  	_ =	swait.ge [sflag:s10], $0x680  }
0x16: {  	[sflag:s10] =	ssyncset.done $0x0  }
0x17: {  	s26 =	simm.s32 $0xD00;
	[sflag:s10] =	ssyncadd.s32 $0xFFFFF980  }
0x18: {  	[tilespmem:s26], [sflag:$0x1] =	stream.indirect.gather [hbm4b:s1+s11], $0x10, s15, s11, $0xb8;
	[tilespmem:$0xFD00] =	vst v63  }
0x19: {  	s19 =	simm.s32 $0x1500  }
0x1a: {  	[tilespmem:s19], [sflag:$0x1] =	stream.indirect.gather [hbm4b:s1+s11], $0x10, s11, s11, $0xb8;
	[tilespmem:$0xFD00] =	vst v63  }
0x1b: {  	s25 =	simm.s32 $0x100;
	s26 =	simm.s32 $0x1D00  }
0x1c: {  	[tilespmem:s26], [sflag:$0x1] =	stream.indirect.gather [hbm4b:s1+s11], $0x10, s25, s11, $0xb8;
	[tilespmem:$0xFD00] =	vst v63  }
0x1d: {  	s18 =	simm.s32 $0x180;
	s19 =	simm.s32 $0x2500  }
0x1e: {  	[tilespmem:s19], [sflag:$0x1] =	stream.indirect.gather [hbm4b:s1+s11], $0x10, s18, s11, $0xb8;
	[tilespmem:$0xFD00] =	vst v63  }
0x1f: {  	s25 =	simm.s32 $0x200;
	s26 =	simm.s32 $0x2D00  }
0x20: {  	[tilespmem:s26], [sflag:$0x1] =	stream.indirect.gather [hbm4b:s1+s11], $0x10, s25, s11, $0xb8;
	[tilespmem:$0xFD00] =	vst v63  }
0x21: {  	s18 =	simm.s32 $0x280;
	s19 =	simm.s32 $0x3500  }
0x22: {  	[tilespmem:s19], [sflag:$0x1] =	stream.indirect.gather [hbm4b:s1+s11], $0x10, s18, s11, $0xb8;
	[tilespmem:$0xFD00] =	vst v63  }
0x23: {  	s25 =	simm.s32 $0x300;
	s26 =	simm.s32 $0x3D00  }
0x24: {  	[tilespmem:s26], [sflag:$0x1] =	stream.indirect.gather [hbm4b:s1+s11], $0x10, s25, s11, $0xb8;
	[tilespmem:$0xFD00] =	vst v63  }
0x25: {  	s19 =	simm.s32 $0x380;
	s25 =	simm.s32 $0x4500  }
0x26: {  	[tilespmem:s25], [sflag:$0x1] =	stream.indirect.gather [hbm4b:s1+s11], $0x10, s19, s11, $0xb8;
	[tilespmem:$0xFD00] =	vst v63  }
0x27: {  	s26 =	simm.s32 $0x400  }
0x28: {  	[tilespmem:s28], [sflag:$0x1] =	stream.indirect.gather [hbm4b:s1+s11], $0x10, s26, s11, $0xb8;
	[tilespmem:$0xFD00] =	vst v63  }
0x29: {  	_ = 	snop  }
0x2a: {  	[tilespmem:s30], [sflag:$0x1] =	stream.indirect.gather [hbm4b:s1+s11], $0x10, s29, s11, $0xb8;
	[tilespmem:$0xFD00] =	vst v63  }
0x2b: {  	_ = 	snop  }
0x2c: {  	[tilespmem:s0], [sflag:$0x1] =	stream.indirect.gather [hbm4b:s1+s11], $0x10, s31, s11, $0xb8;
	[tilespmem:$0xFD00] =	vst v63  }
0x2d: {  	_ = 	snop  }
0x2e: {  	[tilespmem:s6], [sflag:$0x1] =	stream.indirect.gather [hbm4b:s1+s11], $0x10, s2, s11, $0xb8;
	[tilespmem:$0xFD00] =	vst v63  }
0x2f: {  	s18 =	simm.s32 $0x0  }
0x30: {  	[tilespmem:s9], [sflag:$0x1] =	stream.indirect.gather [hbm4b:s1+s11], $0x10, s8, s11, $0xb8;
	[tilespmem:$0xFD00] =	vst v63  }
.LBB2_2:
0x31: {  	s15 =	sshll.u32 s18, $0x4  }
0x32: {  	s15 =	sor.u32 $0x8, s15  }
0x33: {  	s25 =	sadd.s32 s5, s15  }
0x34: {  	s25 =	smul.u32 $0x1A, s25;
	_ =	sdelay $0x1  }
0x35: {  	s26 =	simm.s32 $0x0;
	s25 =	sadd.s32 s4, s25  }
0x36: {  	[tilespmem:s3], [sflag:$0x3] =	stream.linear.gather [hbm4b:s25+s26], $0x680, $0x38;
	[tilespmem:$0xFD00] =	vst v63  }
0x37: {  	_ =	swait.ge [sflag:s10], $0x680  }
0x38: {  	[sflag:s10] =	ssyncset.done $0x0  }
0x39: {  	s19 =	simm.s32 $0x7500;
	[sflag:s10] =	ssyncadd.s32 $0xFFFFF980  }
0x3a: {  	[tilespmem:s19], [sflag:$0x2] =	stream.indirect.gather [hbm4b:s1+s11], $0x10, s3, s11, $0xb8;
	[tilespmem:$0xFD00] =	vst v63  }
0x3b: {  	s25 =	simm.s32 $0x700;
	s26 =	simm.s32 $0x7D00  }
0x3c: {  	[tilespmem:s26], [sflag:$0x2] =	stream.indirect.gather [hbm4b:s1+s11], $0x10, s25, s11, $0xb8;
	[tilespmem:$0xFD00] =	vst v63  }
0x3d: {  	s25 =	simm.s32 $0x780;
	s26 =	simm.s32 $0x8500  }
0x3e: {  	[tilespmem:s26], [sflag:$0x2] =	stream.indirect.gather [hbm4b:s1+s11], $0x10, s25, s11, $0xb8;
	[tilespmem:$0xFD00] =	vst v63  }
0x3f: {  	s25 =	simm.s32 $0x800;
	s26 =	simm.s32 $0x8D00  }
0x40: {  	[tilespmem:s26], [sflag:$0x2] =	stream.indirect.gather [hbm4b:s1+s11], $0x10, s25, s11, $0xb8;
	[tilespmem:$0xFD00] =	vst v63  }
0x41: {  	s25 =	simm.s32 $0x880;
	s26 =	simm.s32 $0x9500  }
0x42: {  	[tilespmem:s26], [sflag:$0x2] =	stream.indirect.gather [hbm4b:s1+s11], $0x10, s25, s11, $0xb8;
	[tilespmem:$0xFD00] =	vst v63  }
0x43: {  	s25 =	simm.s32 $0x900;
	s26 =	simm.s32 $0x9D00  }
0x44: {  	[tilespmem:s26], [sflag:$0x2] =	stream.indirect.gather [hbm4b:s1+s11], $0x10, s25, s11, $0xb8;
	[tilespmem:$0xFD00] =	vst v63  }
0x45: {  	s25 =	simm.s32 $0x980;
	s26 =	simm.s32 $0xA500  }
0x46: {  	[tilespmem:s26], [sflag:$0x2] =	stream.indirect.gather [hbm4b:s1+s11], $0x10, s25, s11, $0xb8;
	[tilespmem:$0xFD00] =	vst v63  }
0x47: {  	s25 =	simm.s32 $0xA00;
	s26 =	simm.s32 $0xAD00  }
0x48: {  	[tilespmem:s26], [sflag:$0x2] =	stream.indirect.gather [hbm4b:s1+s11], $0x10, s25, s11, $0xb8;
	[tilespmem:$0xFD00] =	vst v63  }
0x49: {  	s25 =	simm.s32 $0xA80;
	s26 =	simm.s32 $0xB500  }
0x4a: {  	[tilespmem:s26], [sflag:$0x2] =	stream.indirect.gather [hbm4b:s1+s11], $0x10, s25, s11, $0xb8;
	[tilespmem:$0xFD00] =	vst v63  }
0x4b: {  	_ = 	snop  }
0x4c: {  	[tilespmem:s20], [sflag:$0x2] =	stream.indirect.gather [hbm4b:s1+s11], $0x10, s12, s11, $0xb8;
	[tilespmem:$0xFD00] =	vst v63  }
0x4d: {  	_ = 	snop  }
0x4e: {  	[tilespmem:s21], [sflag:$0x2] =	stream.indirect.gather [hbm4b:s1+s11], $0x10, s16, s11, $0xb8;
	[tilespmem:$0xFD00] =	vst v63  }
0x4f: {  	_ = 	snop  }
0x50: {  	[tilespmem:s22], [sflag:$0x2] =	stream.indirect.gather [hbm4b:s1+s11], $0x10, s14, s11, $0xb8;
	[tilespmem:$0xFD00] =	vst v63  }
0x51: {  	_ = 	snop  }
0x52: {  	[tilespmem:s23], [sflag:$0x2] =	stream.indirect.gather [hbm4b:s1+s11], $0x10, s17, s11, $0xb8;
	[tilespmem:$0xFD00] =	vst v63  }
0x53: {  	_ =	swait.ge [sflag:s13], $0x800  }
0x54: {  	[sflag:s13] =	ssyncset.done $0x0  }
0x55: {  	[sflag:s13] =	ssyncadd.s32 $0xFFFFF800  }
0x56: {  	_ =	swait.ge [sflag:s13], $0x800  }
0x57: {  	[sflag:s13] =	ssyncset.done $0x0  }
0x58: {  	[sflag:s13] =	ssyncadd.s32 $0xFFFFF800  }
0x59: {  	_ =	swait.ge [sflag:s13], $0x800  }
0x5a: {  	[sflag:s13] =	ssyncset.done $0x0  }
0x5b: {  	[sflag:s13] =	ssyncadd.s32 $0xFFFFF800  }
0x5c: {  	_ =	swait.ge [sflag:s13], $0x800  }
0x5d: {  	[sflag:s13] =	ssyncset.done $0x0  }
0x5e: {  	[sflag:s13] =	ssyncadd.s32 $0xFFFFF800  }
0x5f: {  	_ =	swait.ge [sflag:s13], $0x800  }
0x60: {  	[sflag:s13] =	ssyncset.done $0x0  }
0x61: {  	[sflag:s13] =	ssyncadd.s32 $0xFFFFF800  }
0x62: {  	_ =	swait.ge [sflag:s13], $0x800  }
0x63: {  	[sflag:s13] =	ssyncset.done $0x0  }
0x64: {  	[sflag:s13] =	ssyncadd.s32 $0xFFFFF800  }
0x65: {  	_ =	swait.ge [sflag:s13], $0x800  }
0x66: {  	[sflag:s13] =	ssyncset.done $0x0  }
0x67: {  	[sflag:s13] =	ssyncadd.s32 $0xFFFFF800  }
0x68: {  	_ =	swait.ge [sflag:s13], $0x800  }
0x69: {  	[sflag:s13] =	ssyncset.done $0x0  }
0x6a: {  	[sflag:s13] =	ssyncadd.s32 $0xFFFFF800  }
0x6b: {  	_ =	swait.ge [sflag:s13], $0x800  }
0x6c: {  	[sflag:s13] =	ssyncset.done $0x0  }
0x6d: {  	[sflag:s13] =	ssyncadd.s32 $0xFFFFF800  }
0x6e: {  	_ =	swait.ge [sflag:s13], $0x800  }
0x6f: {  	[sflag:s13] =	ssyncset.done $0x0  }
0x70: {  	[sflag:s13] =	ssyncadd.s32 $0xFFFFF800  }
0x71: {  	_ =	swait.ge [sflag:s13], $0x800  }
0x72: {  	[sflag:s13] =	ssyncset.done $0x0  }
0x73: {  	[sflag:s13] =	ssyncadd.s32 $0xFFFFF800  }
0x74: {  	_ =	swait.ge [sflag:s13], $0x800  }
0x75: {  	[sflag:s13] =	ssyncset.done $0x0  }
0x76: {  	[sflag:s13] =	ssyncadd.s32 $0xFFFFF800  }
0x77: {  	_ =	swait.ge [sflag:s13], $0x800  }
0x78: {  	[sflag:s13] =	ssyncset.done $0x0  }
0x79: {  	s26 =	simm.s32 $0x0;
	[sflag:s13] =	ssyncadd.s32 $0xFFFFF800  }
0x7a: {  	v1 =	vld [tilespmem:s26+$0xD30]  }
0x7b: {  	v2 =	vld [tilespmem:s26+$0xD00]  }
0x7c: {  	v0 =	vimm.f32 $0.0e+00;
	v3 =	vld [tilespmem:s26+$0xD10]  }
0x7d: {  	v5 =	vimm.f32 $0.0e+00;
	v6 =	vimm.f32 $0.0e+00;
	v7 =	vimm.f32 $0.0e+00;
	s25 =	simm.s32 $0x100;
	v4 =	vld [tilespmem:s26+$0xD20]  }
.LBB2_3:
0x7e: {  	p0 =	sne.s32 s25, $0x3300  }
.Ltmp0:
0x7f: {  	s26 =	sshra.s32 s25, $0x2;
	s25 =	sadd.s32 $0x100, s25;
	v0 =	vadd.f32 v1, v0;
	(pc) =	sbr.rel @p0 .LBB2_3-.Ltmp0, $4  }
0x80: {  	v1 =	vld [tilespmem:s26+$0xD30];
	v5 =	vadd.f32 v2, v5  }
0x81: {  	v2 =	vld [tilespmem:s26+$0xD00];
	v6 =	vadd.f32 v3, v6  }
0x82: {  	v3 =	vld [tilespmem:s26+$0xD10];
	v7 =	vadd.f32 v4, v7  }
0x83: {  	v4 =	vld [tilespmem:s26+$0xD20]  }
0x84: {  	_ =	sdelay $0x2  }
0x85: {  	v0 =	vadd.f32 v1, v0;
	v1 =	vadd.f32 v2, v5  }
0x86: {  	v2 =	vadd.f32 v3, v6;
	v3 =	vadd.f32 v4, v7;
	_ =	sdelay $0x1  }
0x87: {  	v1 =	vadd.f32 v2, v1;
	v0 =	vadd.f32 v0, v3;
	_ =	sdelay $0x1  }
0x88: {  	s25 =	sshll.u32 s18, $0x8;
	v0 =	vadd.f32 v0, v1  }
0x89: {  	s25 =	sand.u32 $0x3FFFFF00, s25  }
0x8a: {  	s19 =	simm.s32 $0x0;
	[tilespmem:s25+$0xDD00] =	vst v0  }
0x8b: {  	v1 =	vld [tilespmem:s19+$0x1A30]  }
0x8c: {  	v2 =	vld [tilespmem:s19+$0x1A00]  }
0x8d: {  	v5 =	vimm.f32 $0.0e+00;
	v3 =	vld [tilespmem:s19+$0x1A10]  }
0x8e: {  	s26 =	simm.s32 $0x100;
	v6 =	vimm.f32 $0.0e+00;
	v7 =	vimm.f32 $0.0e+00;
	v0 =	vimm.f32 $0.0e+00;
	v4 =	vld [tilespmem:s19+$0x1A20]  }
.LBB2_5:
0x8f: {  	p0 =	sne.s32 s26, $0x3300  }
.Ltmp1:
0x90: {  	s19 =	sshra.s32 s26, $0x2;
	s26 =	sadd.s32 $0x100, s26;
	v0 =	vadd.f32 v1, v0;
	(pc) =	sbr.rel @p0 .LBB2_5-.Ltmp1, $4  }
0x91: {  	v1 =	vld [tilespmem:s19+$0x1A30];
	v5 =	vadd.f32 v2, v5  }
0x92: {  	v2 =	vld [tilespmem:s19+$0x1A00];
	v6 =	vadd.f32 v3, v6  }
0x93: {  	v3 =	vld [tilespmem:s19+$0x1A10];
	v7 =	vadd.f32 v4, v7  }
0x94: {  	v4 =	vld [tilespmem:s19+$0x1A20]  }
0x95: {  	_ =	sdelay $0x2  }
0x96: {  	v0 =	vadd.f32 v1, v0;
	v1 =	vadd.f32 v2, v5  }
0x97: {  	v2 =	vadd.f32 v3, v6;
	v3 =	vadd.f32 v4, v7;
	_ =	sdelay $0x1  }
0x98: {  	v1 =	vadd.f32 v2, v1;
	v0 =	vadd.f32 v0, v3;
	_ =	sdelay $0x1  }
0x99: {  	v0 =	vadd.f32 v0, v1;
	_ =	sdelay $0x1  }
0x9a: {  	s19 =	simm.s32 $0x0;
	[tilespmem:s25+$0xDD10] =	vst v0  }
0x9b: {  	v1 =	vld [tilespmem:s19+$0x2730]  }
0x9c: {  	v2 =	vld [tilespmem:s19+$0x2700]  }
0x9d: {  	v5 =	vimm.f32 $0.0e+00;
	v3 =	vld [tilespmem:s19+$0x2710]  }
0x9e: {  	s26 =	simm.s32 $0x100;
	v6 =	vimm.f32 $0.0e+00;
	v7 =	vimm.f32 $0.0e+00;
	v0 =	vimm.f32 $0.0e+00;
	v4 =	vld [tilespmem:s19+$0x2720]  }
.LBB2_7:
0x9f: {  	p0 =	sne.s32 s26, $0x3300  }
.Ltmp2:
0xa0: {  	s19 =	sshra.s32 s26, $0x2;
	s26 =	sadd.s32 $0x100, s26;
	v0 =	vadd.f32 v1, v0;
	(pc) =	sbr.rel @p0 .LBB2_7-.Ltmp2, $4  }
0xa1: {  	v1 =	vld [tilespmem:s19+$0x2730];
	v5 =	vadd.f32 v2, v5  }
0xa2: {  	v2 =	vld [tilespmem:s19+$0x2700];
	v6 =	vadd.f32 v3, v6  }
0xa3: {  	v3 =	vld [tilespmem:s19+$0x2710];
	v7 =	vadd.f32 v4, v7  }
0xa4: {  	v4 =	vld [tilespmem:s19+$0x2720]  }
0xa5: {  	_ =	sdelay $0x2  }
0xa6: {  	v0 =	vadd.f32 v1, v0;
	v1 =	vadd.f32 v2, v5  }
0xa7: {  	v2 =	vadd.f32 v3, v6;
	v3 =	vadd.f32 v4, v7;
	_ =	sdelay $0x1  }
0xa8: {  	v1 =	vadd.f32 v2, v1;
	v0 =	vadd.f32 v0, v3;
	_ =	sdelay $0x1  }
0xa9: {  	v0 =	vadd.f32 v0, v1;
	_ =	sdelay $0x1  }
0xaa: {  	s19 =	simm.s32 $0x0;
	[tilespmem:s25+$0xDD20] =	vst v0  }
0xab: {  	v1 =	vld [tilespmem:s19+$0x3430]  }
0xac: {  	v2 =	vld [tilespmem:s19+$0x3400]  }
0xad: {  	v5 =	vimm.f32 $0.0e+00;
	v3 =	vld [tilespmem:s19+$0x3410]  }
0xae: {  	s26 =	simm.s32 $0x100;
	v6 =	vimm.f32 $0.0e+00;
	v7 =	vimm.f32 $0.0e+00;
	v0 =	vimm.f32 $0.0e+00;
	v4 =	vld [tilespmem:s19+$0x3420]  }
.LBB2_9:
0xaf: {  	p0 =	sne.s32 s26, $0x3300  }
.Ltmp3:
0xb0: {  	s19 =	sshra.s32 s26, $0x2;
	s26 =	sadd.s32 $0x100, s26;
	v0 =	vadd.f32 v1, v0;
	(pc) =	sbr.rel @p0 .LBB2_9-.Ltmp3, $4  }
0xb1: {  	v1 =	vld [tilespmem:s19+$0x3430];
	v5 =	vadd.f32 v2, v5  }
0xb2: {  	v2 =	vld [tilespmem:s19+$0x3400];
	v6 =	vadd.f32 v3, v6  }
0xb3: {  	v3 =	vld [tilespmem:s19+$0x3410];
	v7 =	vadd.f32 v4, v7  }
0xb4: {  	v4 =	vld [tilespmem:s19+$0x3420]  }
0xb5: {  	_ =	sdelay $0x2  }
0xb6: {  	v0 =	vadd.f32 v1, v0;
	v1 =	vadd.f32 v2, v5  }
0xb7: {  	v2 =	vadd.f32 v3, v6;
	v3 =	vadd.f32 v4, v7;
	_ =	sdelay $0x1  }
0xb8: {  	v1 =	vadd.f32 v2, v1;
	v0 =	vadd.f32 v0, v3;
	_ =	sdelay $0x1  }
0xb9: {  	v0 =	vadd.f32 v0, v1;
	_ =	sdelay $0x1  }
0xba: {  	s19 =	simm.s32 $0x0;
	[tilespmem:s25+$0xDD30] =	vst v0  }
0xbb: {  	v1 =	vld [tilespmem:s19+$0x4130]  }
0xbc: {  	v2 =	vld [tilespmem:s19+$0x4100]  }
0xbd: {  	v5 =	vimm.f32 $0.0e+00;
	v3 =	vld [tilespmem:s19+$0x4110]  }
0xbe: {  	s26 =	simm.s32 $0x100;
	v6 =	vimm.f32 $0.0e+00;
	v7 =	vimm.f32 $0.0e+00;
	v0 =	vimm.f32 $0.0e+00;
	v4 =	vld [tilespmem:s19+$0x4120]  }
.LBB2_11:
0xbf: {  	p0 =	sne.s32 s26, $0x3300  }
.Ltmp4:
0xc0: {  	s19 =	sshra.s32 s26, $0x2;
	s26 =	sadd.s32 $0x100, s26;
	v0 =	vadd.f32 v1, v0;
	(pc) =	sbr.rel @p0 .LBB2_11-.Ltmp4, $4  }
0xc1: {  	v1 =	vld [tilespmem:s19+$0x4130];
	v5 =	vadd.f32 v2, v5  }
0xc2: {  	v2 =	vld [tilespmem:s19+$0x4100];
	v6 =	vadd.f32 v3, v6  }
0xc3: {  	v3 =	vld [tilespmem:s19+$0x4110];
	v7 =	vadd.f32 v4, v7  }
0xc4: {  	v4 =	vld [tilespmem:s19+$0x4120]  }
0xc5: {  	_ =	sdelay $0x2  }
0xc6: {  	v0 =	vadd.f32 v1, v0;
	v1 =	vadd.f32 v2, v5  }
0xc7: {  	v2 =	vadd.f32 v3, v6;
	v3 =	vadd.f32 v4, v7;
	_ =	sdelay $0x1  }
0xc8: {  	v1 =	vadd.f32 v2, v1;
	v0 =	vadd.f32 v0, v3;
	_ =	sdelay $0x1  }
0xc9: {  	v0 =	vadd.f32 v0, v1;
	_ =	sdelay $0x1  }
0xca: {  	s19 =	simm.s32 $0x0;
	[tilespmem:s25+$0xDD40] =	vst v0  }
0xcb: {  	v1 =	vld [tilespmem:s19+$0x4E30]  }
0xcc: {  	v2 =	vld [tilespmem:s19+$0x4E00]  }
0xcd: {  	v5 =	vimm.f32 $0.0e+00;
	v3 =	vld [tilespmem:s19+$0x4E10]  }
0xce: {  	s26 =	simm.s32 $0x100;
	v6 =	vimm.f32 $0.0e+00;
	v7 =	vimm.f32 $0.0e+00;
	v0 =	vimm.f32 $0.0e+00;
	v4 =	vld [tilespmem:s19+$0x4E20]  }
.LBB2_13:
0xcf: {  	p0 =	sne.s32 s26, $0x3300  }
.Ltmp5:
0xd0: {  	s19 =	sshra.s32 s26, $0x2;
	s26 =	sadd.s32 $0x100, s26;
	v0 =	vadd.f32 v1, v0;
	(pc) =	sbr.rel @p0 .LBB2_13-.Ltmp5, $4  }
0xd1: {  	v1 =	vld [tilespmem:s19+$0x4E30];
	v5 =	vadd.f32 v2, v5  }
0xd2: {  	v2 =	vld [tilespmem:s19+$0x4E00];
	v6 =	vadd.f32 v3, v6  }
0xd3: {  	v3 =	vld [tilespmem:s19+$0x4E10];
	v7 =	vadd.f32 v4, v7  }
0xd4: {  	v4 =	vld [tilespmem:s19+$0x4E20]  }
0xd5: {  	_ =	sdelay $0x2  }
0xd6: {  	v0 =	vadd.f32 v1, v0;
	v1 =	vadd.f32 v2, v5  }
0xd7: {  	v2 =	vadd.f32 v3, v6;
	v3 =	vadd.f32 v4, v7;
	_ =	sdelay $0x1  }
0xd8: {  	v1 =	vadd.f32 v2, v1;
	v0 =	vadd.f32 v0, v3;
	_ =	sdelay $0x1  }
0xd9: {  	v0 =	vadd.f32 v0, v1;
	_ =	sdelay $0x1  }
0xda: {  	s19 =	simm.s32 $0x0;
	[tilespmem:s25+$0xDD50] =	vst v0  }
0xdb: {  	v1 =	vld [tilespmem:s19+$0x5B30]  }
0xdc: {  	v2 =	vld [tilespmem:s19+$0x5B00]  }
0xdd: {  	v5 =	vimm.f32 $0.0e+00;
	v3 =	vld [tilespmem:s19+$0x5B10]  }
0xde: {  	s26 =	simm.s32 $0x100;
	v6 =	vimm.f32 $0.0e+00;
	v7 =	vimm.f32 $0.0e+00;
	v0 =	vimm.f32 $0.0e+00;
	v4 =	vld [tilespmem:s19+$0x5B20]  }
.LBB2_15:
0xdf: {  	p0 =	sne.s32 s26, $0x3300  }
.Ltmp6:
0xe0: {  	s19 =	sshra.s32 s26, $0x2;
	s26 =	sadd.s32 $0x100, s26;
	v0 =	vadd.f32 v1, v0;
	(pc) =	sbr.rel @p0 .LBB2_15-.Ltmp6, $4  }
0xe1: {  	v1 =	vld [tilespmem:s19+$0x5B30];
	v5 =	vadd.f32 v2, v5  }
0xe2: {  	v2 =	vld [tilespmem:s19+$0x5B00];
	v6 =	vadd.f32 v3, v6  }
0xe3: {  	v3 =	vld [tilespmem:s19+$0x5B10];
	v7 =	vadd.f32 v4, v7  }
0xe4: {  	v4 =	vld [tilespmem:s19+$0x5B20]  }
0xe5: {  	_ =	sdelay $0x2  }
0xe6: {  	v0 =	vadd.f32 v1, v0;
	v1 =	vadd.f32 v2, v5  }
0xe7: {  	v2 =	vadd.f32 v3, v6;
	v3 =	vadd.f32 v4, v7;
	_ =	sdelay $0x1  }
0xe8: {  	v1 =	vadd.f32 v2, v1;
	v0 =	vadd.f32 v0, v3;
	_ =	sdelay $0x1  }
0xe9: {  	v0 =	vadd.f32 v0, v1;
	_ =	sdelay $0x1  }
0xea: {  	s19 =	simm.s32 $0x0;
	[tilespmem:s25+$0xDD60] =	vst v0  }
0xeb: {  	v1 =	vld [tilespmem:s19+$0x6830]  }
0xec: {  	v2 =	vld [tilespmem:s19+$0x6800]  }
0xed: {  	v5 =	vimm.f32 $0.0e+00;
	v3 =	vld [tilespmem:s19+$0x6810]  }
0xee: {  	s26 =	simm.s32 $0x100;
	v6 =	vimm.f32 $0.0e+00;
	v7 =	vimm.f32 $0.0e+00;
	v0 =	vimm.f32 $0.0e+00;
	v4 =	vld [tilespmem:s19+$0x6820]  }
.LBB2_17:
0xef: {  	p0 =	sne.s32 s26, $0x3300  }
.Ltmp7:
0xf0: {  	s19 =	sshra.s32 s26, $0x2;
	s26 =	sadd.s32 $0x100, s26;
	v0 =	vadd.f32 v1, v0;
	(pc) =	sbr.rel @p0 .LBB2_17-.Ltmp7, $4  }
0xf1: {  	v1 =	vld [tilespmem:s19+$0x6830];
	v5 =	vadd.f32 v2, v5  }
0xf2: {  	v2 =	vld [tilespmem:s19+$0x6800];
	v6 =	vadd.f32 v3, v6  }
0xf3: {  	v3 =	vld [tilespmem:s19+$0x6810];
	v7 =	vadd.f32 v4, v7  }
0xf4: {  	v4 =	vld [tilespmem:s19+$0x6820]  }
0xf5: {  	_ =	sdelay $0x2  }
0xf6: {  	v0 =	vadd.f32 v1, v0;
	v1 =	vadd.f32 v2, v5  }
0xf7: {  	s19 =	sshll.u32 s18, $0x1;
	v2 =	vadd.f32 v3, v6;
	v3 =	vadd.f32 v4, v7  }
0xf8: {  	s19 =	smin.u32 s19, $0x3C  }
0xf9: {  	s19 =	sshll.u32 s19, $0x3;
	v1 =	vadd.f32 v2, v1;
	v0 =	vadd.f32 v0, v3  }
0xfa: {  	s19 =	sadd.s32 s19, s7  }
0xfb: {  	s19 =	smul.u32 $0x1A, s19;
	v0 =	vadd.f32 v0, v1;
	_ =	sdelay $0x1  }
0xfc: {  	s26 =	simm.s32 $0x0;
	s19 =	sadd.s32 s4, s19;
	[tilespmem:s25+$0xDD70] =	vst v0  }
0xfd: {  	[tilespmem:s26], [sflag:$0x3] =	stream.linear.gather [hbm4b:s19+s26], $0x680, $0x38;
	[tilespmem:$0xFD00] =	vst v63  }
0xfe: {  	_ =	swait.ge [sflag:s10], $0x680  }
0xff: {  	[sflag:s10] =	ssyncset.done $0x0  }
0x100: {  	s19 =	simm.s32 $0xD00;
	[sflag:s10] =	ssyncadd.s32 $0xFFFFF980  }
0x101: {  	[tilespmem:s19], [sflag:$0x1] =	stream.indirect.gather [hbm4b:s1+s11], $0x10, s26, s11, $0xb8;
	[tilespmem:$0xFD00] =	vst v63  }
0x102: {  	s26 =	simm.s32 $0x1500  }
0x103: {  	[tilespmem:s26], [sflag:$0x1] =	stream.indirect.gather [hbm4b:s1+s11], $0x10, s11, s11, $0xb8;
	[tilespmem:$0xFD00] =	vst v63  }
0x104: {  	s19 =	simm.s32 $0x100;
	s26 =	simm.s32 $0x1D00  }
0x105: {  	[tilespmem:s26], [sflag:$0x1] =	stream.indirect.gather [hbm4b:s1+s11], $0x10, s19, s11, $0xb8;
	[tilespmem:$0xFD00] =	vst v63  }
0x106: {  	s19 =	simm.s32 $0x180;
	s26 =	simm.s32 $0x2500  }
0x107: {  	[tilespmem:s26], [sflag:$0x1] =	stream.indirect.gather [hbm4b:s1+s11], $0x10, s19, s11, $0xb8;
	[tilespmem:$0xFD00] =	vst v63  }
0x108: {  	s19 =	simm.s32 $0x200;
	s26 =	simm.s32 $0x2D00  }
0x109: {  	[tilespmem:s26], [sflag:$0x1] =	stream.indirect.gather [hbm4b:s1+s11], $0x10, s19, s11, $0xb8;
	[tilespmem:$0xFD00] =	vst v63  }
0x10a: {  	s19 =	simm.s32 $0x280;
	s26 =	simm.s32 $0x3500  }
0x10b: {  	[tilespmem:s26], [sflag:$0x1] =	stream.indirect.gather [hbm4b:s1+s11], $0x10, s19, s11, $0xb8;
	[tilespmem:$0xFD00] =	vst v63  }
0x10c: {  	s19 =	simm.s32 $0x300;
	s26 =	simm.s32 $0x3D00  }
0x10d: {  	[tilespmem:s26], [sflag:$0x1] =	stream.indirect.gather [hbm4b:s1+s11], $0x10, s19, s11, $0xb8;
	[tilespmem:$0xFD00] =	vst v63  }
0x10e: {  	s19 =	simm.s32 $0x380;
	s26 =	simm.s32 $0x4500  }
0x10f: {  	[tilespmem:s26], [sflag:$0x1] =	stream.indirect.gather [hbm4b:s1+s11], $0x10, s19, s11, $0xb8;
	[tilespmem:$0xFD00] =	vst v63  }
0x110: {  	s26 =	simm.s32 $0x400  }
0x111: {  	[tilespmem:s28], [sflag:$0x1] =	stream.indirect.gather [hbm4b:s1+s11], $0x10, s26, s11, $0xb8;
	[tilespmem:$0xFD00] =	vst v63  }
0x112: {  	_ = 	snop  }
0x113: {  	[tilespmem:s30], [sflag:$0x1] =	stream.indirect.gather [hbm4b:s1+s11], $0x10, s29, s11, $0xb8;
	[tilespmem:$0xFD00] =	vst v63  }
0x114: {  	_ = 	snop  }
0x115: {  	[tilespmem:s0], [sflag:$0x1] =	stream.indirect.gather [hbm4b:s1+s11], $0x10, s31, s11, $0xb8;
	[tilespmem:$0xFD00] =	vst v63  }
0x116: {  	_ = 	snop  }
0x117: {  	[tilespmem:s6], [sflag:$0x1] =	stream.indirect.gather [hbm4b:s1+s11], $0x10, s2, s11, $0xb8;
	[tilespmem:$0xFD00] =	vst v63  }
0x118: {  	_ = 	snop  }
0x119: {  	[tilespmem:s9], [sflag:$0x1] =	stream.indirect.gather [hbm4b:s1+s11], $0x10, s8, s11, $0xb8;
	[tilespmem:$0xFD00] =	vst v63  }
0x11a: {  	_ =	swait.ge [sflag:s24], $0x800  }
0x11b: {  	[sflag:s24] =	ssyncset.done $0x0  }
0x11c: {  	[sflag:s24] =	ssyncadd.s32 $0xFFFFF800  }
0x11d: {  	_ =	swait.ge [sflag:s24], $0x800  }
0x11e: {  	[sflag:s24] =	ssyncset.done $0x0  }
0x11f: {  	[sflag:s24] =	ssyncadd.s32 $0xFFFFF800  }
0x120: {  	_ =	swait.ge [sflag:s24], $0x800  }
0x121: {  	[sflag:s24] =	ssyncset.done $0x0  }
0x122: {  	[sflag:s24] =	ssyncadd.s32 $0xFFFFF800  }
0x123: {  	_ =	swait.ge [sflag:s24], $0x800  }
0x124: {  	[sflag:s24] =	ssyncset.done $0x0  }
0x125: {  	[sflag:s24] =	ssyncadd.s32 $0xFFFFF800  }
0x126: {  	_ =	swait.ge [sflag:s24], $0x800  }
0x127: {  	[sflag:s24] =	ssyncset.done $0x0  }
0x128: {  	[sflag:s24] =	ssyncadd.s32 $0xFFFFF800  }
0x129: {  	_ =	swait.ge [sflag:s24], $0x800  }
0x12a: {  	[sflag:s24] =	ssyncset.done $0x0  }
0x12b: {  	[sflag:s24] =	ssyncadd.s32 $0xFFFFF800  }
0x12c: {  	_ =	swait.ge [sflag:s24], $0x800  }
0x12d: {  	[sflag:s24] =	ssyncset.done $0x0  }
0x12e: {  	[sflag:s24] =	ssyncadd.s32 $0xFFFFF800  }
0x12f: {  	_ =	swait.ge [sflag:s24], $0x800  }
0x130: {  	[sflag:s24] =	ssyncset.done $0x0  }
0x131: {  	[sflag:s24] =	ssyncadd.s32 $0xFFFFF800  }
0x132: {  	_ =	swait.ge [sflag:s24], $0x800  }
0x133: {  	[sflag:s24] =	ssyncset.done $0x0  }
0x134: {  	[sflag:s24] =	ssyncadd.s32 $0xFFFFF800  }
0x135: {  	_ =	swait.ge [sflag:s24], $0x800  }
0x136: {  	[sflag:s24] =	ssyncset.done $0x0  }
0x137: {  	[sflag:s24] =	ssyncadd.s32 $0xFFFFF800  }
0x138: {  	_ =	swait.ge [sflag:s24], $0x800  }
0x139: {  	[sflag:s24] =	ssyncset.done $0x0  }
0x13a: {  	[sflag:s24] =	ssyncadd.s32 $0xFFFFF800  }
0x13b: {  	_ =	swait.ge [sflag:s24], $0x800  }
0x13c: {  	[sflag:s24] =	ssyncset.done $0x0  }
0x13d: {  	[sflag:s24] =	ssyncadd.s32 $0xFFFFF800  }
0x13e: {  	_ =	swait.ge [sflag:s24], $0x800  }
0x13f: {  	[sflag:s24] =	ssyncset.done $0x0  }
0x140: {  	s26 =	simm.s32 $0x0;
	[sflag:s24] =	ssyncadd.s32 $0xFFFFF800  }
0x141: {  	v1 =	vld [tilespmem:s26+$0x7530]  }
0x142: {  	v2 =	vld [tilespmem:s26+$0x7500]  }
0x143: {  	v5 =	vimm.f32 $0.0e+00;
	v3 =	vld [tilespmem:s26+$0x7510]  }
0x144: {  	v6 =	vimm.f32 $0.0e+00;
	v7 =	vimm.f32 $0.0e+00;
	v0 =	vimm.f32 $0.0e+00;
	v4 =	vld [tilespmem:s26+$0x7520];
	s26 =	simm.s32 $0x100  }
.LBB2_19:
0x145: {  	p0 =	sne.s32 s26, $0x3300  }
.Ltmp8:
0x146: {  	s19 =	sshra.s32 s26, $0x2;
	s26 =	sadd.s32 $0x100, s26;
	v0 =	vadd.f32 v1, v0;
	(pc) =	sbr.rel @p0 .LBB2_19-.Ltmp8, $4  }
0x147: {  	v1 =	vld [tilespmem:s19+$0x7530];
	v5 =	vadd.f32 v2, v5  }
0x148: {  	v2 =	vld [tilespmem:s19+$0x7500];
	v6 =	vadd.f32 v3, v6  }
0x149: {  	v3 =	vld [tilespmem:s19+$0x7510];
	v7 =	vadd.f32 v4, v7  }
0x14a: {  	v4 =	vld [tilespmem:s19+$0x7520]  }
0x14b: {  	_ =	sdelay $0x2  }
0x14c: {  	v0 =	vadd.f32 v1, v0;
	v1 =	vadd.f32 v2, v5  }
0x14d: {  	v2 =	vadd.f32 v3, v6;
	v3 =	vadd.f32 v4, v7;
	_ =	sdelay $0x1  }
0x14e: {  	v1 =	vadd.f32 v2, v1;
	v0 =	vadd.f32 v0, v3;
	_ =	sdelay $0x1  }
0x14f: {  	s15 =	sshll.u32 s15, $0x4;
	v0 =	vadd.f32 v0, v1  }
0x150: {  	s15 =	sand.u32 $0x3FFFFFF0, s15  }
0x151: {  	s19 =	simm.s32 $0x0;
	[tilespmem:s15+$0xDD00] =	vst v0  }
0x152: {  	v1 =	vld [tilespmem:s19+$0x8230]  }
0x153: {  	v2 =	vld [tilespmem:s19+$0x8200]  }
0x154: {  	v5 =	vimm.f32 $0.0e+00;
	v3 =	vld [tilespmem:s19+$0x8210]  }
0x155: {  	v6 =	vimm.f32 $0.0e+00;
	v7 =	vimm.f32 $0.0e+00;
	v0 =	vimm.f32 $0.0e+00;
	s15 =	simm.s32 $0x100;
	v4 =	vld [tilespmem:s19+$0x8220]  }
.LBB2_21:
0x156: {  	p0 =	sne.s32 s15, $0x3300  }
.Ltmp9:
0x157: {  	s19 =	sshra.s32 s15, $0x2;
	s15 =	sadd.s32 $0x100, s15;
	v0 =	vadd.f32 v1, v0;
	(pc) =	sbr.rel @p0 .LBB2_21-.Ltmp9, $4  }
0x158: {  	v1 =	vld [tilespmem:s19+$0x8230];
	v5 =	vadd.f32 v2, v5  }
0x159: {  	v2 =	vld [tilespmem:s19+$0x8200];
	v6 =	vadd.f32 v3, v6  }
0x15a: {  	v3 =	vld [tilespmem:s19+$0x8210];
	v7 =	vadd.f32 v4, v7  }
0x15b: {  	v4 =	vld [tilespmem:s19+$0x8220]  }
0x15c: {  	_ =	sdelay $0x2  }
0x15d: {  	v0 =	vadd.f32 v1, v0;
	v1 =	vadd.f32 v2, v5  }
0x15e: {  	v2 =	vadd.f32 v3, v6;
	v3 =	vadd.f32 v4, v7;
	_ =	sdelay $0x1  }
0x15f: {  	v1 =	vadd.f32 v2, v1;
	v0 =	vadd.f32 v0, v3;
	_ =	sdelay $0x1  }
0x160: {  	v0 =	vadd.f32 v0, v1;
	_ =	sdelay $0x1  }
0x161: {  	s19 =	simm.s32 $0x0;
	[tilespmem:s25+$0xDD90] =	vst v0  }
0x162: {  	v1 =	vld [tilespmem:s19+$0x8F30]  }
0x163: {  	v2 =	vld [tilespmem:s19+$0x8F00]  }
0x164: {  	v5 =	vimm.f32 $0.0e+00;
	v3 =	vld [tilespmem:s19+$0x8F10]  }
0x165: {  	s15 =	simm.s32 $0x100;
	v6 =	vimm.f32 $0.0e+00;
	v7 =	vimm.f32 $0.0e+00;
	v0 =	vimm.f32 $0.0e+00;
	v4 =	vld [tilespmem:s19+$0x8F20]  }
.LBB2_23:
0x166: {  	p0 =	sne.s32 s15, $0x3300  }
.Ltmp10:
0x167: {  	s19 =	sshra.s32 s15, $0x2;
	s15 =	sadd.s32 $0x100, s15;
	v0 =	vadd.f32 v1, v0;
	(pc) =	sbr.rel @p0 .LBB2_23-.Ltmp10, $4  }
0x168: {  	v1 =	vld [tilespmem:s19+$0x8F30];
	v5 =	vadd.f32 v2, v5  }
0x169: {  	v2 =	vld [tilespmem:s19+$0x8F00];
	v6 =	vadd.f32 v3, v6  }
0x16a: {  	v3 =	vld [tilespmem:s19+$0x8F10];
	v7 =	vadd.f32 v4, v7  }
0x16b: {  	v4 =	vld [tilespmem:s19+$0x8F20]  }
0x16c: {  	_ =	sdelay $0x2  }
0x16d: {  	v0 =	vadd.f32 v1, v0;
	v1 =	vadd.f32 v2, v5  }
0x16e: {  	v2 =	vadd.f32 v3, v6;
	v3 =	vadd.f32 v4, v7;
	_ =	sdelay $0x1  }
0x16f: {  	v1 =	vadd.f32 v2, v1;
	v0 =	vadd.f32 v0, v3;
	_ =	sdelay $0x1  }
0x170: {  	v0 =	vadd.f32 v0, v1;
	_ =	sdelay $0x1  }
0x171: {  	s19 =	simm.s32 $0x0;
	[tilespmem:s25+$0xDDA0] =	vst v0  }
0x172: {  	v1 =	vld [tilespmem:s19+$0x9C30]  }
0x173: {  	v2 =	vld [tilespmem:s19+$0x9C00]  }
0x174: {  	v5 =	vimm.f32 $0.0e+00;
	v3 =	vld [tilespmem:s19+$0x9C10]  }
0x175: {  	s15 =	simm.s32 $0x100;
	v6 =	vimm.f32 $0.0e+00;
	v7 =	vimm.f32 $0.0e+00;
	v0 =	vimm.f32 $0.0e+00;
	v4 =	vld [tilespmem:s19+$0x9C20]  }
.LBB2_25:
0x176: {  	p0 =	sne.s32 s15, $0x3300  }
.Ltmp11:
0x177: {  	s19 =	sshra.s32 s15, $0x2;
	s15 =	sadd.s32 $0x100, s15;
	v0 =	vadd.f32 v1, v0;
	(pc) =	sbr.rel @p0 .LBB2_25-.Ltmp11, $4  }
0x178: {  	v1 =	vld [tilespmem:s19+$0x9C30];
	v5 =	vadd.f32 v2, v5  }
0x179: {  	v2 =	vld [tilespmem:s19+$0x9C00];
	v6 =	vadd.f32 v3, v6  }
0x17a: {  	v3 =	vld [tilespmem:s19+$0x9C10];
	v7 =	vadd.f32 v4, v7  }
0x17b: {  	v4 =	vld [tilespmem:s19+$0x9C20]  }
0x17c: {  	_ =	sdelay $0x2  }
0x17d: {  	v0 =	vadd.f32 v1, v0;
	v1 =	vadd.f32 v2, v5  }
0x17e: {  	v2 =	vadd.f32 v3, v6;
	v3 =	vadd.f32 v4, v7;
	_ =	sdelay $0x1  }
0x17f: {  	v1 =	vadd.f32 v2, v1;
	v0 =	vadd.f32 v0, v3;
	_ =	sdelay $0x1  }
0x180: {  	v0 =	vadd.f32 v0, v1;
	_ =	sdelay $0x1  }
0x181: {  	s19 =	simm.s32 $0x0;
	[tilespmem:s25+$0xDDB0] =	vst v0  }
0x182: {  	v1 =	vld [tilespmem:s19+$0xA930]  }
0x183: {  	v2 =	vld [tilespmem:s19+$0xA900]  }
0x184: {  	v5 =	vimm.f32 $0.0e+00;
	v3 =	vld [tilespmem:s19+$0xA910]  }
0x185: {  	s15 =	simm.s32 $0x100;
	v6 =	vimm.f32 $0.0e+00;
	v7 =	vimm.f32 $0.0e+00;
	v0 =	vimm.f32 $0.0e+00;
	v4 =	vld [tilespmem:s19+$0xA920]  }
.LBB2_27:
0x186: {  	p0 =	sne.s32 s15, $0x3300  }
.Ltmp12:
0x187: {  	s19 =	sshra.s32 s15, $0x2;
	s15 =	sadd.s32 $0x100, s15;
	v0 =	vadd.f32 v1, v0;
	(pc) =	sbr.rel @p0 .LBB2_27-.Ltmp12, $4  }
0x188: {  	v1 =	vld [tilespmem:s19+$0xA930];
	v5 =	vadd.f32 v2, v5  }
0x189: {  	v2 =	vld [tilespmem:s19+$0xA900];
	v6 =	vadd.f32 v3, v6  }
0x18a: {  	v3 =	vld [tilespmem:s19+$0xA910];
	v7 =	vadd.f32 v4, v7  }
0x18b: {  	v4 =	vld [tilespmem:s19+$0xA920]  }
0x18c: {  	_ =	sdelay $0x2  }
0x18d: {  	v0 =	vadd.f32 v1, v0;
	v1 =	vadd.f32 v2, v5  }
0x18e: {  	v2 =	vadd.f32 v3, v6;
	v3 =	vadd.f32 v4, v7;
	_ =	sdelay $0x1  }
0x18f: {  	v1 =	vadd.f32 v2, v1;
	v0 =	vadd.f32 v0, v3;
	_ =	sdelay $0x1  }
0x190: {  	v0 =	vadd.f32 v0, v1;
	_ =	sdelay $0x1  }
0x191: {  	s19 =	simm.s32 $0x0;
	[tilespmem:s25+$0xDDC0] =	vst v0  }
0x192: {  	v1 =	vld [tilespmem:s19+$0xB630]  }
0x193: {  	v2 =	vld [tilespmem:s19+$0xB600]  }
0x194: {  	v5 =	vimm.f32 $0.0e+00;
	v3 =	vld [tilespmem:s19+$0xB610]  }
0x195: {  	s15 =	simm.s32 $0x100;
	v6 =	vimm.f32 $0.0e+00;
	v7 =	vimm.f32 $0.0e+00;
	v0 =	vimm.f32 $0.0e+00;
	v4 =	vld [tilespmem:s19+$0xB620]  }
.LBB2_29:
0x196: {  	p0 =	sne.s32 s15, $0x3300  }
.Ltmp13:
0x197: {  	s19 =	sshra.s32 s15, $0x2;
	s15 =	sadd.s32 $0x100, s15;
	v0 =	vadd.f32 v1, v0;
	(pc) =	sbr.rel @p0 .LBB2_29-.Ltmp13, $4  }
0x198: {  	v1 =	vld [tilespmem:s19+$0xB630];
	v5 =	vadd.f32 v2, v5  }
0x199: {  	v2 =	vld [tilespmem:s19+$0xB600];
	v6 =	vadd.f32 v3, v6  }
0x19a: {  	v3 =	vld [tilespmem:s19+$0xB610];
	v7 =	vadd.f32 v4, v7  }
0x19b: {  	v4 =	vld [tilespmem:s19+$0xB620]  }
0x19c: {  	_ =	sdelay $0x2  }
0x19d: {  	v0 =	vadd.f32 v1, v0;
	v1 =	vadd.f32 v2, v5  }
0x19e: {  	v2 =	vadd.f32 v3, v6;
	v3 =	vadd.f32 v4, v7;
	_ =	sdelay $0x1  }
0x19f: {  	v1 =	vadd.f32 v2, v1;
	v0 =	vadd.f32 v0, v3;
	_ =	sdelay $0x1  }
0x1a0: {  	v0 =	vadd.f32 v0, v1;
	_ =	sdelay $0x1  }
0x1a1: {  	s19 =	simm.s32 $0x0;
	[tilespmem:s25+$0xDDD0] =	vst v0  }
0x1a2: {  	v1 =	vld [tilespmem:s19+$0xC330]  }
0x1a3: {  	v2 =	vld [tilespmem:s19+$0xC300]  }
0x1a4: {  	v5 =	vimm.f32 $0.0e+00;
	v3 =	vld [tilespmem:s19+$0xC310]  }
0x1a5: {  	s15 =	simm.s32 $0x100;
	v6 =	vimm.f32 $0.0e+00;
	v7 =	vimm.f32 $0.0e+00;
	v0 =	vimm.f32 $0.0e+00;
	v4 =	vld [tilespmem:s19+$0xC320]  }
.LBB2_31:
0x1a6: {  	p0 =	sne.s32 s15, $0x3300  }
.Ltmp14:
0x1a7: {  	s19 =	sshra.s32 s15, $0x2;
	s15 =	sadd.s32 $0x100, s15;
	v0 =	vadd.f32 v1, v0;
	(pc) =	sbr.rel @p0 .LBB2_31-.Ltmp14, $4  }
0x1a8: {  	v1 =	vld [tilespmem:s19+$0xC330];
	v5 =	vadd.f32 v2, v5  }
0x1a9: {  	v2 =	vld [tilespmem:s19+$0xC300];
	v6 =	vadd.f32 v3, v6  }
0x1aa: {  	v3 =	vld [tilespmem:s19+$0xC310];
	v7 =	vadd.f32 v4, v7  }
0x1ab: {  	v4 =	vld [tilespmem:s19+$0xC320]  }
0x1ac: {  	_ =	sdelay $0x2  }
0x1ad: {  	v0 =	vadd.f32 v1, v0;
	v1 =	vadd.f32 v2, v5  }
0x1ae: {  	v2 =	vadd.f32 v3, v6;
	v3 =	vadd.f32 v4, v7;
	_ =	sdelay $0x1  }
0x1af: {  	v1 =	vadd.f32 v2, v1;
	v0 =	vadd.f32 v0, v3;
	_ =	sdelay $0x1  }
0x1b0: {  	v0 =	vadd.f32 v0, v1;
	_ =	sdelay $0x1  }
0x1b1: {  	s19 =	simm.s32 $0x0;
	[tilespmem:s25+$0xDDE0] =	vst v0  }
0x1b2: {  	v1 =	vld [tilespmem:s19+$0xD030]  }
0x1b3: {  	v2 =	vld [tilespmem:s19+$0xD000]  }
0x1b4: {  	v5 =	vimm.f32 $0.0e+00;
	v3 =	vld [tilespmem:s19+$0xD010]  }
0x1b5: {  	s15 =	simm.s32 $0x100;
	v6 =	vimm.f32 $0.0e+00;
	v7 =	vimm.f32 $0.0e+00;
	v0 =	vimm.f32 $0.0e+00;
	v4 =	vld [tilespmem:s19+$0xD020]  }
.LBB2_33:
0x1b6: {  	p0 =	sne.s32 s15, $0x3300  }
.Ltmp15:
0x1b7: {  	s19 =	sshra.s32 s15, $0x2;
	s15 =	sadd.s32 $0x100, s15;
	v0 =	vadd.f32 v1, v0;
	(pc) =	sbr.rel @p0 .LBB2_33-.Ltmp15, $4  }
0x1b8: {  	v1 =	vld [tilespmem:s19+$0xD030];
	v5 =	vadd.f32 v2, v5  }
0x1b9: {  	v2 =	vld [tilespmem:s19+$0xD000];
	v6 =	vadd.f32 v3, v6  }
0x1ba: {  	v3 =	vld [tilespmem:s19+$0xD010];
	v7 =	vadd.f32 v4, v7  }
0x1bb: {  	v4 =	vld [tilespmem:s19+$0xD020]  }
0x1bc: {  	_ =	sdelay $0x2  }
0x1bd: {  	v0 =	vadd.f32 v1, v0;
	v61 =	vadd.f32 v2, v5  }
0x1be: {  	s18 =	sadd.s32 $0x1, s18;
	v62 =	vadd.f32 v3, v6;
	v63 =	vadd.f32 v4, v7  }
0x1bf: {  	p0 =	sne.s32 s18, $0x20  }
.Ltmp16:
0x1c0: {  	v1 =	vadd.f32 v62, v61;
	v0 =	vadd.f32 v0, v63;
	(pc) =	sbr.rel @p0 .LBB2_2-.Ltmp16, $3  }
0x1c1: {  	_ = 	snop  }
0x1c2: {  	v0 =	vadd.f32 v0, v1;
	_ =	sdelay $0x1  }
0x1c3: {  	[tilespmem:s25+$0xDDF0] =	vst v0  }
0x1c4: {  	_ =	swait.ge [sflag:s13], $0x800  }
0x1c5: {  	[sflag:s13] =	ssyncset.done $0x0  }
0x1c6: {  	[sflag:s13] =	ssyncadd.s32 $0xFFFFF800  }
0x1c7: {  	_ =	swait.ge [sflag:s13], $0x800  }
0x1c8: {  	[sflag:s13] =	ssyncset.done $0x0  }
0x1c9: {  	[sflag:s13] =	ssyncadd.s32 $0xFFFFF800  }
0x1ca: {  	_ =	swait.ge [sflag:s13], $0x800  }
0x1cb: {  	[sflag:s13] =	ssyncset.done $0x0  }
0x1cc: {  	[sflag:s13] =	ssyncadd.s32 $0xFFFFF800  }
0x1cd: {  	_ =	swait.ge [sflag:s13], $0x800  }
0x1ce: {  	[sflag:s13] =	ssyncset.done $0x0  }
0x1cf: {  	[sflag:s13] =	ssyncadd.s32 $0xFFFFF800  }
0x1d0: {  	_ =	swait.ge [sflag:s13], $0x800  }
0x1d1: {  	[sflag:s13] =	ssyncset.done $0x0  }
0x1d2: {  	[sflag:s13] =	ssyncadd.s32 $0xFFFFF800  }
0x1d3: {  	_ =	swait.ge [sflag:s13], $0x800  }
0x1d4: {  	[sflag:s13] =	ssyncset.done $0x0  }
0x1d5: {  	[sflag:s13] =	ssyncadd.s32 $0xFFFFF800  }
0x1d6: {  	_ =	swait.ge [sflag:s13], $0x800  }
0x1d7: {  	[sflag:s13] =	ssyncset.done $0x0  }
0x1d8: {  	[sflag:s13] =	ssyncadd.s32 $0xFFFFF800  }
0x1d9: {  	_ =	swait.ge [sflag:s13], $0x800  }
0x1da: {  	[sflag:s13] =	ssyncset.done $0x0  }
0x1db: {  	[sflag:s13] =	ssyncadd.s32 $0xFFFFF800  }
0x1dc: {  	_ =	swait.ge [sflag:s13], $0x800  }
0x1dd: {  	[sflag:s13] =	ssyncset.done $0x0  }
0x1de: {  	[sflag:s13] =	ssyncadd.s32 $0xFFFFF800  }
0x1df: {  	_ =	swait.ge [sflag:s13], $0x800  }
0x1e0: {  	[sflag:s13] =	ssyncset.done $0x0  }
0x1e1: {  	[sflag:s13] =	ssyncadd.s32 $0xFFFFF800  }
0x1e2: {  	_ =	swait.ge [sflag:s13], $0x800  }
0x1e3: {  	[sflag:s13] =	ssyncset.done $0x0  }
0x1e4: {  	[sflag:s13] =	ssyncadd.s32 $0xFFFFF800  }
0x1e5: {  	_ =	swait.ge [sflag:s13], $0x800  }
0x1e6: {  	[sflag:s13] =	ssyncset.done $0x0  }
0x1e7: {  	[sflag:s13] =	ssyncadd.s32 $0xFFFFF800  }
0x1e8: {  	_ =	swait.ge [sflag:s13], $0x800  }
0x1e9: {  	s15 =	simm.s32 $0x0;
	[sflag:s13] =	ssyncset.done $0x0  }
0x1ea: {  	s19 =	simm.s32 $0xDD00;
	s18 =	rddreg [dreg:$0x4];
	[sflag:s13] =	ssyncadd.s32 $0xFFFFF800  }
0x1eb: {  	[hbm4b:s18+s15] =	stream.linear.scatter [tilespmem:s19], [sflag:$0x3], $0x2000, $0x38;
	[tilespmem:$0xFD00] =	vst v63  }
0x1ec: {  	_ =	swait.ge [sflag:s10], $0x2000  }
0x1ed: {  	s25 =	rddreg [dreg:$0x6]  }
0x1ee: {  	s26 =	rddreg [dreg:$0x5];
	s19 =	sadd.s32 $0x1, s25  }
0x1ef: {  	p0 =	sne.s32 s19, s26  }
.Ltmp17:
0x1f0: {  	_ = 	snop;
	(pc) =	sbr.rel @p0 .LBB2_1-.Ltmp17, $3  }
0x1f1: {  	_ =	sdelay $0x1  }
0x1f2: {  	[sflag:s10] =	ssyncset.done $0x0  }
0x1f3: {  	[sflag:s10] =	ssyncadd.s32 $0xFFFFE000  }
0x1f4: {  	_ =	sfence.sel $0x180000  }
0x1f5: {  	[bflag:$0x0] =	sbarrier.arrive $0xFFFF  }
0x1f6: {  	_ =	strace $0x90000047  }
0x1f7: {  	s0 =	stileid.u32;
	[bflag:$0x2] =	sbarrier.arrive $0xFFFF  }
0x1f8: {  	p0 =	sne.s32 s0, $0x0;
	s0 =	rddreg [dreg:$0x2]  }
0x1f9: {  	s0 =	sadd.s32 @!p0 $0x100000, s0  }
0x1fa: {  	[sflag:s0] =	ssyncadd.tile.s32 @!p0 $0x1;
	_ =	shalt  }
.Lfunc_end2:
_tile_overlayer_lowered:
.L_overlay_start_2:
0x1fb: {  	(tag) =	ssettag $0x2  }
0x1fc: {  	s0 =	rddreg [dreg:$0x0];
	s2 =	stileid.u32  }
0x1fd: {  	s1 =	rddreg [dreg:$0x1];
	p0 =	sne.s32 s2, $0x0  }
0x1fe: {  	s3 =	rddreg [dreg:$0x2];
	[bflag:$0x3] =	sbarrier.arrive $0xFFFF;
	s2 =	simm.s32 @!p0 $0x1C03  }
0x1ff: {  	[timem:s3], [sflag:s2] =	dma.local @!p0 [hbm:s0], s1  }
0x200: {  	s0 =	simm.s32 @!p0 $0x3  }
0x201: {  	_ =	swait.ge @!p0 [sflag:s0], s1  }
0x202: {  	s1 =	ssub.s32 @!p0 $0x0, s1;
	[sflag:s0] =	ssyncset.done @!p0 $0x0  }
0x203: {  	[sflag:s0] =	ssyncadd.s32 @!p0 s1  }
0x204: {  	[bflag:$0x3] =	sbarrier.arrive $0xFFFF  }
0x205: {  	_ =	shalt  }

</sc_bundles>
